<compile_context>
chip_gen: v7x
topology: tpu7x:2x2x1
jax: 0.10.2.dev20260603
libtpu: 0.0.44.dev20260713+nightly
codegen_flags: <defaults>
</compile_context>

<pallas_src>
import jax
import jax.numpy as jnp
from jax import lax
from jax.experimental import pallas as pl
from jax.experimental.pallas import tpu as pltpu
from jax.experimental.pallas import tpu_sc as plsc

V = 1000
B = 4096
T = 50
N = B * T

_info = plsc.get_sparse_core_info()
NC = _info.num_cores
NS = _info.num_subcores
NW = NC * NS
PER_B = B // NW
PER_W = N // NW
NGRP = PER_W // 16
NBLK = PER_W // 128
BSUB = 32
NSUB = PER_B // BSUB
NCH = T * NSUB
NK = 8
BB = 2048


def _lse_body(table_ref, lse_ref):
    x = table_ref[...]
    m = jnp.max(x, axis=1, keepdims=True)
    s = jnp.sum(jnp.exp(x - m), axis=1, keepdims=True)
    lse_ref[...] = (m + jnp.log(s))[:, 0]


def _loss_body(part_ref, loss_ref):
    loss_ref[...] = jnp.sum(part_ref[...], keepdims=True).reshape(1, 1) / N


def _split_body(planes_ref, out_ref):
    x = planes_ref[...]
    for k in range(NK - 1):
        out_ref[0, pl.ds(k * 128, 128), :] = jnp.transpose(x[k])
    out_ref[0, pl.ds(896, 104), :] = jnp.transpose(x[NK - 1])[:104]


def _sc_body(table_hbm, tflat_hbm, ixt_hbm, ixf_hbm, tgf_hbm, lse_hbm,
             out_hbm, part_hbm,
             ixt_v, ixf_v, tgf_v, vals_v, rows0_v, rows1_v, lse_v, acc_v,
             gsem0, gsem1, wsem0, wsem1, lsem):
    wid = lax.axis_index("s") * NC + lax.axis_index("c")
    bbase = wid * PER_B
    base = wid * PER_W

    rows = (rows0_v, rows1_v)
    gsem = (gsem0, gsem1)
    wsem = (wsem0, wsem1)

    def g_copy(c, b):
        t = c // NSUB
        jj = c % NSUB
        return pltpu.make_async_copy(
            table_hbm.at[ixt_v.at[t, pl.ds(jj * BSUB, BSUB)]],
            rows[b], gsem[b])

    def w_copies(c, b):
        t = c // NSUB
        jj = c % NSUB
        off = t * B + bbase + jj * BSUB
        res = []
        for k in range(NK - 1):
            res.append(pltpu.make_async_copy(
                rows[b].at[:, pl.ds(k * 128, 128)],
                out_hbm.at[k, pl.ds(off, BSUB)], wsem[b]))
        res.append(pltpu.make_async_copy(
            rows[b].at[:, pl.ds(896, 104)],
            out_hbm.at[NK - 1, pl.ds(off, BSUB), pl.ds(0, 104)], wsem[b]))
        return res

    def w_start(c, b):
        for cp in w_copies(c, b):
            cp.start()

    def w_wait(c, b):
        for cp in w_copies(c, b):
            cp.wait()

    pltpu.sync_copy(ixt_hbm.at[:, pl.ds(bbase, PER_B)], ixt_v)
    g_copy(0, 0).start()
    pltpu.sync_copy(ixf_hbm.at[pl.ds(base, PER_W)], ixf_v)
    pltpu.sync_copy(tgf_hbm.at[pl.ds(base, PER_W)], tgf_v)
    pltpu.sync_copy(lse_hbm, lse_v)
    acc_v[...] = jnp.zeros((16,), jnp.float32)

    def l1(g, carry):
        off = g * 16
        ixg = ixf_v[pl.ds(off, 16)]
        tgg = tgf_v[pl.ds(off, 16)]
        acc_v[...] = acc_v[...] + plsc.load_gather(lse_v, [ixg])
        ixf_v[pl.ds(off, 16)] = ixg * V + tgg
        return carry

    lax.fori_loop(0, NGRP, l1, 0)

    def l2(k, carry):
        pltpu.make_async_copy(
            tflat_hbm.at[ixf_v.at[pl.ds(k * 128, 128)]],
            vals_v.at[pl.ds(k * 128, 128)], lsem).start()
        return carry

    lax.fori_loop(0, NBLK, l2, 0)

    g_copy(0, 0).wait()
    w_start(0, 0)
    g_copy(1, 1).start()

    def body(g, carry):
        c1 = 2 * g + 1
        g_copy(c1, 1).wait()
        w_start(c1, 1)
        w_wait(c1 - 1, 0)
        g_copy(c1 + 1, 0).start()
        c2 = 2 * g + 2
        g_copy(c2, 0).wait()
        w_start(c2, 0)
        w_wait(c2 - 1, 1)
        g_copy(c2 + 1, 1).start()
        return carry

    lax.fori_loop(0, NCH // 2 - 1, body, 0)
    g_copy(NCH - 1, 1).wait()
    w_start(NCH - 1, 1)
    w_wait(NCH - 2, 0)
    w_wait(NCH - 1, 1)

    def l3(k, carry):
        pltpu.make_async_copy(
            tflat_hbm.at[ixf_v.at[pl.ds(k * 128, 128)]],
            vals_v.at[pl.ds(k * 128, 128)], lsem).wait()
        return carry

    lax.fori_loop(0, NBLK, l3, 0)

    def l4(g, carry):
        acc_v[...] = acc_v[...] - vals_v[pl.ds(g * 16, 16)]
        return carry

    lax.fori_loop(0, NGRP, l4, 0)
    pltpu.sync_copy(acc_v, part_hbm.at[wid])


def kernel(table, ix, target):
    lse = pl.pallas_call(
        _lse_body,
        out_shape=jax.ShapeDtypeStruct((V,), jnp.float32),
    )(table)

    mesh = plsc.VectorSubcoreMesh(core_axis_name="c", subcore_axis_name="s")
    sc = pl.kernel(
        _sc_body,
        mesh=mesh,
        out_type=[
            jax.ShapeDtypeStruct((NK, N, 128), jnp.float32),
            jax.ShapeDtypeStruct((NW, 16), jnp.float32),
        ],
        scratch_types=[
            pltpu.VMEM((T, PER_B), jnp.int32),
            pltpu.VMEM((PER_W,), jnp.int32),
            pltpu.VMEM((PER_W,), jnp.int32),
            pltpu.VMEM((PER_W,), jnp.float32),
            pltpu.VMEM((BSUB, V), jnp.float32),
            pltpu.VMEM((BSUB, V), jnp.float32),
            pltpu.VMEM((V,), jnp.float32),
            pltpu.VMEM((16,), jnp.float32),
            pltpu.SemaphoreType.DMA,
            pltpu.SemaphoreType.DMA,
            pltpu.SemaphoreType.DMA,
            pltpu.SemaphoreType.DMA,
            pltpu.SemaphoreType.DMA,
        ],
        compiler_params=pltpu.CompilerParams(
            use_tc_tiling_on_sc=False, needs_layout_passes=False
        ),
    )
    tflat = jnp.pad(table.reshape(V * V), (0, 8))
    planes, partials = sc(
        table, tflat, ix.T, ix.reshape(N), target.reshape(N), lse
    )

    out_tcb = pl.pallas_call(
        _split_body,
        grid=(T, B // BB),
        in_specs=[pl.BlockSpec(
            (NK, BB, 128), lambda t, j: (0, t * (B // BB) + j, 0))],
        out_specs=pl.BlockSpec((1, V, BB), lambda t, j: (t, 0, j)),
        out_shape=jax.ShapeDtypeStruct((T, V, B), jnp.float32),
    )(planes)
    logits = jnp.transpose(out_tcb, (2, 0, 1))

    loss2d = pl.pallas_call(
        _loss_body,
        out_shape=jax.ShapeDtypeStruct((1, 1), jnp.float32),
    )(partials)

    return logits, loss2d[0, 0]

# --- scband reference (transcript-rebuilt; emitter-appended) ---
"""Pipeline reference for scband-bigram-lm-53008486367891 (READ-ONLY COPY).

The authoritative reference and input builder live on the scoring server;
editing this copy changes nothing except your own understanding.
"""

import jax, jax.numpy as jnp
import numpy as np

V = 1000
B = 4096
T = 50


def setup_inputs(seed: int = 0) -> dict:
    key = jax.random.key(seed)
    k1, k2, k3 = jax.random.split(key, 3)
    table = jax.random.normal(k1, (V, V), dtype=jnp.float32) * 0.02
    ix = jax.random.randint(k2, (B, T), 0, V, dtype=jnp.int32)
    target = jax.random.randint(k3, (B, T), 0, V, dtype=jnp.int32)
    return {"table": table, "ix": ix, "target": target}


def reference(table, ix, target):
    # logits = self.token_embeddings(ix)
    logits = jnp.take(table, ix, axis=0)  # [B, T, C]
    Bb, Tt, C = logits.shape
    flat_logits = logits.reshape(Bb * Tt, C)
    flat_target = target.reshape(Bb * Tt)
    # F.cross_entropy == mean NLL of log_softmax
    logp = jax.nn.log_softmax(flat_logits, axis=-1)
    nll = -jnp.take_along_axis(logp, flat_target[:, None], axis=1)[:, 0]
    loss = jnp.mean(nll)
    return (logits, loss)

if __name__ == "__main__":
    import jax
    _d = setup_inputs()
    print(jax.jit(kernel)(*tuple(_d.values())))

</pallas_src>

<mosaic_0001>
#map = affine_map<(d0, d1) -> (0, 0)>
#map1 = affine_map<(d0, d1) -> (0)>
#map2 = affine_map<(d0, d1) -> (0, 0, 0)>
module attributes {stable_mosaic.version = 14 : i64} {
  func.func @_sc_body(%arg0: i32, %arg1: i32, %arg2: memref<1000x1000xf32, #tpu.memory_space<hbm>>, %arg3: memref<1000008xf32, #tpu.memory_space<hbm>>, %arg4: memref<50x4096xi32, #tpu.memory_space<hbm>>, %arg5: memref<204800xi32, #tpu.memory_space<hbm>>, %arg6: memref<204800xi32, #tpu.memory_space<hbm>>, %arg7: memref<1000xf32, #tpu.memory_space<hbm>>, %arg8: memref<8x204800x128xf32, #tpu.memory_space<hbm>>, %arg9: memref<32x16xf32, #tpu.memory_space<hbm>>, %arg10: memref<50x128xi32, #tpu.memory_space<vmem>>, %arg11: memref<6400xi32, #tpu.memory_space<vmem>>, %arg12: memref<6400xi32, #tpu.memory_space<vmem>>, %arg13: memref<6400xf32, #tpu.memory_space<vmem>>, %arg14: memref<32x1000xf32, #tpu.memory_space<vmem>>, %arg15: memref<32x1000xf32, #tpu.memory_space<vmem>>, %arg16: memref<1000xf32, #tpu.memory_space<vmem>>, %arg17: memref<16xf32, #tpu.memory_space<vmem>>, %arg18: memref<!tpu.dma_semaphore, #tpu.memory_space<semaphore_mem>>, %arg19: memref<!tpu.dma_semaphore, #tpu.memory_space<semaphore_mem>>, %arg20: memref<!tpu.dma_semaphore, #tpu.memory_space<semaphore_mem>>, %arg21: memref<!tpu.dma_semaphore, #tpu.memory_space<semaphore_mem>>, %arg22: memref<!tpu.dma_semaphore, #tpu.memory_space<semaphore_mem>>) attributes {dimension_semantics = [#tpu.dimension_semantics<core_parallel>, #tpu.dimension_semantics<subcore_parallel>], iteration_bounds = array<i64: 2, 16>, scalar_prefetch = 0 : i64, scratch_operands = 13 : i64, tpu.core_type = #tpu.core_type<sc_vector_subcore>, window_params = [{transform_indices = #map}, {transform_indices = #map1}, {transform_indices = #map}, {transform_indices = #map1}, {transform_indices = #map1}, {transform_indices = #map1}, {transform_indices = #map2}, {transform_indices = #map}]} {
    %mul3A = arith.constant 2 : i32
    %mul3A_0 = arith.muli %arg1, %mul3A : i32
    %add3A = arith.addi %mul3A_0, %arg0 : i32
    %mul3A_1 = arith.constant 128 : i32
    %mul3A_2 = arith.muli %add3A, %mul3A_1 : i32
    %mul3A_3 = arith.constant 6400 : i32
    %mul3A_4 = arith.muli %add3A, %mul3A_3 : i32
    "tpu.region"() ({
      %run_scoped3A = tpu.sem_alloc : memref<!tpu.dma_semaphore, #tpu.memory_space<semaphore_mem>>
      %dma_start3A_494 = arith.constant 0 : i32
      %dma_start3A_495 = tpu.memref_slice %arg4[%dma_start3A_494, %mul3A_2] : memref<50x4096xi32, #tpu.memory_space<hbm>> -> memref<50x128xi32, #tpu.memory_space<hbm>>
      %dma_start3A_496 = arith.constant 0 : i32
      %dma_start3A_497 = tpu.memref_slice %arg4[%dma_start3A_496, %mul3A_2] : memref<50x4096xi32, #tpu.memory_space<hbm>> -> memref<50x128xi32, #tpu.memory_space<hbm>>
      tpu.enqueue_dma source(%dma_start3A_497 : memref<50x128xi32, #tpu.memory_space<hbm>>) target(%arg10 : memref<50x128xi32, #tpu.memory_space<vmem>>) target_semaphore(%run_scoped3A : memref<!tpu.dma_semaphore, #tpu.memory_space<semaphore_mem>>)
      %dma_wait3A_498 = arith.constant 0 : i32
      %dma_wait3A_499 = tpu.memref_slice %arg4[%dma_wait3A_498, %mul3A_2] : memref<50x4096xi32, #tpu.memory_space<hbm>> -> memref<50x128xi32, #tpu.memory_space<hbm>>
      %dma_wait3A_500 = arith.constant 0 : i32
      %dma_wait3A_501 = tpu.memref_slice %arg4[%dma_wait3A_500, %mul3A_2] : memref<50x4096xi32, #tpu.memory_space<hbm>> -> memref<50x128xi32, #tpu.memory_space<hbm>>
      tpu.wait_dma2 semaphore(%run_scoped3A : memref<!tpu.dma_semaphore, #tpu.memory_space<semaphore_mem>>) src(%dma_wait3A_501 : memref<50x128xi32, #tpu.memory_space<hbm>>) dst(%arg10 : memref<50x128xi32, #tpu.memory_space<vmem>>)
      tpu.yield
    }) : () -> ()
    %dma_start3A = arith.constant 0 : i32
    %dma_start3A_5 = arith.constant 0 : i32
    %dma_start3A_6 = tpu.memref_slice %arg10[%dma_start3A, %dma_start3A_5] : memref<50x128xi32, #tpu.memory_space<vmem>> -> memref<1x32xi32, #tpu.memory_space<vmem>>
    %dma_start3A_7 = tpu.memref_squeeze %dma_start3A_6 : memref<1x32xi32, #tpu.memory_space<vmem>> -> memref<32xi32, #tpu.memory_space<vmem>>
    %dma_start3A_8 = arith.constant 0 : i32
    %dma_start3A_9 = arith.constant 0 : i32
    %dma_start3A_10 = tpu.memref_slice %arg2[%dma_start3A_8, %dma_start3A_9] : memref<1000x1000xf32, #tpu.memory_space<hbm>> -> memref<1000x1000xf32, #tpu.memory_space<hbm>>
    tpu.enqueue_indirect_dma source(%dma_start3A_10 : memref<1000x1000xf32, #tpu.memory_space<hbm>>) target(%arg14 : memref<32x1000xf32, #tpu.memory_space<vmem>>) offsets(%dma_start3A_7 : memref<32xi32, #tpu.memory_space<vmem>>) semaphore(%arg18 : memref<!tpu.dma_semaphore, #tpu.memory_space<semaphore_mem>>)
    "tpu.region"() ({
      %run_scoped3A = tpu.sem_alloc : memref<!tpu.dma_semaphore, #tpu.memory_space<semaphore_mem>>
      %dma_start3A_494 = tpu.memref_slice %arg5[%mul3A_4] : memref<204800xi32, #tpu.memory_space<hbm>> -> memref<6400xi32, #tpu.memory_space<hbm>>
      %dma_start3A_495 = tpu.memref_slice %arg5[%mul3A_4] : memref<204800xi32, #tpu.memory_space<hbm>> -> memref<6400xi32, #tpu.memory_space<hbm>>
      tpu.enqueue_dma source(%dma_start3A_495 : memref<6400xi32, #tpu.memory_space<hbm>>) target(%arg11 : memref<6400xi32, #tpu.memory_space<vmem>>) target_semaphore(%run_scoped3A : memref<!tpu.dma_semaphore, #tpu.memory_space<semaphore_mem>>)
      %dma_wait3A_496 = tpu.memref_slice %arg5[%mul3A_4] : memref<204800xi32, #tpu.memory_space<hbm>> -> memref<6400xi32, #tpu.memory_space<hbm>>
      %dma_wait3A_497 = tpu.memref_slice %arg5[%mul3A_4] : memref<204800xi32, #tpu.memory_space<hbm>> -> memref<6400xi32, #tpu.memory_space<hbm>>
      tpu.wait_dma2 semaphore(%run_scoped3A : memref<!tpu.dma_semaphore, #tpu.memory_space<semaphore_mem>>) src(%dma_wait3A_497 : memref<6400xi32, #tpu.memory_space<hbm>>) dst(%arg11 : memref<6400xi32, #tpu.memory_space<vmem>>)
      tpu.yield
    }) : () -> ()
    "tpu.region"() ({
      %run_scoped3A = tpu.sem_alloc : memref<!tpu.dma_semaphore, #tpu.memory_space<semaphore_mem>>
      %dma_start3A_494 = tpu.memref_slice %arg6[%mul3A_4] : memref<204800xi32, #tpu.memory_space<hbm>> -> memref<6400xi32, #tpu.memory_space<hbm>>
      %dma_start3A_495 = tpu.memref_slice %arg6[%mul3A_4] : memref<204800xi32, #tpu.memory_space<hbm>> -> memref<6400xi32, #tpu.memory_space<hbm>>
      tpu.enqueue_dma source(%dma_start3A_495 : memref<6400xi32, #tpu.memory_space<hbm>>) target(%arg12 : memref<6400xi32, #tpu.memory_space<vmem>>) target_semaphore(%run_scoped3A : memref<!tpu.dma_semaphore, #tpu.memory_space<semaphore_mem>>)
      %dma_wait3A_496 = tpu.memref_slice %arg6[%mul3A_4] : memref<204800xi32, #tpu.memory_space<hbm>> -> memref<6400xi32, #tpu.memory_space<hbm>>
      %dma_wait3A_497 = tpu.memref_slice %arg6[%mul3A_4] : memref<204800xi32, #tpu.memory_space<hbm>> -> memref<6400xi32, #tpu.memory_space<hbm>>
      tpu.wait_dma2 semaphore(%run_scoped3A : memref<!tpu.dma_semaphore, #tpu.memory_space<semaphore_mem>>) src(%dma_wait3A_497 : memref<6400xi32, #tpu.memory_space<hbm>>) dst(%arg12 : memref<6400xi32, #tpu.memory_space<vmem>>)
      tpu.yield
    }) : () -> ()
    "tpu.region"() ({
      %run_scoped3A = tpu.sem_alloc : memref<!tpu.dma_semaphore, #tpu.memory_space<semaphore_mem>>
      tpu.enqueue_dma source(%arg7 : memref<1000xf32, #tpu.memory_space<hbm>>) target(%arg16 : memref<1000xf32, #tpu.memory_space<vmem>>) target_semaphore(%run_scoped3A : memref<!tpu.dma_semaphore, #tpu.memory_space<semaphore_mem>>)
      tpu.wait_dma2 semaphore(%run_scoped3A : memref<!tpu.dma_semaphore, #tpu.memory_space<semaphore_mem>>) src(%arg7 : memref<1000xf32, #tpu.memory_space<hbm>>) dst(%arg16 : memref<1000xf32, #tpu.memory_space<vmem>>)
      tpu.yield
    }) : () -> ()
    %broadcast_in_dim3A = arith.constant 0.000000e+00 : f32
    %broadcast_in_dim3A_11 = vector.broadcast %broadcast_in_dim3A : f32 to vector<16xf32>
    %swap3A = arith.constant 0 : index
    %swap3A_12 = tpu.vector_load %arg17[%swap3A] {strides = array<i32>} : memref<16xf32, #tpu.memory_space<vmem>>, vector<16xf32>,
    tpu.vector_store %arg17[%swap3A], %broadcast_in_dim3A_11 {strides = array<i32>} : memref<16xf32, #tpu.memory_space<vmem>>, vector<16xf32>,
    %scan3A = arith.constant 0 : i32
    %scan3A_13 = arith.constant 0 : i32
    %scan3A_14 = arith.constant 400 : i32
    %scan3A_15 = arith.addi %scan3A_13, %scan3A_14 : i32
    %scan3A_16 = arith.constant 1 : i32
    scf.for %scan3A_494 = %scan3A_13 to %scan3A_15 step %scan3A_16  : i32 {
      %mul3A_495 = arith.constant 16 : i32
      %mul3A_496 = arith.muli %scan3A_494, %mul3A_495 : i32
      %get3A = arith.index_cast %mul3A_496 : i32 to index
      %get3A_497 = tpu.vector_load %arg11[%get3A] {strides = array<i32>} : memref<6400xi32, #tpu.memory_space<vmem>>, vector<16xi32>,
      %get3A_498 = arith.index_cast %mul3A_496 : i32 to index
      %get3A_499 = tpu.vector_load %arg12[%get3A_498] {strides = array<i32>} : memref<6400xi32, #tpu.memory_space<vmem>>, vector<16xi32>,
      %get3A_500 = arith.constant 0 : index
      %get3A_501 = tpu.vector_load %arg17[%get3A_500] {strides = array<i32>} : memref<16xf32, #tpu.memory_space<vmem>>, vector<16xf32>,
      %gather3A = tpu.vector_load_idx %arg16[%get3A_497] : memref<1000xf32, #tpu.memory_space<vmem>>[vector<16xi32>], vector<16xf32>,
      %add3A_502 = arith.addf %get3A_501, %gather3A : vector<16xf32>
      %swap3A_503 = arith.constant 0 : index
      %swap3A_504 = tpu.vector_load %arg17[%swap3A_503] {strides = array<i32>} : memref<16xf32, #tpu.memory_space<vmem>>, vector<16xf32>,
      tpu.vector_store %arg17[%swap3A_503], %add3A_502 {strides = array<i32>} : memref<16xf32, #tpu.memory_space<vmem>>, vector<16xf32>,
      %mul3A_505 = arith.constant 1000 : i32
      %mul3A_506 = vector.broadcast %mul3A_505 : i32 to vector<16xi32>
      %mul3A_507 = arith.muli %get3A_497, %mul3A_506 : vector<16xi32>
      %add3A_508 = arith.addi %mul3A_507, %get3A_499 : vector<16xi32>
      %swap3A_509 = arith.index_cast %mul3A_496 : i32 to index
      %swap3A_510 = tpu.vector_load %arg11[%swap3A_509] {strides = array<i32>} : memref<6400xi32, #tpu.memory_space<vmem>>, vector<16xi32>,
      tpu.vector_store %arg11[%swap3A_509], %add3A_508 {strides = array<i32>} : memref<6400xi32, #tpu.memory_space<vmem>>, vector<16xi32>,
    }
    %scan3A_17 = arith.constant 400 : i32
    %scan3A_18 = arith.constant 0 : i32
    %scan3A_19 = arith.constant 0 : i32
    %scan3A_20 = arith.constant 50 : i32
    %scan3A_21 = arith.addi %scan3A_19, %scan3A_20 : i32
    %scan3A_22 = arith.constant 1 : i32
    scf.for %scan3A_494 = %scan3A_19 to %scan3A_21 step %scan3A_22  : i32 {
      %mul3A_495 = arith.constant 128 : i32
      %mul3A_496 = arith.muli %scan3A_494, %mul3A_495 : i32
      %mul3A_497 = arith.constant 128 : i32
      %mul3A_498 = arith.muli %scan3A_494, %mul3A_497 : i32
      %dma_start3A_499 = tpu.memref_slice %arg13[%mul3A_498] : memref<6400xf32, #tpu.memory_space<vmem>> -> memref<128xf32, #tpu.memory_space<vmem>>
      %dma_start3A_500 = tpu.memref_slice %arg11[%mul3A_496] : memref<6400xi32, #tpu.memory_space<vmem>> -> memref<128xi32, #tpu.memory_space<vmem>>
      %dma_start3A_501 = arith.constant 0 : i32
      %dma_start3A_502 = tpu.memref_slice %arg3[%dma_start3A_501] : memref<1000008xf32, #tpu.memory_space<hbm>> -> memref<1000008xf32, #tpu.memory_space<hbm>>
      tpu.enqueue_indirect_dma source(%dma_start3A_502 : memref<1000008xf32, #tpu.memory_space<hbm>>) target(%dma_start3A_499 : memref<128xf32, #tpu.memory_space<vmem>>) offsets(%dma_start3A_500 : memref<128xi32, #tpu.memory_space<vmem>>) semaphore(%arg22 : memref<!tpu.dma_semaphore, #tpu.memory_space<semaphore_mem>>)
    }
    %scan3A_23 = arith.constant 50 : i32
    %dma_wait3A = arith.constant 0 : i32
    %dma_wait3A_24 = arith.constant 0 : i32
    %dma_wait3A_25 = tpu.memref_slice %arg10[%dma_wait3A, %dma_wait3A_24] : memref<50x128xi32, #tpu.memory_space<vmem>> -> memref<1x32xi32, #tpu.memory_space<vmem>>
    %dma_wait3A_26 = tpu.memref_squeeze %dma_wait3A_25 : memref<1x32xi32, #tpu.memory_space<vmem>> -> memref<32xi32, #tpu.memory_space<vmem>>
    %dma_wait3A_27 = arith.constant 0 : i32
    %dma_wait3A_28 = arith.constant 0 : i32
    %dma_wait3A_29 = tpu.memref_slice %arg2[%dma_wait3A_27, %dma_wait3A_28] : memref<1000x1000xf32, #tpu.memory_space<hbm>> -> memref<1000x1000xf32, #tpu.memory_space<hbm>>
    tpu.wait_indirect_dma semaphore(%arg18 : memref<!tpu.dma_semaphore, #tpu.memory_space<semaphore_mem>>) src(%dma_wait3A_29 : memref<1000x1000xf32, #tpu.memory_space<hbm>>) dst(%arg14 : memref<32x1000xf32, #tpu.memory_space<vmem>>)
    %add3A_30 = arith.constant 0 : i32
    %add3A_31 = arith.addi %add3A_30, %mul3A_2 : i32
    %add3A_32 = arith.constant 0 : i32
    %add3A_33 = arith.addi %add3A_31, %add3A_32 : i32
    %dma_start3A_34 = arith.constant 0 : i32
    %dma_start3A_35 = arith.constant 0 : i32
    %dma_start3A_36 = arith.constant 0 : i32
    %dma_start3A_37 = tpu.memref_slice %arg14[%dma_start3A_35, %dma_start3A_36] : memref<32x1000xf32, #tpu.memory_space<vmem>> -> memref<32x128xf32, #tpu.memory_space<vmem>>
    %dma_start3A_38 = arith.constant 0 : i32
    %dma_start3A_39 = tpu.memref_slice %arg8[%dma_start3A_34, %add3A_33, %dma_start3A_38] : memref<8x204800x128xf32, #tpu.memory_space<hbm>> -> memref<1x32x128xf32, #tpu.memory_space<hbm>>
    %dma_start3A_40 = tpu.memref_squeeze %dma_start3A_39 : memref<1x32x128xf32, #tpu.memory_space<hbm>> -> memref<32x128xf32, #tpu.memory_space<hbm>>
    %dma_start3A_41 = arith.constant 0 : i32
    %dma_start3A_42 = tpu.memref_slice %arg8[%dma_start3A_34, %add3A_33, %dma_start3A_41] : memref<8x204800x128xf32, #tpu.memory_space<hbm>> -> memref<1x32x128xf32, #tpu.memory_space<hbm>>
    %dma_start3A_43 = tpu.memref_squeeze %dma_start3A_42 : memref<1x32x128xf32, #tpu.memory_space<hbm>> -> memref<32x128xf32, #tpu.memory_space<hbm>>
    %dma_start3A_44 = arith.constant 0 : i32
    %dma_start3A_45 = arith.constant 0 : i32
    %dma_start3A_46 = tpu.memref_slice %arg14[%dma_start3A_44, %dma_start3A_45] : memref<32x1000xf32, #tpu.memory_space<vmem>> -> memref<32x128xf32, #tpu.memory_space<vmem>>
    tpu.enqueue_dma source(%dma_start3A_46 : memref<32x128xf32, #tpu.memory_space<vmem>>) target(%dma_start3A_43 : memref<32x128xf32, #tpu.memory_space<hbm>>) target_semaphore(%arg20 : memref<!tpu.dma_semaphore, #tpu.memory_space<semaphore_mem>>)
    %dma_start3A_47 = arith.constant 1 : i32
    %dma_start3A_48 = arith.constant 0 : i32
    %dma_start3A_49 = arith.constant 128 : i32
    %dma_start3A_50 = tpu.memref_slice %arg14[%dma_start3A_48, %dma_start3A_49] : memref<32x1000xf32, #tpu.memory_space<vmem>> -> memref<32x128xf32, #tpu.memory_space<vmem>>
    %dma_start3A_51 = arith.constant 0 : i32
    %dma_start3A_52 = tpu.memref_slice %arg8[%dma_start3A_47, %add3A_33, %dma_start3A_51] : memref<8x204800x128xf32, #tpu.memory_space<hbm>> -> memref<1x32x128xf32, #tpu.memory_space<hbm>>
    %dma_start3A_53 = tpu.memref_squeeze %dma_start3A_52 : memref<1x32x128xf32, #tpu.memory_space<hbm>> -> memref<32x128xf32, #tpu.memory_space<hbm>>
    %dma_start3A_54 = arith.constant 0 : i32
    %dma_start3A_55 = tpu.memref_slice %arg8[%dma_start3A_47, %add3A_33, %dma_start3A_54] : memref<8x204800x128xf32, #tpu.memory_space<hbm>> -> memref<1x32x128xf32, #tpu.memory_space<hbm>>
    %dma_start3A_56 = tpu.memref_squeeze %dma_start3A_55 : memref<1x32x128xf32, #tpu.memory_space<hbm>> -> memref<32x128xf32, #tpu.memory_space<hbm>>
    %dma_start3A_57 = arith.constant 0 : i32
    %dma_start3A_58 = arith.constant 128 : i32
    %dma_start3A_59 = tpu.memref_slice %arg14[%dma_start3A_57, %dma_start3A_58] : memref<32x1000xf32, #tpu.memory_space<vmem>> -> memref<32x128xf32, #tpu.memory_space<vmem>>
    tpu.enqueue_dma source(%dma_start3A_59 : memref<32x128xf32, #tpu.memory_space<vmem>>) target(%dma_start3A_56 : memref<32x128xf32, #tpu.memory_space<hbm>>) target_semaphore(%arg20 : memref<!tpu.dma_semaphore, #tpu.memory_space<semaphore_mem>>)
    %dma_start3A_60 = arith.constant 2 : i32
    %dma_start3A_61 = arith.constant 0 : i32
    %dma_start3A_62 = arith.constant 256 : i32
    %dma_start3A_63 = tpu.memref_slice %arg14[%dma_start3A_61, %dma_start3A_62] : memref<32x1000xf32, #tpu.memory_space<vmem>> -> memref<32x128xf32, #tpu.memory_space<vmem>>
    %dma_start3A_64 = arith.constant 0 : i32
    %dma_start3A_65 = tpu.memref_slice %arg8[%dma_start3A_60, %add3A_33, %dma_start3A_64] : memref<8x204800x128xf32, #tpu.memory_space<hbm>> -> memref<1x32x128xf32, #tpu.memory_space<hbm>>
    %dma_start3A_66 = tpu.memref_squeeze %dma_start3A_65 : memref<1x32x128xf32, #tpu.memory_space<hbm>> -> memref<32x128xf32, #tpu.memory_space<hbm>>
    %dma_start3A_67 = arith.constant 0 : i32
    %dma_start3A_68 = tpu.memref_slice %arg8[%dma_start3A_60, %add3A_33, %dma_start3A_67] : memref<8x204800x128xf32, #tpu.memory_space<hbm>> -> memref<1x32x128xf32, #tpu.memory_space<hbm>>
    %dma_start3A_69 = tpu.memref_squeeze %dma_start3A_68 : memref<1x32x128xf32, #tpu.memory_space<hbm>> -> memref<32x128xf32, #tpu.memory_space<hbm>>
    %dma_start3A_70 = arith.constant 0 : i32
    %dma_start3A_71 = arith.constant 256 : i32
    %dma_start3A_72 = tpu.memref_slice %arg14[%dma_start3A_70, %dma_start3A_71] : memref<32x1000xf32, #tpu.memory_space<vmem>> -> memref<32x128xf32, #tpu.memory_space<vmem>>
    tpu.enqueue_dma source(%dma_start3A_72 : memref<32x128xf32, #tpu.memory_space<vmem>>) target(%dma_start3A_69 : memref<32x128xf32, #tpu.memory_space<hbm>>) target_semaphore(%arg20 : memref<!tpu.dma_semaphore, #tpu.memory_space<semaphore_mem>>)
    %dma_start3A_73 = arith.constant 3 : i32
    %dma_start3A_74 = arith.constant 0 : i32
    %dma_start3A_75 = arith.constant 384 : i32
    %dma_start3A_76 = tpu.memref_slice %arg14[%dma_start3A_74, %dma_start3A_75] : memref<32x1000xf32, #tpu.memory_space<vmem>> -> memref<32x128xf32, #tpu.memory_space<vmem>>
    %dma_start3A_77 = arith.constant 0 : i32
    %dma_start3A_78 = tpu.memref_slice %arg8[%dma_start3A_73, %add3A_33, %dma_start3A_77] : memref<8x204800x128xf32, #tpu.memory_space<hbm>> -> memref<1x32x128xf32, #tpu.memory_space<hbm>>
    %dma_start3A_79 = tpu.memref_squeeze %dma_start3A_78 : memref<1x32x128xf32, #tpu.memory_space<hbm>> -> memref<32x128xf32, #tpu.memory_space<hbm>>
    %dma_start3A_80 = arith.constant 0 : i32
    %dma_start3A_81 = tpu.memref_slice %arg8[%dma_start3A_73, %add3A_33, %dma_start3A_80] : memref<8x204800x128xf32, #tpu.memory_space<hbm>> -> memref<1x32x128xf32, #tpu.memory_space<hbm>>
    %dma_start3A_82 = tpu.memref_squeeze %dma_start3A_81 : memref<1x32x128xf32, #tpu.memory_space<hbm>> -> memref<32x128xf32, #tpu.memory_space<hbm>>
    %dma_start3A_83 = arith.constant 0 : i32
    %dma_start3A_84 = arith.constant 384 : i32
    %dma_start3A_85 = tpu.memref_slice %arg14[%dma_start3A_83, %dma_start3A_84] : memref<32x1000xf32, #tpu.memory_space<vmem>> -> memref<32x128xf32, #tpu.memory_space<vmem>>
    tpu.enqueue_dma source(%dma_start3A_85 : memref<32x128xf32, #tpu.memory_space<vmem>>) target(%dma_start3A_82 : memref<32x128xf32, #tpu.memory_space<hbm>>) target_semaphore(%arg20 : memref<!tpu.dma_semaphore, #tpu.memory_space<semaphore_mem>>)
    %dma_start3A_86 = arith.constant 4 : i32
    %dma_start3A_87 = arith.constant 0 : i32
    %dma_start3A_88 = arith.constant 512 : i32
    %dma_start3A_89 = tpu.memref_slice %arg14[%dma_start3A_87, %dma_start3A_88] : memref<32x1000xf32, #tpu.memory_space<vmem>> -> memref<32x128xf32, #tpu.memory_space<vmem>>
    %dma_start3A_90 = arith.constant 0 : i32
    %dma_start3A_91 = tpu.memref_slice %arg8[%dma_start3A_86, %add3A_33, %dma_start3A_90] : memref<8x204800x128xf32, #tpu.memory_space<hbm>> -> memref<1x32x128xf32, #tpu.memory_space<hbm>>
    %dma_start3A_92 = tpu.memref_squeeze %dma_start3A_91 : memref<1x32x128xf32, #tpu.memory_space<hbm>> -> memref<32x128xf32, #tpu.memory_space<hbm>>
    %dma_start3A_93 = arith.constant 0 : i32
    %dma_start3A_94 = tpu.memref_slice %arg8[%dma_start3A_86, %add3A_33, %dma_start3A_93] : memref<8x204800x128xf32, #tpu.memory_space<hbm>> -> memref<1x32x128xf32, #tpu.memory_space<hbm>>
    %dma_start3A_95 = tpu.memref_squeeze %dma_start3A_94 : memref<1x32x128xf32, #tpu.memory_space<hbm>> -> memref<32x128xf32, #tpu.memory_space<hbm>>
    %dma_start3A_96 = arith.constant 0 : i32
    %dma_start3A_97 = arith.constant 512 : i32
    %dma_start3A_98 = tpu.memref_slice %arg14[%dma_start3A_96, %dma_start3A_97] : memref<32x1000xf32, #tpu.memory_space<vmem>> -> memref<32x128xf32, #tpu.memory_space<vmem>>
    tpu.enqueue_dma source(%dma_start3A_98 : memref<32x128xf32, #tpu.memory_space<vmem>>) target(%dma_start3A_95 : memref<32x128xf32, #tpu.memory_space<hbm>>) target_semaphore(%arg20 : memref<!tpu.dma_semaphore, #tpu.memory_space<semaphore_mem>>)
    %dma_start3A_99 = arith.constant 5 : i32
    %dma_start3A_100 = arith.constant 0 : i32
    %dma_start3A_101 = arith.constant 640 : i32
    %dma_start3A_102 = tpu.memref_slice %arg14[%dma_start3A_100, %dma_start3A_101] : memref<32x1000xf32, #tpu.memory_space<vmem>> -> memref<32x128xf32, #tpu.memory_space<vmem>>
    %dma_start3A_103 = arith.constant 0 : i32
    %dma_start3A_104 = tpu.memref_slice %arg8[%dma_start3A_99, %add3A_33, %dma_start3A_103] : memref<8x204800x128xf32, #tpu.memory_space<hbm>> -> memref<1x32x128xf32, #tpu.memory_space<hbm>>
    %dma_start3A_105 = tpu.memref_squeeze %dma_start3A_104 : memref<1x32x128xf32, #tpu.memory_space<hbm>> -> memref<32x128xf32, #tpu.memory_space<hbm>>
    %dma_start3A_106 = arith.constant 0 : i32
    %dma_start3A_107 = tpu.memref_slice %arg8[%dma_start3A_99, %add3A_33, %dma_start3A_106] : memref<8x204800x128xf32, #tpu.memory_space<hbm>> -> memref<1x32x128xf32, #tpu.memory_space<hbm>>
    %dma_start3A_108 = tpu.memref_squeeze %dma_start3A_107 : memref<1x32x128xf32, #tpu.memory_space<hbm>> -> memref<32x128xf32, #tpu.memory_space<hbm>>
    %dma_start3A_109 = arith.constant 0 : i32
    %dma_start3A_110 = arith.constant 640 : i32
    %dma_start3A_111 = tpu.memref_slice %arg14[%dma_start3A_109, %dma_start3A_110] : memref<32x1000xf32, #tpu.memory_space<vmem>> -> memref<32x128xf32, #tpu.memory_space<vmem>>
    tpu.enqueue_dma source(%dma_start3A_111 : memref<32x128xf32, #tpu.memory_space<vmem>>) target(%dma_start3A_108 : memref<32x128xf32, #tpu.memory_space<hbm>>) target_semaphore(%arg20 : memref<!tpu.dma_semaphore, #tpu.memory_space<semaphore_mem>>)
    %dma_start3A_112 = arith.constant 6 : i32
    %dma_start3A_113 = arith.constant 0 : i32
    %dma_start3A_114 = arith.constant 768 : i32
    %dma_start3A_115 = tpu.memref_slice %arg14[%dma_start3A_113, %dma_start3A_114] : memref<32x1000xf32, #tpu.memory_space<vmem>> -> memref<32x128xf32, #tpu.memory_space<vmem>>
    %dma_start3A_116 = arith.constant 0 : i32
    %dma_start3A_117 = tpu.memref_slice %arg8[%dma_start3A_112, %add3A_33, %dma_start3A_116] : memref<8x204800x128xf32, #tpu.memory_space<hbm>> -> memref<1x32x128xf32, #tpu.memory_space<hbm>>
    %dma_start3A_118 = tpu.memref_squeeze %dma_start3A_117 : memref<1x32x128xf32, #tpu.memory_space<hbm>> -> memref<32x128xf32, #tpu.memory_space<hbm>>
    %dma_start3A_119 = arith.constant 0 : i32
    %dma_start3A_120 = tpu.memref_slice %arg8[%dma_start3A_112, %add3A_33, %dma_start3A_119] : memref<8x204800x128xf32, #tpu.memory_space<hbm>> -> memref<1x32x128xf32, #tpu.memory_space<hbm>>
    %dma_start3A_121 = tpu.memref_squeeze %dma_start3A_120 : memref<1x32x128xf32, #tpu.memory_space<hbm>> -> memref<32x128xf32, #tpu.memory_space<hbm>>
    %dma_start3A_122 = arith.constant 0 : i32
    %dma_start3A_123 = arith.constant 768 : i32
    %dma_start3A_124 = tpu.memref_slice %arg14[%dma_start3A_122, %dma_start3A_123] : memref<32x1000xf32, #tpu.memory_space<vmem>> -> memref<32x128xf32, #tpu.memory_space<vmem>>
    tpu.enqueue_dma source(%dma_start3A_124 : memref<32x128xf32, #tpu.memory_space<vmem>>) target(%dma_start3A_121 : memref<32x128xf32, #tpu.memory_space<hbm>>) target_semaphore(%arg20 : memref<!tpu.dma_semaphore, #tpu.memory_space<semaphore_mem>>)
    %dma_start3A_125 = arith.constant 7 : i32
    %dma_start3A_126 = arith.constant 0 : i32
    %dma_start3A_127 = arith.constant 896 : i32
    %dma_start3A_128 = tpu.memref_slice %arg14[%dma_start3A_126, %dma_start3A_127] : memref<32x1000xf32, #tpu.memory_space<vmem>> -> memref<32x104xf32, #tpu.memory_space<vmem>>
    %dma_start3A_129 = arith.constant 0 : i32
    %dma_start3A_130 = tpu.memref_slice %arg8[%dma_start3A_125, %add3A_33, %dma_start3A_129] : memref<8x204800x128xf32, #tpu.memory_space<hbm>> -> memref<1x32x104xf32, #tpu.memory_space<hbm>>
    %dma_start3A_131 = tpu.memref_squeeze %dma_start3A_130 : memref<1x32x104xf32, #tpu.memory_space<hbm>> -> memref<32x104xf32, #tpu.memory_space<hbm>>
    %dma_start3A_132 = arith.constant 0 : i32
    %dma_start3A_133 = tpu.memref_slice %arg8[%dma_start3A_125, %add3A_33, %dma_start3A_132] : memref<8x204800x128xf32, #tpu.memory_space<hbm>> -> memref<1x32x104xf32, #tpu.memory_space<hbm>>
    %dma_start3A_134 = tpu.memref_squeeze %dma_start3A_133 : memref<1x32x104xf32, #tpu.memory_space<hbm>> -> memref<32x104xf32, #tpu.memory_space<hbm>>
    %dma_start3A_135 = arith.constant 0 : i32
    %dma_start3A_136 = arith.constant 896 : i32
    %dma_start3A_137 = tpu.memref_slice %arg14[%dma_start3A_135, %dma_start3A_136] : memref<32x1000xf32, #tpu.memory_space<vmem>> -> memref<32x104xf32, #tpu.memory_space<vmem>>
    tpu.enqueue_dma source(%dma_start3A_137 : memref<32x104xf32, #tpu.memory_space<vmem>>) target(%dma_start3A_134 : memref<32x104xf32, #tpu.memory_space<hbm>>) target_semaphore(%arg20 : memref<!tpu.dma_semaphore, #tpu.memory_space<semaphore_mem>>)
    %dma_start3A_138 = arith.constant 0 : i32
    %dma_start3A_139 = arith.constant 32 : i32
    %dma_start3A_140 = tpu.memref_slice %arg10[%dma_start3A_138, %dma_start3A_139] : memref<50x128xi32, #tpu.memory_space<vmem>> -> memref<1x32xi32, #tpu.memory_space<vmem>>
    %dma_start3A_141 = tpu.memref_squeeze %dma_start3A_140 : memref<1x32xi32, #tpu.memory_space<vmem>> -> memref<32xi32, #tpu.memory_space<vmem>>
    %dma_start3A_142 = arith.constant 0 : i32
    %dma_start3A_143 = arith.constant 0 : i32
    %dma_start3A_144 = tpu.memref_slice %arg2[%dma_start3A_142, %dma_start3A_143] : memref<1000x1000xf32, #tpu.memory_space<hbm>> -> memref<1000x1000xf32, #tpu.memory_space<hbm>>
    tpu.enqueue_indirect_dma source(%dma_start3A_144 : memref<1000x1000xf32, #tpu.memory_space<hbm>>) target(%arg15 : memref<32x1000xf32, #tpu.memory_space<vmem>>) offsets(%dma_start3A_141 : memref<32xi32, #tpu.memory_space<vmem>>) semaphore(%arg19 : memref<!tpu.dma_semaphore, #tpu.memory_space<semaphore_mem>>)
    %scan3A_145 = arith.constant 0 : i32
    %scan3A_146 = arith.constant 0 : i32
    %scan3A_147 = arith.constant 99 : i32
    %scan3A_148 = arith.addi %scan3A_146, %scan3A_147 : i32
    %scan3A_149 = arith.constant 1 : i32
    scf.for %scan3A_494 = %scan3A_146 to %scan3A_148 step %scan3A_149  : i32 {
      %mul3A_495 = arith.constant 2 : i32
      %mul3A_496 = arith.muli %mul3A_495, %scan3A_494 : i32
      %add3A_497 = arith.constant 1 : i32
      %add3A_498 = arith.addi %mul3A_496, %add3A_497 : i32
      %jit3A = arith.constant 4 : i32
      %div3A = arith.divsi %add3A_498, %jit3A : i32
      %sign3A = arith.constant 0 : i32
      %sign3A_499 = arith.cmpi sgt, %add3A_498, %sign3A : i32
      %sign3A_500 = arith.extui %sign3A_499 : i1 to i32
      %sign3A_501 = arith.constant 0 : i32
      %sign3A_502 = arith.cmpi slt, %add3A_498, %sign3A_501 : i32
      %sign3A_503 = arith.extui %sign3A_502 : i1 to i32
      %sign3A_504 = arith.subi %sign3A_500, %sign3A_503 : i32
      %sign3A_505 = arith.constant 0 : i32
      %sign3A_506 = arith.cmpi sgt, %jit3A, %sign3A_505 : i32
      %sign3A_507 = arith.extui %sign3A_506 : i1 to i32
      %sign3A_508 = arith.constant 0 : i32
      %sign3A_509 = arith.cmpi slt, %jit3A, %sign3A_508 : i32
      %sign3A_510 = arith.extui %sign3A_509 : i1 to i32
      %sign3A_511 = arith.subi %sign3A_507, %sign3A_510 : i32
      %ne3A = arith.cmpi ne, %sign3A_504, %sign3A_511 : i32
      %rem3A = arith.remsi %add3A_498, %jit3A : i32
      %ne3A_512 = arith.constant 0 : i32
      %ne3A_513 = arith.cmpi ne, %rem3A, %ne3A_512 : i32
      %and3A = arith.andi %ne3A, %ne3A_513 : i1
      %sub3A = arith.constant 1 : i32
      %sub3A_514 = arith.subi %div3A, %sub3A : i32
      %select_n3A = arith.select %and3A, %sub3A_514, %div3A : i32
      %jit3A_515 = arith.constant 4 : i32
      %eq3A = arith.constant 0 : i32
      %eq3A_516 = arith.cmpi eq, %jit3A_515, %eq3A : i32
      %jit3A_517 = arith.constant 1 : i32
      %select_n3A_518 = arith.select %eq3A_516, %jit3A_517, %jit3A_515 : i32
      %rem3A_519 = arith.remsi %add3A_498, %select_n3A_518 : i32
      %ne3A_520 = arith.constant 0 : i32
      %ne3A_521 = arith.cmpi ne, %rem3A_519, %ne3A_520 : i32
      %lt3A = arith.constant 0 : i32
      %lt3A_522 = arith.cmpi slt, %rem3A_519, %lt3A : i32
      %lt3A_523 = arith.constant 0 : i32
      %lt3A_524 = arith.cmpi slt, %select_n3A_518, %lt3A_523 : i32
      %ne3A_525 = arith.xori %lt3A_522, %lt3A_524 : i1
      %and3A_526 = arith.andi %ne3A_525, %ne3A_521 : i1
      %add3A_527 = arith.addi %rem3A_519, %select_n3A_518 : i32
      %select_n3A_528 = arith.select %and3A_526, %add3A_527, %rem3A_519 : i32
      %mul3A_529 = arith.constant 32 : i32
      %mul3A_530 = arith.muli %select_n3A_528, %mul3A_529 : i32
      %dma_wait3A_531 = tpu.memref_slice %arg10[%select_n3A, %mul3A_530] : memref<50x128xi32, #tpu.memory_space<vmem>> -> memref<1x32xi32, #tpu.memory_space<vmem>>
      %dma_wait3A_532 = tpu.memref_squeeze %dma_wait3A_531 : memref<1x32xi32, #tpu.memory_space<vmem>> -> memref<32xi32, #tpu.memory_space<vmem>>
      %dma_wait3A_533 = arith.constant 0 : i32
      %dma_wait3A_534 = arith.constant 0 : i32
      %dma_wait3A_535 = tpu.memref_slice %arg2[%dma_wait3A_533, %dma_wait3A_534] : memref<1000x1000xf32, #tpu.memory_space<hbm>> -> memref<1000x1000xf32, #tpu.memory_space<hbm>>
      tpu.wait_indirect_dma semaphore(%arg19 : memref<!tpu.dma_semaphore, #tpu.memory_space<semaphore_mem>>) src(%dma_wait3A_535 : memref<1000x1000xf32, #tpu.memory_space<hbm>>) dst(%arg15 : memref<32x1000xf32, #tpu.memory_space<vmem>>)
      %jit3A_536 = arith.constant 4 : i32
      %div3A_537 = arith.divsi %add3A_498, %jit3A_536 : i32
      %sign3A_538 = arith.constant 0 : i32
      %sign3A_539 = arith.cmpi sgt, %add3A_498, %sign3A_538 : i32
      %sign3A_540 = arith.extui %sign3A_539 : i1 to i32
      %sign3A_541 = arith.constant 0 : i32
      %sign3A_542 = arith.cmpi slt, %add3A_498, %sign3A_541 : i32
      %sign3A_543 = arith.extui %sign3A_542 : i1 to i32
      %sign3A_544 = arith.subi %sign3A_540, %sign3A_543 : i32
      %sign3A_545 = arith.constant 0 : i32
      %sign3A_546 = arith.cmpi sgt, %jit3A_536, %sign3A_545 : i32
      %sign3A_547 = arith.extui %sign3A_546 : i1 to i32
      %sign3A_548 = arith.constant 0 : i32
      %sign3A_549 = arith.cmpi slt, %jit3A_536, %sign3A_548 : i32
      %sign3A_550 = arith.extui %sign3A_549 : i1 to i32
      %sign3A_551 = arith.subi %sign3A_547, %sign3A_550 : i32
      %ne3A_552 = arith.cmpi ne, %sign3A_544, %sign3A_551 : i32
      %rem3A_553 = arith.remsi %add3A_498, %jit3A_536 : i32
      %ne3A_554 = arith.constant 0 : i32
      %ne3A_555 = arith.cmpi ne, %rem3A_553, %ne3A_554 : i32
      %and3A_556 = arith.andi %ne3A_552, %ne3A_555 : i1
      %sub3A_557 = arith.constant 1 : i32
      %sub3A_558 = arith.subi %div3A_537, %sub3A_557 : i32
      %select_n3A_559 = arith.select %and3A_556, %sub3A_558, %div3A_537 : i32
      %jit3A_560 = arith.constant 4 : i32
      %eq3A_561 = arith.constant 0 : i32
      %eq3A_562 = arith.cmpi eq, %jit3A_560, %eq3A_561 : i32
      %jit3A_563 = arith.constant 1 : i32
      %select_n3A_564 = arith.select %eq3A_562, %jit3A_563, %jit3A_560 : i32
      %rem3A_565 = arith.remsi %add3A_498, %select_n3A_564 : i32
      %ne3A_566 = arith.constant 0 : i32
      %ne3A_567 = arith.cmpi ne, %rem3A_565, %ne3A_566 : i32
      %lt3A_568 = arith.constant 0 : i32
      %lt3A_569 = arith.cmpi slt, %rem3A_565, %lt3A_568 : i32
      %lt3A_570 = arith.constant 0 : i32
      %lt3A_571 = arith.cmpi slt, %select_n3A_564, %lt3A_570 : i32
      %ne3A_572 = arith.xori %lt3A_569, %lt3A_571 : i1
      %and3A_573 = arith.andi %ne3A_572, %ne3A_567 : i1
      %add3A_574 = arith.addi %rem3A_565, %select_n3A_564 : i32
      %select_n3A_575 = arith.select %and3A_573, %add3A_574, %rem3A_565 : i32
      %mul3A_576 = arith.constant 4096 : i32
      %mul3A_577 = arith.muli %select_n3A_559, %mul3A_576 : i32
      %add3A_578 = arith.addi %mul3A_577, %mul3A_2 : i32
      %mul3A_579 = arith.constant 32 : i32
      %mul3A_580 = arith.muli %select_n3A_575, %mul3A_579 : i32
      %add3A_581 = arith.addi %add3A_578, %mul3A_580 : i32
      %dma_start3A_582 = arith.constant 0 : i32
      %dma_start3A_583 = arith.constant 0 : i32
      %dma_start3A_584 = arith.constant 0 : i32
      %dma_start3A_585 = tpu.memref_slice %arg15[%dma_start3A_583, %dma_start3A_584] : memref<32x1000xf32, #tpu.memory_space<vmem>> -> memref<32x128xf32, #tpu.memory_space<vmem>>
      %dma_start3A_586 = arith.constant 0 : i32
      %dma_start3A_587 = tpu.memref_slice %arg8[%dma_start3A_582, %add3A_581, %dma_start3A_586] : memref<8x204800x128xf32, #tpu.memory_space<hbm>> -> memref<1x32x128xf32, #tpu.memory_space<hbm>>
      %dma_start3A_588 = tpu.memref_squeeze %dma_start3A_587 : memref<1x32x128xf32, #tpu.memory_space<hbm>> -> memref<32x128xf32, #tpu.memory_space<hbm>>
      %dma_start3A_589 = arith.constant 0 : i32
      %dma_start3A_590 = tpu.memref_slice %arg8[%dma_start3A_582, %add3A_581, %dma_start3A_589] : memref<8x204800x128xf32, #tpu.memory_space<hbm>> -> memref<1x32x128xf32, #tpu.memory_space<hbm>>
      %dma_start3A_591 = tpu.memref_squeeze %dma_start3A_590 : memref<1x32x128xf32, #tpu.memory_space<hbm>> -> memref<32x128xf32, #tpu.memory_space<hbm>>
      %dma_start3A_592 = arith.constant 0 : i32
      %dma_start3A_593 = arith.constant 0 : i32
      %dma_start3A_594 = tpu.memref_slice %arg15[%dma_start3A_592, %dma_start3A_593] : memref<32x1000xf32, #tpu.memory_space<vmem>> -> memref<32x128xf32, #tpu.memory_space<vmem>>
      tpu.enqueue_dma source(%dma_start3A_594 : memref<32x128xf32, #tpu.memory_space<vmem>>) target(%dma_start3A_591 : memref<32x128xf32, #tpu.memory_space<hbm>>) target_semaphore(%arg21 : memref<!tpu.dma_semaphore, #tpu.memory_space<semaphore_mem>>)
      %dma_start3A_595 = arith.constant 1 : i32
      %dma_start3A_596 = arith.constant 0 : i32
      %dma_start3A_597 = arith.constant 128 : i32
      %dma_start3A_598 = tpu.memref_slice %arg15[%dma_start3A_596, %dma_start3A_597] : memref<32x1000xf32, #tpu.memory_space<vmem>> -> memref<32x128xf32, #tpu.memory_space<vmem>>
      %dma_start3A_599 = arith.constant 0 : i32
      %dma_start3A_600 = tpu.memref_slice %arg8[%dma_start3A_595, %add3A_581, %dma_start3A_599] : memref<8x204800x128xf32, #tpu.memory_space<hbm>> -> memref<1x32x128xf32, #tpu.memory_space<hbm>>
      %dma_start3A_601 = tpu.memref_squeeze %dma_start3A_600 : memref<1x32x128xf32, #tpu.memory_space<hbm>> -> memref<32x128xf32, #tpu.memory_space<hbm>>
      %dma_start3A_602 = arith.constant 0 : i32
      %dma_start3A_603 = tpu.memref_slice %arg8[%dma_start3A_595, %add3A_581, %dma_start3A_602] : memref<8x204800x128xf32, #tpu.memory_space<hbm>> -> memref<1x32x128xf32, #tpu.memory_space<hbm>>
      %dma_start3A_604 = tpu.memref_squeeze %dma_start3A_603 : memref<1x32x128xf32, #tpu.memory_space<hbm>> -> memref<32x128xf32, #tpu.memory_space<hbm>>
      %dma_start3A_605 = arith.constant 0 : i32
      %dma_start3A_606 = arith.constant 128 : i32
      %dma_start3A_607 = tpu.memref_slice %arg15[%dma_start3A_605, %dma_start3A_606] : memref<32x1000xf32, #tpu.memory_space<vmem>> -> memref<32x128xf32, #tpu.memory_space<vmem>>
      tpu.enqueue_dma source(%dma_start3A_607 : memref<32x128xf32, #tpu.memory_space<vmem>>) target(%dma_start3A_604 : memref<32x128xf32, #tpu.memory_space<hbm>>) target_semaphore(%arg21 : memref<!tpu.dma_semaphore, #tpu.memory_space<semaphore_mem>>)
      %dma_start3A_608 = arith.constant 2 : i32
      %dma_start3A_609 = arith.constant 0 : i32
      %dma_start3A_610 = arith.constant 256 : i32
      %dma_start3A_611 = tpu.memref_slice %arg15[%dma_start3A_609, %dma_start3A_610] : memref<32x1000xf32, #tpu.memory_space<vmem>> -> memref<32x128xf32, #tpu.memory_space<vmem>>
      %dma_start3A_612 = arith.constant 0 : i32
      %dma_start3A_613 = tpu.memref_slice %arg8[%dma_start3A_608, %add3A_581, %dma_start3A_612] : memref<8x204800x128xf32, #tpu.memory_space<hbm>> -> memref<1x32x128xf32, #tpu.memory_space<hbm>>
      %dma_start3A_614 = tpu.memref_squeeze %dma_start3A_613 : memref<1x32x128xf32, #tpu.memory_space<hbm>> -> memref<32x128xf32, #tpu.memory_space<hbm>>
      %dma_start3A_615 = arith.constant 0 : i32
      %dma_start3A_616 = tpu.memref_slice %arg8[%dma_start3A_608, %add3A_581, %dma_start3A_615] : memref<8x204800x128xf32, #tpu.memory_space<hbm>> -> memref<1x32x128xf32, #tpu.memory_space<hbm>>
      %dma_start3A_617 = tpu.memref_squeeze %dma_start3A_616 : memref<1x32x128xf32, #tpu.memory_space<hbm>> -> memref<32x128xf32, #tpu.memory_space<hbm>>
      %dma_start3A_618 = arith.constant 0 : i32
      %dma_start3A_619 = arith.constant 256 : i32
      %dma_start3A_620 = tpu.memref_slice %arg15[%dma_start3A_618, %dma_start3A_619] : memref<32x1000xf32, #tpu.memory_space<vmem>> -> memref<32x128xf32, #tpu.memory_space<vmem>>
      tpu.enqueue_dma source(%dma_start3A_620 : memref<32x128xf32, #tpu.memory_space<vmem>>) target(%dma_start3A_617 : memref<32x128xf32, #tpu.memory_space<hbm>>) target_semaphore(%arg21 : memref<!tpu.dma_semaphore, #tpu.memory_space<semaphore_mem>>)
      %dma_start3A_621 = arith.constant 3 : i32
      %dma_start3A_622 = arith.constant 0 : i32
      %dma_start3A_623 = arith.constant 384 : i32
      %dma_start3A_624 = tpu.memref_slice %arg15[%dma_start3A_622, %dma_start3A_623] : memref<32x1000xf32, #tpu.memory_space<vmem>> -> memref<32x128xf32, #tpu.memory_space<vmem>>
      %dma_start3A_625 = arith.constant 0 : i32
      %dma_start3A_626 = tpu.memref_slice %arg8[%dma_start3A_621, %add3A_581, %dma_start3A_625] : memref<8x204800x128xf32, #tpu.memory_space<hbm>> -> memref<1x32x128xf32, #tpu.memory_space<hbm>>
      %dma_start3A_627 = tpu.memref_squeeze %dma_start3A_626 : memref<1x32x128xf32, #tpu.memory_space<hbm>> -> memref<32x128xf32, #tpu.memory_space<hbm>>
      %dma_start3A_628 = arith.constant 0 : i32
      %dma_start3A_629 = tpu.memref_slice %arg8[%dma_start3A_621, %add3A_581, %dma_start3A_628] : memref<8x204800x128xf32, #tpu.memory_space<hbm>> -> memref<1x32x128xf32, #tpu.memory_space<hbm>>
      %dma_start3A_630 = tpu.memref_squeeze %dma_start3A_629 : memref<1x32x128xf32, #tpu.memory_space<hbm>> -> memref<32x128xf32, #tpu.memory_space<hbm>>
      %dma_start3A_631 = arith.constant 0 : i32
      %dma_start3A_632 = arith.constant 384 : i32
      %dma_start3A_633 = tpu.memref_slice %arg15[%dma_start3A_631, %dma_start3A_632] : memref<32x1000xf32, #tpu.memory_space<vmem>> -> memref<32x128xf32, #tpu.memory_space<vmem>>
      tpu.enqueue_dma source(%dma_start3A_633 : memref<32x128xf32, #tpu.memory_space<vmem>>) target(%dma_start3A_630 : memref<32x128xf32, #tpu.memory_space<hbm>>) target_semaphore(%arg21 : memref<!tpu.dma_semaphore, #tpu.memory_space<semaphore_mem>>)
      %dma_start3A_634 = arith.constant 4 : i32
      %dma_start3A_635 = arith.constant 0 : i32
      %dma_start3A_636 = arith.constant 512 : i32
      %dma_start3A_637 = tpu.memref_slice %arg15[%dma_start3A_635, %dma_start3A_636] : memref<32x1000xf32, #tpu.memory_space<vmem>> -> memref<32x128xf32, #tpu.memory_space<vmem>>
      %dma_start3A_638 = arith.constant 0 : i32
      %dma_start3A_639 = tpu.memref_slice %arg8[%dma_start3A_634, %add3A_581, %dma_start3A_638] : memref<8x204800x128xf32, #tpu.memory_space<hbm>> -> memref<1x32x128xf32, #tpu.memory_space<hbm>>
      %dma_start3A_640 = tpu.memref_squeeze %dma_start3A_639 : memref<1x32x128xf32, #tpu.memory_space<hbm>> -> memref<32x128xf32, #tpu.memory_space<hbm>>
      %dma_start3A_641 = arith.constant 0 : i32
      %dma_start3A_642 = tpu.memref_slice %arg8[%dma_start3A_634, %add3A_581, %dma_start3A_641] : memref<8x204800x128xf32, #tpu.memory_space<hbm>> -> memref<1x32x128xf32, #tpu.memory_space<hbm>>
      %dma_start3A_643 = tpu.memref_squeeze %dma_start3A_642 : memref<1x32x128xf32, #tpu.memory_space<hbm>> -> memref<32x128xf32, #tpu.memory_space<hbm>>
      %dma_start3A_644 = arith.constant 0 : i32
      %dma_start3A_645 = arith.constant 512 : i32
      %dma_start3A_646 = tpu.memref_slice %arg15[%dma_start3A_644, %dma_start3A_645] : memref<32x1000xf32, #tpu.memory_space<vmem>> -> memref<32x128xf32, #tpu.memory_space<vmem>>
      tpu.enqueue_dma source(%dma_start3A_646 : memref<32x128xf32, #tpu.memory_space<vmem>>) target(%dma_start3A_643 : memref<32x128xf32, #tpu.memory_space<hbm>>) target_semaphore(%arg21 : memref<!tpu.dma_semaphore, #tpu.memory_space<semaphore_mem>>)
      %dma_start3A_647 = arith.constant 5 : i32
      %dma_start3A_648 = arith.constant 0 : i32
      %dma_start3A_649 = arith.constant 640 : i32
      %dma_start3A_650 = tpu.memref_slice %arg15[%dma_start3A_648, %dma_start3A_649] : memref<32x1000xf32, #tpu.memory_space<vmem>> -> memref<32x128xf32, #tpu.memory_space<vmem>>
      %dma_start3A_651 = arith.constant 0 : i32
      %dma_start3A_652 = tpu.memref_slice %arg8[%dma_start3A_647, %add3A_581, %dma_start3A_651] : memref<8x204800x128xf32, #tpu.memory_space<hbm>> -> memref<1x32x128xf32, #tpu.memory_space<hbm>>
      %dma_start3A_653 = tpu.memref_squeeze %dma_start3A_652 : memref<1x32x128xf32, #tpu.memory_space<hbm>> -> memref<32x128xf32, #tpu.memory_space<hbm>>
      %dma_start3A_654 = arith.constant 0 : i32
      %dma_start3A_655 = tpu.memref_slice %arg8[%dma_start3A_647, %add3A_581, %dma_start3A_654] : memref<8x204800x128xf32, #tpu.memory_space<hbm>> -> memref<1x32x128xf32, #tpu.memory_space<hbm>>
      %dma_start3A_656 = tpu.memref_squeeze %dma_start3A_655 : memref<1x32x128xf32, #tpu.memory_space<hbm>> -> memref<32x128xf32, #tpu.memory_space<hbm>>
      %dma_start3A_657 = arith.constant 0 : i32
      %dma_start3A_658 = arith.constant 640 : i32
      %dma_start3A_659 = tpu.memref_slice %arg15[%dma_start3A_657, %dma_start3A_658] : memref<32x1000xf32, #tpu.memory_space<vmem>> -> memref<32x128xf32, #tpu.memory_space<vmem>>
      tpu.enqueue_dma source(%dma_start3A_659 : memref<32x128xf32, #tpu.memory_space<vmem>>) target(%dma_start3A_656 : memref<32x128xf32, #tpu.memory_space<hbm>>) target_semaphore(%arg21 : memref<!tpu.dma_semaphore, #tpu.memory_space<semaphore_mem>>)
      %dma_start3A_660 = arith.constant 6 : i32
      %dma_start3A_661 = arith.constant 0 : i32
      %dma_start3A_662 = arith.constant 768 : i32
      %dma_start3A_663 = tpu.memref_slice %arg15[%dma_start3A_661, %dma_start3A_662] : memref<32x1000xf32, #tpu.memory_space<vmem>> -> memref<32x128xf32, #tpu.memory_space<vmem>>
      %dma_start3A_664 = arith.constant 0 : i32
      %dma_start3A_665 = tpu.memref_slice %arg8[%dma_start3A_660, %add3A_581, %dma_start3A_664] : memref<8x204800x128xf32, #tpu.memory_space<hbm>> -> memref<1x32x128xf32, #tpu.memory_space<hbm>>
      %dma_start3A_666 = tpu.memref_squeeze %dma_start3A_665 : memref<1x32x128xf32, #tpu.memory_space<hbm>> -> memref<32x128xf32, #tpu.memory_space<hbm>>
      %dma_start3A_667 = arith.constant 0 : i32
      %dma_start3A_668 = tpu.memref_slice %arg8[%dma_start3A_660, %add3A_581, %dma_start3A_667] : memref<8x204800x128xf32, #tpu.memory_space<hbm>> -> memref<1x32x128xf32, #tpu.memory_space<hbm>>
      %dma_start3A_669 = tpu.memref_squeeze %dma_start3A_668 : memref<1x32x128xf32, #tpu.memory_space<hbm>> -> memref<32x128xf32, #tpu.memory_space<hbm>>
      %dma_start3A_670 = arith.constant 0 : i32
      %dma_start3A_671 = arith.constant 768 : i32
      %dma_start3A_672 = tpu.memref_slice %arg15[%dma_start3A_670, %dma_start3A_671] : memref<32x1000xf32, #tpu.memory_space<vmem>> -> memref<32x128xf32, #tpu.memory_space<vmem>>
      tpu.enqueue_dma source(%dma_start3A_672 : memref<32x128xf32, #tpu.memory_space<vmem>>) target(%dma_start3A_669 : memref<32x128xf32, #tpu.memory_space<hbm>>) target_semaphore(%arg21 : memref<!tpu.dma_semaphore, #tpu.memory_space<semaphore_mem>>)
      %dma_start3A_673 = arith.constant 7 : i32
      %dma_start3A_674 = arith.constant 0 : i32
      %dma_start3A_675 = arith.constant 896 : i32
      %dma_start3A_676 = tpu.memref_slice %arg15[%dma_start3A_674, %dma_start3A_675] : memref<32x1000xf32, #tpu.memory_space<vmem>> -> memref<32x104xf32, #tpu.memory_space<vmem>>
      %dma_start3A_677 = arith.constant 0 : i32
      %dma_start3A_678 = tpu.memref_slice %arg8[%dma_start3A_673, %add3A_581, %dma_start3A_677] : memref<8x204800x128xf32, #tpu.memory_space<hbm>> -> memref<1x32x104xf32, #tpu.memory_space<hbm>>
      %dma_start3A_679 = tpu.memref_squeeze %dma_start3A_678 : memref<1x32x104xf32, #tpu.memory_space<hbm>> -> memref<32x104xf32, #tpu.memory_space<hbm>>
      %dma_start3A_680 = arith.constant 0 : i32
      %dma_start3A_681 = tpu.memref_slice %arg8[%dma_start3A_673, %add3A_581, %dma_start3A_680] : memref<8x204800x128xf32, #tpu.memory_space<hbm>> -> memref<1x32x104xf32, #tpu.memory_space<hbm>>
      %dma_start3A_682 = tpu.memref_squeeze %dma_start3A_681 : memref<1x32x104xf32, #tpu.memory_space<hbm>> -> memref<32x104xf32, #tpu.memory_space<hbm>>
      %dma_start3A_683 = arith.constant 0 : i32
      %dma_start3A_684 = arith.constant 896 : i32
      %dma_start3A_685 = tpu.memref_slice %arg15[%dma_start3A_683, %dma_start3A_684] : memref<32x1000xf32, #tpu.memory_space<vmem>> -> memref<32x104xf32, #tpu.memory_space<vmem>>
      tpu.enqueue_dma source(%dma_start3A_685 : memref<32x104xf32, #tpu.memory_space<vmem>>) target(%dma_start3A_682 : memref<32x104xf32, #tpu.memory_space<hbm>>) target_semaphore(%arg21 : memref<!tpu.dma_semaphore, #tpu.memory_space<semaphore_mem>>)
      %sub3A_686 = arith.constant 1 : i32
      %sub3A_687 = arith.subi %add3A_498, %sub3A_686 : i32
      %jit3A_688 = arith.constant 4 : i32
      %div3A_689 = arith.divsi %sub3A_687, %jit3A_688 : i32
      %sign3A_690 = arith.constant 0 : i32
      %sign3A_691 = arith.cmpi sgt, %sub3A_687, %sign3A_690 : i32
      %sign3A_692 = arith.extui %sign3A_691 : i1 to i32
      %sign3A_693 = arith.constant 0 : i32
      %sign3A_694 = arith.cmpi slt, %sub3A_687, %sign3A_693 : i32
      %sign3A_695 = arith.extui %sign3A_694 : i1 to i32
      %sign3A_696 = arith.subi %sign3A_692, %sign3A_695 : i32
      %sign3A_697 = arith.constant 0 : i32
      %sign3A_698 = arith.cmpi sgt, %jit3A_688, %sign3A_697 : i32
      %sign3A_699 = arith.extui %sign3A_698 : i1 to i32
      %sign3A_700 = arith.constant 0 : i32
      %sign3A_701 = arith.cmpi slt, %jit3A_688, %sign3A_700 : i32
      %sign3A_702 = arith.extui %sign3A_701 : i1 to i32
      %sign3A_703 = arith.subi %sign3A_699, %sign3A_702 : i32
      %ne3A_704 = arith.cmpi ne, %sign3A_696, %sign3A_703 : i32
      %rem3A_705 = arith.remsi %sub3A_687, %jit3A_688 : i32
      %ne3A_706 = arith.constant 0 : i32
      %ne3A_707 = arith.cmpi ne, %rem3A_705, %ne3A_706 : i32
      %and3A_708 = arith.andi %ne3A_704, %ne3A_707 : i1
      %sub3A_709 = arith.constant 1 : i32
      %sub3A_710 = arith.subi %div3A_689, %sub3A_709 : i32
      %select_n3A_711 = arith.select %and3A_708, %sub3A_710, %div3A_689 : i32
      %jit3A_712 = arith.constant 4 : i32
      %eq3A_713 = arith.constant 0 : i32
      %eq3A_714 = arith.cmpi eq, %jit3A_712, %eq3A_713 : i32
      %jit3A_715 = arith.constant 1 : i32
      %select_n3A_716 = arith.select %eq3A_714, %jit3A_715, %jit3A_712 : i32
      %rem3A_717 = arith.remsi %sub3A_687, %select_n3A_716 : i32
      %ne3A_718 = arith.constant 0 : i32
      %ne3A_719 = arith.cmpi ne, %rem3A_717, %ne3A_718 : i32
      %lt3A_720 = arith.constant 0 : i32
      %lt3A_721 = arith.cmpi slt, %rem3A_717, %lt3A_720 : i32
      %lt3A_722 = arith.constant 0 : i32
      %lt3A_723 = arith.cmpi slt, %select_n3A_716, %lt3A_722 : i32
      %ne3A_724 = arith.xori %lt3A_721, %lt3A_723 : i1
      %and3A_725 = arith.andi %ne3A_724, %ne3A_719 : i1
      %add3A_726 = arith.addi %rem3A_717, %select_n3A_716 : i32
      %select_n3A_727 = arith.select %and3A_725, %add3A_726, %rem3A_717 : i32
      %mul3A_728 = arith.constant 4096 : i32
      %mul3A_729 = arith.muli %select_n3A_711, %mul3A_728 : i32
      %add3A_730 = arith.addi %mul3A_729, %mul3A_2 : i32
      %mul3A_731 = arith.constant 32 : i32
      %mul3A_732 = arith.muli %select_n3A_727, %mul3A_731 : i32
      %add3A_733 = arith.addi %add3A_730, %mul3A_732 : i32
      %dma_wait3A_734 = arith.constant 0 : i32
      %dma_wait3A_735 = arith.constant 0 : i32
      %dma_wait3A_736 = arith.constant 0 : i32
      %dma_wait3A_737 = tpu.memref_slice %arg14[%dma_wait3A_735, %dma_wait3A_736] : memref<32x1000xf32, #tpu.memory_space<vmem>> -> memref<32x128xf32, #tpu.memory_space<vmem>>
      %dma_wait3A_738 = arith.constant 0 : i32
      %dma_wait3A_739 = tpu.memref_slice %arg8[%dma_wait3A_734, %add3A_733, %dma_wait3A_738] : memref<8x204800x128xf32, #tpu.memory_space<hbm>> -> memref<1x32x128xf32, #tpu.memory_space<hbm>>
      %dma_wait3A_740 = tpu.memref_squeeze %dma_wait3A_739 : memref<1x32x128xf32, #tpu.memory_space<hbm>> -> memref<32x128xf32, #tpu.memory_space<hbm>>
      %dma_wait3A_741 = arith.constant 0 : i32
      %dma_wait3A_742 = tpu.memref_slice %arg8[%dma_wait3A_734, %add3A_733, %dma_wait3A_741] : memref<8x204800x128xf32, #tpu.memory_space<hbm>> -> memref<1x32x128xf32, #tpu.memory_space<hbm>>
      %dma_wait3A_743 = tpu.memref_squeeze %dma_wait3A_742 : memref<1x32x128xf32, #tpu.memory_space<hbm>> -> memref<32x128xf32, #tpu.memory_space<hbm>>
      %dma_wait3A_744 = arith.constant 0 : i32
      %dma_wait3A_745 = arith.constant 0 : i32
      %dma_wait3A_746 = tpu.memref_slice %arg14[%dma_wait3A_744, %dma_wait3A_745] : memref<32x1000xf32, #tpu.memory_space<vmem>> -> memref<32x128xf32, #tpu.memory_space<vmem>>
      tpu.wait_dma2 semaphore(%arg20 : memref<!tpu.dma_semaphore, #tpu.memory_space<semaphore_mem>>) src(%dma_wait3A_746 : memref<32x128xf32, #tpu.memory_space<vmem>>) dst(%dma_wait3A_743 : memref<32x128xf32, #tpu.memory_space<hbm>>)
      %dma_wait3A_747 = arith.constant 1 : i32
      %dma_wait3A_748 = arith.constant 0 : i32
      %dma_wait3A_749 = arith.constant 128 : i32
      %dma_wait3A_750 = tpu.memref_slice %arg14[%dma_wait3A_748, %dma_wait3A_749] : memref<32x1000xf32, #tpu.memory_space<vmem>> -> memref<32x128xf32, #tpu.memory_space<vmem>>
      %dma_wait3A_751 = arith.constant 0 : i32
      %dma_wait3A_752 = tpu.memref_slice %arg8[%dma_wait3A_747, %add3A_733, %dma_wait3A_751] : memref<8x204800x128xf32, #tpu.memory_space<hbm>> -> memref<1x32x128xf32, #tpu.memory_space<hbm>>
      %dma_wait3A_753 = tpu.memref_squeeze %dma_wait3A_752 : memref<1x32x128xf32, #tpu.memory_space<hbm>> -> memref<32x128xf32, #tpu.memory_space<hbm>>
      %dma_wait3A_754 = arith.constant 0 : i32
      %dma_wait3A_755 = tpu.memref_slice %arg8[%dma_wait3A_747, %add3A_733, %dma_wait3A_754] : memref<8x204800x128xf32, #tpu.memory_space<hbm>> -> memref<1x32x128xf32, #tpu.memory_space<hbm>>
      %dma_wait3A_756 = tpu.memref_squeeze %dma_wait3A_755 : memref<1x32x128xf32, #tpu.memory_space<hbm>> -> memref<32x128xf32, #tpu.memory_space<hbm>>
      %dma_wait3A_757 = arith.constant 0 : i32
      %dma_wait3A_758 = arith.constant 128 : i32
      %dma_wait3A_759 = tpu.memref_slice %arg14[%dma_wait3A_757, %dma_wait3A_758] : memref<32x1000xf32, #tpu.memory_space<vmem>> -> memref<32x128xf32, #tpu.memory_space<vmem>>
      tpu.wait_dma2 semaphore(%arg20 : memref<!tpu.dma_semaphore, #tpu.memory_space<semaphore_mem>>) src(%dma_wait3A_759 : memref<32x128xf32, #tpu.memory_space<vmem>>) dst(%dma_wait3A_756 : memref<32x128xf32, #tpu.memory_space<hbm>>)
      %dma_wait3A_760 = arith.constant 2 : i32
      %dma_wait3A_761 = arith.constant 0 : i32
      %dma_wait3A_762 = arith.constant 256 : i32
      %dma_wait3A_763 = tpu.memref_slice %arg14[%dma_wait3A_761, %dma_wait3A_762] : memref<32x1000xf32, #tpu.memory_space<vmem>> -> memref<32x128xf32, #tpu.memory_space<vmem>>
      %dma_wait3A_764 = arith.constant 0 : i32
      %dma_wait3A_765 = tpu.memref_slice %arg8[%dma_wait3A_760, %add3A_733, %dma_wait3A_764] : memref<8x204800x128xf32, #tpu.memory_space<hbm>> -> memref<1x32x128xf32, #tpu.memory_space<hbm>>
      %dma_wait3A_766 = tpu.memref_squeeze %dma_wait3A_765 : memref<1x32x128xf32, #tpu.memory_space<hbm>> -> memref<32x128xf32, #tpu.memory_space<hbm>>
      %dma_wait3A_767 = arith.constant 0 : i32
      %dma_wait3A_768 = tpu.memref_slice %arg8[%dma_wait3A_760, %add3A_733, %dma_wait3A_767] : memref<8x204800x128xf32, #tpu.memory_space<hbm>> -> memref<1x32x128xf32, #tpu.memory_space<hbm>>
      %dma_wait3A_769 = tpu.memref_squeeze %dma_wait3A_768 : memref<1x32x128xf32, #tpu.memory_space<hbm>> -> memref<32x128xf32, #tpu.memory_space<hbm>>
      %dma_wait3A_770 = arith.constant 0 : i32
      %dma_wait3A_771 = arith.constant 256 : i32
      %dma_wait3A_772 = tpu.memref_slice %arg14[%dma_wait3A_770, %dma_wait3A_771] : memref<32x1000xf32, #tpu.memory_space<vmem>> -> memref<32x128xf32, #tpu.memory_space<vmem>>
      tpu.wait_dma2 semaphore(%arg20 : memref<!tpu.dma_semaphore, #tpu.memory_space<semaphore_mem>>) src(%dma_wait3A_772 : memref<32x128xf32, #tpu.memory_space<vmem>>) dst(%dma_wait3A_769 : memref<32x128xf32, #tpu.memory_space<hbm>>)
      %dma_wait3A_773 = arith.constant 3 : i32
      %dma_wait3A_774 = arith.constant 0 : i32
      %dma_wait3A_775 = arith.constant 384 : i32
      %dma_wait3A_776 = tpu.memref_slice %arg14[%dma_wait3A_774, %dma_wait3A_775] : memref<32x1000xf32, #tpu.memory_space<vmem>> -> memref<32x128xf32, #tpu.memory_space<vmem>>
      %dma_wait3A_777 = arith.constant 0 : i32
      %dma_wait3A_778 = tpu.memref_slice %arg8[%dma_wait3A_773, %add3A_733, %dma_wait3A_777] : memref<8x204800x128xf32, #tpu.memory_space<hbm>> -> memref<1x32x128xf32, #tpu.memory_space<hbm>>
      %dma_wait3A_779 = tpu.memref_squeeze %dma_wait3A_778 : memref<1x32x128xf32, #tpu.memory_space<hbm>> -> memref<32x128xf32, #tpu.memory_space<hbm>>
      %dma_wait3A_780 = arith.constant 0 : i32
      %dma_wait3A_781 = tpu.memref_slice %arg8[%dma_wait3A_773, %add3A_733, %dma_wait3A_780] : memref<8x204800x128xf32, #tpu.memory_space<hbm>> -> memref<1x32x128xf32, #tpu.memory_space<hbm>>
      %dma_wait3A_782 = tpu.memref_squeeze %dma_wait3A_781 : memref<1x32x128xf32, #tpu.memory_space<hbm>> -> memref<32x128xf32, #tpu.memory_space<hbm>>
      %dma_wait3A_783 = arith.constant 0 : i32
      %dma_wait3A_784 = arith.constant 384 : i32
      %dma_wait3A_785 = tpu.memref_slice %arg14[%dma_wait3A_783, %dma_wait3A_784] : memref<32x1000xf32, #tpu.memory_space<vmem>> -> memref<32x128xf32, #tpu.memory_space<vmem>>
      tpu.wait_dma2 semaphore(%arg20 : memref<!tpu.dma_semaphore, #tpu.memory_space<semaphore_mem>>) src(%dma_wait3A_785 : memref<32x128xf32, #tpu.memory_space<vmem>>) dst(%dma_wait3A_782 : memref<32x128xf32, #tpu.memory_space<hbm>>)
      %dma_wait3A_786 = arith.constant 4 : i32
      %dma_wait3A_787 = arith.constant 0 : i32
      %dma_wait3A_788 = arith.constant 512 : i32
      %dma_wait3A_789 = tpu.memref_slice %arg14[%dma_wait3A_787, %dma_wait3A_788] : memref<32x1000xf32, #tpu.memory_space<vmem>> -> memref<32x128xf32, #tpu.memory_space<vmem>>
      %dma_wait3A_790 = arith.constant 0 : i32
      %dma_wait3A_791 = tpu.memref_slice %arg8[%dma_wait3A_786, %add3A_733, %dma_wait3A_790] : memref<8x204800x128xf32, #tpu.memory_space<hbm>> -> memref<1x32x128xf32, #tpu.memory_space<hbm>>
      %dma_wait3A_792 = tpu.memref_squeeze %dma_wait3A_791 : memref<1x32x128xf32, #tpu.memory_space<hbm>> -> memref<32x128xf32, #tpu.memory_space<hbm>>
      %dma_wait3A_793 = arith.constant 0 : i32
      %dma_wait3A_794 = tpu.memref_slice %arg8[%dma_wait3A_786, %add3A_733, %dma_wait3A_793] : memref<8x204800x128xf32, #tpu.memory_space<hbm>> -> memref<1x32x128xf32, #tpu.memory_space<hbm>>
      %dma_wait3A_795 = tpu.memref_squeeze %dma_wait3A_794 : memref<1x32x128xf32, #tpu.memory_space<hbm>> -> memref<32x128xf32, #tpu.memory_space<hbm>>
      %dma_wait3A_796 = arith.constant 0 : i32
      %dma_wait3A_797 = arith.constant 512 : i32
      %dma_wait3A_798 = tpu.memref_slice %arg14[%dma_wait3A_796, %dma_wait3A_797] : memref<32x1000xf32, #tpu.memory_space<vmem>> -> memref<32x128xf32, #tpu.memory_space<vmem>>
      tpu.wait_dma2 semaphore(%arg20 : memref<!tpu.dma_semaphore, #tpu.memory_space<semaphore_mem>>) src(%dma_wait3A_798 : memref<32x128xf32, #tpu.memory_space<vmem>>) dst(%dma_wait3A_795 : memref<32x128xf32, #tpu.memory_space<hbm>>)
      %dma_wait3A_799 = arith.constant 5 : i32
      %dma_wait3A_800 = arith.constant 0 : i32
      %dma_wait3A_801 = arith.constant 640 : i32
      %dma_wait3A_802 = tpu.memref_slice %arg14[%dma_wait3A_800, %dma_wait3A_801] : memref<32x1000xf32, #tpu.memory_space<vmem>> -> memref<32x128xf32, #tpu.memory_space<vmem>>
      %dma_wait3A_803 = arith.constant 0 : i32
      %dma_wait3A_804 = tpu.memref_slice %arg8[%dma_wait3A_799, %add3A_733, %dma_wait3A_803] : memref<8x204800x128xf32, #tpu.memory_space<hbm>> -> memref<1x32x128xf32, #tpu.memory_space<hbm>>
      %dma_wait3A_805 = tpu.memref_squeeze %dma_wait3A_804 : memref<1x32x128xf32, #tpu.memory_space<hbm>> -> memref<32x128xf32, #tpu.memory_space<hbm>>
      %dma_wait3A_806 = arith.constant 0 : i32
      %dma_wait3A_807 = tpu.memref_slice %arg8[%dma_wait3A_799, %add3A_733, %dma_wait3A_806] : memref<8x204800x128xf32, #tpu.memory_space<hbm>> -> memref<1x32x128xf32, #tpu.memory_space<hbm>>
      %dma_wait3A_808 = tpu.memref_squeeze %dma_wait3A_807 : memref<1x32x128xf32, #tpu.memory_space<hbm>> -> memref<32x128xf32, #tpu.memory_space<hbm>>
      %dma_wait3A_809 = arith.constant 0 : i32
      %dma_wait3A_810 = arith.constant 640 : i32
      %dma_wait3A_811 = tpu.memref_slice %arg14[%dma_wait3A_809, %dma_wait3A_810] : memref<32x1000xf32, #tpu.memory_space<vmem>> -> memref<32x128xf32, #tpu.memory_space<vmem>>
      tpu.wait_dma2 semaphore(%arg20 : memref<!tpu.dma_semaphore, #tpu.memory_space<semaphore_mem>>) src(%dma_wait3A_811 : memref<32x128xf32, #tpu.memory_space<vmem>>) dst(%dma_wait3A_808 : memref<32x128xf32, #tpu.memory_space<hbm>>)
      %dma_wait3A_812 = arith.constant 6 : i32
      %dma_wait3A_813 = arith.constant 0 : i32
      %dma_wait3A_814 = arith.constant 768 : i32
      %dma_wait3A_815 = tpu.memref_slice %arg14[%dma_wait3A_813, %dma_wait3A_814] : memref<32x1000xf32, #tpu.memory_space<vmem>> -> memref<32x128xf32, #tpu.memory_space<vmem>>
      %dma_wait3A_816 = arith.constant 0 : i32
      %dma_wait3A_817 = tpu.memref_slice %arg8[%dma_wait3A_812, %add3A_733, %dma_wait3A_816] : memref<8x204800x128xf32, #tpu.memory_space<hbm>> -> memref<1x32x128xf32, #tpu.memory_space<hbm>>
      %dma_wait3A_818 = tpu.memref_squeeze %dma_wait3A_817 : memref<1x32x128xf32, #tpu.memory_space<hbm>> -> memref<32x128xf32, #tpu.memory_space<hbm>>
      %dma_wait3A_819 = arith.constant 0 : i32
      %dma_wait3A_820 = tpu.memref_slice %arg8[%dma_wait3A_812, %add3A_733, %dma_wait3A_819] : memref<8x204800x128xf32, #tpu.memory_space<hbm>> -> memref<1x32x128xf32, #tpu.memory_space<hbm>>
      %dma_wait3A_821 = tpu.memref_squeeze %dma_wait3A_820 : memref<1x32x128xf32, #tpu.memory_space<hbm>> -> memref<32x128xf32, #tpu.memory_space<hbm>>
      %dma_wait3A_822 = arith.constant 0 : i32
      %dma_wait3A_823 = arith.constant 768 : i32
      %dma_wait3A_824 = tpu.memref_slice %arg14[%dma_wait3A_822, %dma_wait3A_823] : memref<32x1000xf32, #tpu.memory_space<vmem>> -> memref<32x128xf32, #tpu.memory_space<vmem>>
      tpu.wait_dma2 semaphore(%arg20 : memref<!tpu.dma_semaphore, #tpu.memory_space<semaphore_mem>>) src(%dma_wait3A_824 : memref<32x128xf32, #tpu.memory_space<vmem>>) dst(%dma_wait3A_821 : memref<32x128xf32, #tpu.memory_space<hbm>>)
      %dma_wait3A_825 = arith.constant 7 : i32
      %dma_wait3A_826 = arith.constant 0 : i32
      %dma_wait3A_827 = arith.constant 896 : i32
      %dma_wait3A_828 = tpu.memref_slice %arg14[%dma_wait3A_826, %dma_wait3A_827] : memref<32x1000xf32, #tpu.memory_space<vmem>> -> memref<32x104xf32, #tpu.memory_space<vmem>>
      %dma_wait3A_829 = arith.constant 0 : i32
      %dma_wait3A_830 = tpu.memref_slice %arg8[%dma_wait3A_825, %add3A_733, %dma_wait3A_829] : memref<8x204800x128xf32, #tpu.memory_space<hbm>> -> memref<1x32x104xf32, #tpu.memory_space<hbm>>
      %dma_wait3A_831 = tpu.memref_squeeze %dma_wait3A_830 : memref<1x32x104xf32, #tpu.memory_space<hbm>> -> memref<32x104xf32, #tpu.memory_space<hbm>>
      %dma_wait3A_832 = arith.constant 0 : i32
      %dma_wait3A_833 = tpu.memref_slice %arg8[%dma_wait3A_825, %add3A_733, %dma_wait3A_832] : memref<8x204800x128xf32, #tpu.memory_space<hbm>> -> memref<1x32x104xf32, #tpu.memory_space<hbm>>
      %dma_wait3A_834 = tpu.memref_squeeze %dma_wait3A_833 : memref<1x32x104xf32, #tpu.memory_space<hbm>> -> memref<32x104xf32, #tpu.memory_space<hbm>>
      %dma_wait3A_835 = arith.constant 0 : i32
      %dma_wait3A_836 = arith.constant 896 : i32
      %dma_wait3A_837 = tpu.memref_slice %arg14[%dma_wait3A_835, %dma_wait3A_836] : memref<32x1000xf32, #tpu.memory_space<vmem>> -> memref<32x104xf32, #tpu.memory_space<vmem>>
      tpu.wait_dma2 semaphore(%arg20 : memref<!tpu.dma_semaphore, #tpu.memory_space<semaphore_mem>>) src(%dma_wait3A_837 : memref<32x104xf32, #tpu.memory_space<vmem>>) dst(%dma_wait3A_834 : memref<32x104xf32, #tpu.memory_space<hbm>>)
      %add3A_838 = arith.constant 1 : i32
      %add3A_839 = arith.addi %add3A_498, %add3A_838 : i32
      %jit3A_840 = arith.constant 4 : i32
      %div3A_841 = arith.divsi %add3A_839, %jit3A_840 : i32
      %sign3A_842 = arith.constant 0 : i32
      %sign3A_843 = arith.cmpi sgt, %add3A_839, %sign3A_842 : i32
      %sign3A_844 = arith.extui %sign3A_843 : i1 to i32
      %sign3A_845 = arith.constant 0 : i32
      %sign3A_846 = arith.cmpi slt, %add3A_839, %sign3A_845 : i32
      %sign3A_847 = arith.extui %sign3A_846 : i1 to i32
      %sign3A_848 = arith.subi %sign3A_844, %sign3A_847 : i32
      %sign3A_849 = arith.constant 0 : i32
      %sign3A_850 = arith.cmpi sgt, %jit3A_840, %sign3A_849 : i32
      %sign3A_851 = arith.extui %sign3A_850 : i1 to i32
      %sign3A_852 = arith.constant 0 : i32
      %sign3A_853 = arith.cmpi slt, %jit3A_840, %sign3A_852 : i32
      %sign3A_854 = arith.extui %sign3A_853 : i1 to i32
      %sign3A_855 = arith.subi %sign3A_851, %sign3A_854 : i32
      %ne3A_856 = arith.cmpi ne, %sign3A_848, %sign3A_855 : i32
      %rem3A_857 = arith.remsi %add3A_839, %jit3A_840 : i32
      %ne3A_858 = arith.constant 0 : i32
      %ne3A_859 = arith.cmpi ne, %rem3A_857, %ne3A_858 : i32
      %and3A_860 = arith.andi %ne3A_856, %ne3A_859 : i1
      %sub3A_861 = arith.constant 1 : i32
      %sub3A_862 = arith.subi %div3A_841, %sub3A_861 : i32
      %select_n3A_863 = arith.select %and3A_860, %sub3A_862, %div3A_841 : i32
      %jit3A_864 = arith.constant 4 : i32
      %eq3A_865 = arith.constant 0 : i32
      %eq3A_866 = arith.cmpi eq, %jit3A_864, %eq3A_865 : i32
      %jit3A_867 = arith.constant 1 : i32
      %select_n3A_868 = arith.select %eq3A_866, %jit3A_867, %jit3A_864 : i32
      %rem3A_869 = arith.remsi %add3A_839, %select_n3A_868 : i32
      %ne3A_870 = arith.constant 0 : i32
      %ne3A_871 = arith.cmpi ne, %rem3A_869, %ne3A_870 : i32
      %lt3A_872 = arith.constant 0 : i32
      %lt3A_873 = arith.cmpi slt, %rem3A_869, %lt3A_872 : i32
      %lt3A_874 = arith.constant 0 : i32
      %lt3A_875 = arith.cmpi slt, %select_n3A_868, %lt3A_874 : i32
      %ne3A_876 = arith.xori %lt3A_873, %lt3A_875 : i1
      %and3A_877 = arith.andi %ne3A_876, %ne3A_871 : i1
      %add3A_878 = arith.addi %rem3A_869, %select_n3A_868 : i32
      %select_n3A_879 = arith.select %and3A_877, %add3A_878, %rem3A_869 : i32
      %mul3A_880 = arith.constant 32 : i32
      %mul3A_881 = arith.muli %select_n3A_879, %mul3A_880 : i32
      %dma_start3A_882 = tpu.memref_slice %arg10[%select_n3A_863, %mul3A_881] : memref<50x128xi32, #tpu.memory_space<vmem>> -> memref<1x32xi32, #tpu.memory_space<vmem>>
      %dma_start3A_883 = tpu.memref_squeeze %dma_start3A_882 : memref<1x32xi32, #tpu.memory_space<vmem>> -> memref<32xi32, #tpu.memory_space<vmem>>
      %dma_start3A_884 = arith.constant 0 : i32
      %dma_start3A_885 = arith.constant 0 : i32
      %dma_start3A_886 = tpu.memref_slice %arg2[%dma_start3A_884, %dma_start3A_885] : memref<1000x1000xf32, #tpu.memory_space<hbm>> -> memref<1000x1000xf32, #tpu.memory_space<hbm>>
      tpu.enqueue_indirect_dma source(%dma_start3A_886 : memref<1000x1000xf32, #tpu.memory_space<hbm>>) target(%arg14 : memref<32x1000xf32, #tpu.memory_space<vmem>>) offsets(%dma_start3A_883 : memref<32xi32, #tpu.memory_space<vmem>>) semaphore(%arg18 : memref<!tpu.dma_semaphore, #tpu.memory_space<semaphore_mem>>)
      %mul3A_887 = arith.constant 2 : i32
      %mul3A_888 = arith.muli %mul3A_887, %scan3A_494 : i32
      %add3A_889 = arith.constant 2 : i32
      %add3A_890 = arith.addi %mul3A_888, %add3A_889 : i32
      %jit3A_891 = arith.constant 4 : i32
      %div3A_892 = arith.divsi %add3A_890, %jit3A_891 : i32
      %sign3A_893 = arith.constant 0 : i32
      %sign3A_894 = arith.cmpi sgt, %add3A_890, %sign3A_893 : i32
      %sign3A_895 = arith.extui %sign3A_894 : i1 to i32
      %sign3A_896 = arith.constant 0 : i32
      %sign3A_897 = arith.cmpi slt, %add3A_890, %sign3A_896 : i32
      %sign3A_898 = arith.extui %sign3A_897 : i1 to i32
      %sign3A_899 = arith.subi %sign3A_895, %sign3A_898 : i32
      %sign3A_900 = arith.constant 0 : i32
      %sign3A_901 = arith.cmpi sgt, %jit3A_891, %sign3A_900 : i32
      %sign3A_902 = arith.extui %sign3A_901 : i1 to i32
      %sign3A_903 = arith.constant 0 : i32
      %sign3A_904 = arith.cmpi slt, %jit3A_891, %sign3A_903 : i32
      %sign3A_905 = arith.extui %sign3A_904 : i1 to i32
      %sign3A_906 = arith.subi %sign3A_902, %sign3A_905 : i32
      %ne3A_907 = arith.cmpi ne, %sign3A_899, %sign3A_906 : i32
      %rem3A_908 = arith.remsi %add3A_890, %jit3A_891 : i32
      %ne3A_909 = arith.constant 0 : i32
      %ne3A_910 = arith.cmpi ne, %rem3A_908, %ne3A_909 : i32
      %and3A_911 = arith.andi %ne3A_907, %ne3A_910 : i1
      %sub3A_912 = arith.constant 1 : i32
      %sub3A_913 = arith.subi %div3A_892, %sub3A_912 : i32
      %select_n3A_914 = arith.select %and3A_911, %sub3A_913, %div3A_892 : i32
      %jit3A_915 = arith.constant 4 : i32
      %eq3A_916 = arith.constant 0 : i32
      %eq3A_917 = arith.cmpi eq, %jit3A_915, %eq3A_916 : i32
      %jit3A_918 = arith.constant 1 : i32
      %select_n3A_919 = arith.select %eq3A_917, %jit3A_918, %jit3A_915 : i32
      %rem3A_920 = arith.remsi %add3A_890, %select_n3A_919 : i32
      %ne3A_921 = arith.constant 0 : i32
      %ne3A_922 = arith.cmpi ne, %rem3A_920, %ne3A_921 : i32
      %lt3A_923 = arith.constant 0 : i32
      %lt3A_924 = arith.cmpi slt, %rem3A_920, %lt3A_923 : i32
      %lt3A_925 = arith.constant 0 : i32
      %lt3A_926 = arith.cmpi slt, %select_n3A_919, %lt3A_925 : i32
      %ne3A_927 = arith.xori %lt3A_924, %lt3A_926 : i1
      %and3A_928 = arith.andi %ne3A_927, %ne3A_922 : i1
      %add3A_929 = arith.addi %rem3A_920, %select_n3A_919 : i32
      %select_n3A_930 = arith.select %and3A_928, %add3A_929, %rem3A_920 : i32
      %mul3A_931 = arith.constant 32 : i32
      %mul3A_932 = arith.muli %select_n3A_930, %mul3A_931 : i32
      %dma_wait3A_933 = tpu.memref_slice %arg10[%select_n3A_914, %mul3A_932] : memref<50x128xi32, #tpu.memory_space<vmem>> -> memref<1x32xi32, #tpu.memory_space<vmem>>
      %dma_wait3A_934 = tpu.memref_squeeze %dma_wait3A_933 : memref<1x32xi32, #tpu.memory_space<vmem>> -> memref<32xi32, #tpu.memory_space<vmem>>
      %dma_wait3A_935 = arith.constant 0 : i32
      %dma_wait3A_936 = arith.constant 0 : i32
      %dma_wait3A_937 = tpu.memref_slice %arg2[%dma_wait3A_935, %dma_wait3A_936] : memref<1000x1000xf32, #tpu.memory_space<hbm>> -> memref<1000x1000xf32, #tpu.memory_space<hbm>>
      tpu.wait_indirect_dma semaphore(%arg18 : memref<!tpu.dma_semaphore, #tpu.memory_space<semaphore_mem>>) src(%dma_wait3A_937 : memref<1000x1000xf32, #tpu.memory_space<hbm>>) dst(%arg14 : memref<32x1000xf32, #tpu.memory_space<vmem>>)
      %jit3A_938 = arith.constant 4 : i32
      %div3A_939 = arith.divsi %add3A_890, %jit3A_938 : i32
      %sign3A_940 = arith.constant 0 : i32
      %sign3A_941 = arith.cmpi sgt, %add3A_890, %sign3A_940 : i32
      %sign3A_942 = arith.extui %sign3A_941 : i1 to i32
      %sign3A_943 = arith.constant 0 : i32
      %sign3A_944 = arith.cmpi slt, %add3A_890, %sign3A_943 : i32
      %sign3A_945 = arith.extui %sign3A_944 : i1 to i32
      %sign3A_946 = arith.subi %sign3A_942, %sign3A_945 : i32
      %sign3A_947 = arith.constant 0 : i32
      %sign3A_948 = arith.cmpi sgt, %jit3A_938, %sign3A_947 : i32
      %sign3A_949 = arith.extui %sign3A_948 : i1 to i32
      %sign3A_950 = arith.constant 0 : i32
      %sign3A_951 = arith.cmpi slt, %jit3A_938, %sign3A_950 : i32
      %sign3A_952 = arith.extui %sign3A_951 : i1 to i32
      %sign3A_953 = arith.subi %sign3A_949, %sign3A_952 : i32
      %ne3A_954 = arith.cmpi ne, %sign3A_946, %sign3A_953 : i32
      %rem3A_955 = arith.remsi %add3A_890, %jit3A_938 : i32
      %ne3A_956 = arith.constant 0 : i32
      %ne3A_957 = arith.cmpi ne, %rem3A_955, %ne3A_956 : i32
      %and3A_958 = arith.andi %ne3A_954, %ne3A_957 : i1
      %sub3A_959 = arith.constant 1 : i32
      %sub3A_960 = arith.subi %div3A_939, %sub3A_959 : i32
      %select_n3A_961 = arith.select %and3A_958, %sub3A_960, %div3A_939 : i32
      %jit3A_962 = arith.constant 4 : i32
      %eq3A_963 = arith.constant 0 : i32
      %eq3A_964 = arith.cmpi eq, %jit3A_962, %eq3A_963 : i32
      %jit3A_965 = arith.constant 1 : i32
      %select_n3A_966 = arith.select %eq3A_964, %jit3A_965, %jit3A_962 : i32
      %rem3A_967 = arith.remsi %add3A_890, %select_n3A_966 : i32
      %ne3A_968 = arith.constant 0 : i32
      %ne3A_969 = arith.cmpi ne, %rem3A_967, %ne3A_968 : i32
      %lt3A_970 = arith.constant 0 : i32
      %lt3A_971 = arith.cmpi slt, %rem3A_967, %lt3A_970 : i32
      %lt3A_972 = arith.constant 0 : i32
      %lt3A_973 = arith.cmpi slt, %select_n3A_966, %lt3A_972 : i32
      %ne3A_974 = arith.xori %lt3A_971, %lt3A_973 : i1
      %and3A_975 = arith.andi %ne3A_974, %ne3A_969 : i1
      %add3A_976 = arith.addi %rem3A_967, %select_n3A_966 : i32
      %select_n3A_977 = arith.select %and3A_975, %add3A_976, %rem3A_967 : i32
      %mul3A_978 = arith.constant 4096 : i32
      %mul3A_979 = arith.muli %select_n3A_961, %mul3A_978 : i32
      %add3A_980 = arith.addi %mul3A_979, %mul3A_2 : i32
      %mul3A_981 = arith.constant 32 : i32
      %mul3A_982 = arith.muli %select_n3A_977, %mul3A_981 : i32
      %add3A_983 = arith.addi %add3A_980, %mul3A_982 : i32
      %dma_start3A_984 = arith.constant 0 : i32
      %dma_start3A_985 = arith.constant 0 : i32
      %dma_start3A_986 = arith.constant 0 : i32
      %dma_start3A_987 = tpu.memref_slice %arg14[%dma_start3A_985, %dma_start3A_986] : memref<32x1000xf32, #tpu.memory_space<vmem>> -> memref<32x128xf32, #tpu.memory_space<vmem>>
      %dma_start3A_988 = arith.constant 0 : i32
      %dma_start3A_989 = tpu.memref_slice %arg8[%dma_start3A_984, %add3A_983, %dma_start3A_988] : memref<8x204800x128xf32, #tpu.memory_space<hbm>> -> memref<1x32x128xf32, #tpu.memory_space<hbm>>
      %dma_start3A_990 = tpu.memref_squeeze %dma_start3A_989 : memref<1x32x128xf32, #tpu.memory_space<hbm>> -> memref<32x128xf32, #tpu.memory_space<hbm>>
      %dma_start3A_991 = arith.constant 0 : i32
      %dma_start3A_992 = tpu.memref_slice %arg8[%dma_start3A_984, %add3A_983, %dma_start3A_991] : memref<8x204800x128xf32, #tpu.memory_space<hbm>> -> memref<1x32x128xf32, #tpu.memory_space<hbm>>
      %dma_start3A_993 = tpu.memref_squeeze %dma_start3A_992 : memref<1x32x128xf32, #tpu.memory_space<hbm>> -> memref<32x128xf32, #tpu.memory_space<hbm>>
      %dma_start3A_994 = arith.constant 0 : i32
      %dma_start3A_995 = arith.constant 0 : i32
      %dma_start3A_996 = tpu.memref_slice %arg14[%dma_start3A_994, %dma_start3A_995] : memref<32x1000xf32, #tpu.memory_space<vmem>> -> memref<32x128xf32, #tpu.memory_space<vmem>>
      tpu.enqueue_dma source(%dma_start3A_996 : memref<32x128xf32, #tpu.memory_space<vmem>>) target(%dma_start3A_993 : memref<32x128xf32, #tpu.memory_space<hbm>>) target_semaphore(%arg20 : memref<!tpu.dma_semaphore, #tpu.memory_space<semaphore_mem>>)
      %dma_start3A_997 = arith.constant 1 : i32
      %dma_start3A_998 = arith.constant 0 : i32
      %dma_start3A_999 = arith.constant 128 : i32
      %dma_start3A_1000 = tpu.memref_slice %arg14[%dma_start3A_998, %dma_start3A_999] : memref<32x1000xf32, #tpu.memory_space<vmem>> -> memref<32x128xf32, #tpu.memory_space<vmem>>
      %dma_start3A_1001 = arith.constant 0 : i32
      %dma_start3A_1002 = tpu.memref_slice %arg8[%dma_start3A_997, %add3A_983, %dma_start3A_1001] : memref<8x204800x128xf32, #tpu.memory_space<hbm>> -> memref<1x32x128xf32, #tpu.memory_space<hbm>>
      %dma_start3A_1003 = tpu.memref_squeeze %dma_start3A_1002 : memref<1x32x128xf32, #tpu.memory_space<hbm>> -> memref<32x128xf32, #tpu.memory_space<hbm>>
      %dma_start3A_1004 = arith.constant 0 : i32
      %dma_start3A_1005 = tpu.memref_slice %arg8[%dma_start3A_997, %add3A_983, %dma_start3A_1004] : memref<8x204800x128xf32, #tpu.memory_space<hbm>> -> memref<1x32x128xf32, #tpu.memory_space<hbm>>
      %dma_start3A_1006 = tpu.memref_squeeze %dma_start3A_1005 : memref<1x32x128xf32, #tpu.memory_space<hbm>> -> memref<32x128xf32, #tpu.memory_space<hbm>>
      %dma_start3A_1007 = arith.constant 0 : i32
      %dma_start3A_1008 = arith.constant 128 : i32
      %dma_start3A_1009 = tpu.memref_slice %arg14[%dma_start3A_1007, %dma_start3A_1008] : memref<32x1000xf32, #tpu.memory_space<vmem>> -> memref<32x128xf32, #tpu.memory_space<vmem>>
      tpu.enqueue_dma source(%dma_start3A_1009 : memref<32x128xf32, #tpu.memory_space<vmem>>) target(%dma_start3A_1006 : memref<32x128xf32, #tpu.memory_space<hbm>>) target_semaphore(%arg20 : memref<!tpu.dma_semaphore, #tpu.memory_space<semaphore_mem>>)
      %dma_start3A_1010 = arith.constant 2 : i32
      %dma_start3A_1011 = arith.constant 0 : i32
      %dma_start3A_1012 = arith.constant 256 : i32
      %dma_start3A_1013 = tpu.memref_slice %arg14[%dma_start3A_1011, %dma_start3A_1012] : memref<32x1000xf32, #tpu.memory_space<vmem>> -> memref<32x128xf32, #tpu.memory_space<vmem>>
      %dma_start3A_1014 = arith.constant 0 : i32
      %dma_start3A_1015 = tpu.memref_slice %arg8[%dma_start3A_1010, %add3A_983, %dma_start3A_1014] : memref<8x204800x128xf32, #tpu.memory_space<hbm>> -> memref<1x32x128xf32, #tpu.memory_space<hbm>>
      %dma_start3A_1016 = tpu.memref_squeeze %dma_start3A_1015 : memref<1x32x128xf32, #tpu.memory_space<hbm>> -> memref<32x128xf32, #tpu.memory_space<hbm>>
      %dma_start3A_1017 = arith.constant 0 : i32
      %dma_start3A_1018 = tpu.memref_slice %arg8[%dma_start3A_1010, %add3A_983, %dma_start3A_1017] : memref<8x204800x128xf32, #tpu.memory_space<hbm>> -> memref<1x32x128xf32, #tpu.memory_space<hbm>>
      %dma_start3A_1019 = tpu.memref_squeeze %dma_start3A_1018 : memref<1x32x128xf32, #tpu.memory_space<hbm>> -> memref<32x128xf32, #tpu.memory_space<hbm>>
      %dma_start3A_1020 = arith.constant 0 : i32
      %dma_start3A_1021 = arith.constant 256 : i32
      %dma_start3A_1022 = tpu.memref_slice %arg14[%dma_start3A_1020, %dma_start3A_1021] : memref<32x1000xf32, #tpu.memory_space<vmem>> -> memref<32x128xf32, #tpu.memory_space<vmem>>
      tpu.enqueue_dma source(%dma_start3A_1022 : memref<32x128xf32, #tpu.memory_space<vmem>>) target(%dma_start3A_1019 : memref<32x128xf32, #tpu.memory_space<hbm>>) target_semaphore(%arg20 : memref<!tpu.dma_semaphore, #tpu.memory_space<semaphore_mem>>)
      %dma_start3A_1023 = arith.constant 3 : i32
      %dma_start3A_1024 = arith.constant 0 : i32
      %dma_start3A_1025 = arith.constant 384 : i32
      %dma_start3A_1026 = tpu.memref_slice %arg14[%dma_start3A_1024, %dma_start3A_1025] : memref<32x1000xf32, #tpu.memory_space<vmem>> -> memref<32x128xf32, #tpu.memory_space<vmem>>
      %dma_start3A_1027 = arith.constant 0 : i32
      %dma_start3A_1028 = tpu.memref_slice %arg8[%dma_start3A_1023, %add3A_983, %dma_start3A_1027] : memref<8x204800x128xf32, #tpu.memory_space<hbm>> -> memref<1x32x128xf32, #tpu.memory_space<hbm>>
      %dma_start3A_1029 = tpu.memref_squeeze %dma_start3A_1028 : memref<1x32x128xf32, #tpu.memory_space<hbm>> -> memref<32x128xf32, #tpu.memory_space<hbm>>
      %dma_start3A_1030 = arith.constant 0 : i32
      %dma_start3A_1031 = tpu.memref_slice %arg8[%dma_start3A_1023, %add3A_983, %dma_start3A_1030] : memref<8x204800x128xf32, #tpu.memory_space<hbm>> -> memref<1x32x128xf32, #tpu.memory_space<hbm>>
      %dma_start3A_1032 = tpu.memref_squeeze %dma_start3A_1031 : memref<1x32x128xf32, #tpu.memory_space<hbm>> -> memref<32x128xf32, #tpu.memory_space<hbm>>
      %dma_start3A_1033 = arith.constant 0 : i32
      %dma_start3A_1034 = arith.constant 384 : i32
      %dma_start3A_1035 = tpu.memref_slice %arg14[%dma_start3A_1033, %dma_start3A_1034] : memref<32x1000xf32, #tpu.memory_space<vmem>> -> memref<32x128xf32, #tpu.memory_space<vmem>>
      tpu.enqueue_dma source(%dma_start3A_1035 : memref<32x128xf32, #tpu.memory_space<vmem>>) target(%dma_start3A_1032 : memref<32x128xf32, #tpu.memory_space<hbm>>) target_semaphore(%arg20 : memref<!tpu.dma_semaphore, #tpu.memory_space<semaphore_mem>>)
      %dma_start3A_1036 = arith.constant 4 : i32
      %dma_start3A_1037 = arith.constant 0 : i32
      %dma_start3A_1038 = arith.constant 512 : i32
      %dma_start3A_1039 = tpu.memref_slice %arg14[%dma_start3A_1037, %dma_start3A_1038] : memref<32x1000xf32, #tpu.memory_space<vmem>> -> memref<32x128xf32, #tpu.memory_space<vmem>>
      %dma_start3A_1040 = arith.constant 0 : i32
      %dma_start3A_1041 = tpu.memref_slice %arg8[%dma_start3A_1036, %add3A_983, %dma_start3A_1040] : memref<8x204800x128xf32, #tpu.memory_space<hbm>> -> memref<1x32x128xf32, #tpu.memory_space<hbm>>
      %dma_start3A_1042 = tpu.memref_squeeze %dma_start3A_1041 : memref<1x32x128xf32, #tpu.memory_space<hbm>> -> memref<32x128xf32, #tpu.memory_space<hbm>>
      %dma_start3A_1043 = arith.constant 0 : i32
      %dma_start3A_1044 = tpu.memref_slice %arg8[%dma_start3A_1036, %add3A_983, %dma_start3A_1043] : memref<8x204800x128xf32, #tpu.memory_space<hbm>> -> memref<1x32x128xf32, #tpu.memory_space<hbm>>
      %dma_start3A_1045 = tpu.memref_squeeze %dma_start3A_1044 : memref<1x32x128xf32, #tpu.memory_space<hbm>> -> memref<32x128xf32, #tpu.memory_space<hbm>>
      %dma_start3A_1046 = arith.constant 0 : i32
      %dma_start3A_1047 = arith.constant 512 : i32
      %dma_start3A_1048 = tpu.memref_slice %arg14[%dma_start3A_1046, %dma_start3A_1047] : memref<32x1000xf32, #tpu.memory_space<vmem>> -> memref<32x128xf32, #tpu.memory_space<vmem>>
      tpu.enqueue_dma source(%dma_start3A_1048 : memref<32x128xf32, #tpu.memory_space<vmem>>) target(%dma_start3A_1045 : memref<32x128xf32, #tpu.memory_space<hbm>>) target_semaphore(%arg20 : memref<!tpu.dma_semaphore, #tpu.memory_space<semaphore_mem>>)
      %dma_start3A_1049 = arith.constant 5 : i32
      %dma_start3A_1050 = arith.constant 0 : i32
      %dma_start3A_1051 = arith.constant 640 : i32
      %dma_start3A_1052 = tpu.memref_slice %arg14[%dma_start3A_1050, %dma_start3A_1051] : memref<32x1000xf32, #tpu.memory_space<vmem>> -> memref<32x128xf32, #tpu.memory_space<vmem>>
      %dma_start3A_1053 = arith.constant 0 : i32
      %dma_start3A_1054 = tpu.memref_slice %arg8[%dma_start3A_1049, %add3A_983, %dma_start3A_1053] : memref<8x204800x128xf32, #tpu.memory_space<hbm>> -> memref<1x32x128xf32, #tpu.memory_space<hbm>>
      %dma_start3A_1055 = tpu.memref_squeeze %dma_start3A_1054 : memref<1x32x128xf32, #tpu.memory_space<hbm>> -> memref<32x128xf32, #tpu.memory_space<hbm>>
      %dma_start3A_1056 = arith.constant 0 : i32
      %dma_start3A_1057 = tpu.memref_slice %arg8[%dma_start3A_1049, %add3A_983, %dma_start3A_1056] : memref<8x204800x128xf32, #tpu.memory_space<hbm>> -> memref<1x32x128xf32, #tpu.memory_space<hbm>>
      %dma_start3A_1058 = tpu.memref_squeeze %dma_start3A_1057 : memref<1x32x128xf32, #tpu.memory_space<hbm>> -> memref<32x128xf32, #tpu.memory_space<hbm>>
      %dma_start3A_1059 = arith.constant 0 : i32
      %dma_start3A_1060 = arith.constant 640 : i32
      %dma_start3A_1061 = tpu.memref_slice %arg14[%dma_start3A_1059, %dma_start3A_1060] : memref<32x1000xf32, #tpu.memory_space<vmem>> -> memref<32x128xf32, #tpu.memory_space<vmem>>
      tpu.enqueue_dma source(%dma_start3A_1061 : memref<32x128xf32, #tpu.memory_space<vmem>>) target(%dma_start3A_1058 : memref<32x128xf32, #tpu.memory_space<hbm>>) target_semaphore(%arg20 : memref<!tpu.dma_semaphore, #tpu.memory_space<semaphore_mem>>)
      %dma_start3A_1062 = arith.constant 6 : i32
      %dma_start3A_1063 = arith.constant 0 : i32
      %dma_start3A_1064 = arith.constant 768 : i32
      %dma_start3A_1065 = tpu.memref_slice %arg14[%dma_start3A_1063, %dma_start3A_1064] : memref<32x1000xf32, #tpu.memory_space<vmem>> -> memref<32x128xf32, #tpu.memory_space<vmem>>
      %dma_start3A_1066 = arith.constant 0 : i32
      %dma_start3A_1067 = tpu.memref_slice %arg8[%dma_start3A_1062, %add3A_983, %dma_start3A_1066] : memref<8x204800x128xf32, #tpu.memory_space<hbm>> -> memref<1x32x128xf32, #tpu.memory_space<hbm>>
      %dma_start3A_1068 = tpu.memref_squeeze %dma_start3A_1067 : memref<1x32x128xf32, #tpu.memory_space<hbm>> -> memref<32x128xf32, #tpu.memory_space<hbm>>
      %dma_start3A_1069 = arith.constant 0 : i32
      %dma_start3A_1070 = tpu.memref_slice %arg8[%dma_start3A_1062, %add3A_983, %dma_start3A_1069] : memref<8x204800x128xf32, #tpu.memory_space<hbm>> -> memref<1x32x128xf32, #tpu.memory_space<hbm>>
      %dma_start3A_1071 = tpu.memref_squeeze %dma_start3A_1070 : memref<1x32x128xf32, #tpu.memory_space<hbm>> -> memref<32x128xf32, #tpu.memory_space<hbm>>
      %dma_start3A_1072 = arith.constant 0 : i32
      %dma_start3A_1073 = arith.constant 768 : i32
      %dma_start3A_1074 = tpu.memref_slice %arg14[%dma_start3A_1072, %dma_start3A_1073] : memref<32x1000xf32, #tpu.memory_space<vmem>> -> memref<32x128xf32, #tpu.memory_space<vmem>>
      tpu.enqueue_dma source(%dma_start3A_1074 : memref<32x128xf32, #tpu.memory_space<vmem>>) target(%dma_start3A_1071 : memref<32x128xf32, #tpu.memory_space<hbm>>) target_semaphore(%arg20 : memref<!tpu.dma_semaphore, #tpu.memory_space<semaphore_mem>>)
      %dma_start3A_1075 = arith.constant 7 : i32
      %dma_start3A_1076 = arith.constant 0 : i32
      %dma_start3A_1077 = arith.constant 896 : i32
      %dma_start3A_1078 = tpu.memref_slice %arg14[%dma_start3A_1076, %dma_start3A_1077] : memref<32x1000xf32, #tpu.memory_space<vmem>> -> memref<32x104xf32, #tpu.memory_space<vmem>>
      %dma_start3A_1079 = arith.constant 0 : i32
      %dma_start3A_1080 = tpu.memref_slice %arg8[%dma_start3A_1075, %add3A_983, %dma_start3A_1079] : memref<8x204800x128xf32, #tpu.memory_space<hbm>> -> memref<1x32x104xf32, #tpu.memory_space<hbm>>
      %dma_start3A_1081 = tpu.memref_squeeze %dma_start3A_1080 : memref<1x32x104xf32, #tpu.memory_space<hbm>> -> memref<32x104xf32, #tpu.memory_space<hbm>>
      %dma_start3A_1082 = arith.constant 0 : i32
      %dma_start3A_1083 = tpu.memref_slice %arg8[%dma_start3A_1075, %add3A_983, %dma_start3A_1082] : memref<8x204800x128xf32, #tpu.memory_space<hbm>> -> memref<1x32x104xf32, #tpu.memory_space<hbm>>
      %dma_start3A_1084 = tpu.memref_squeeze %dma_start3A_1083 : memref<1x32x104xf32, #tpu.memory_space<hbm>> -> memref<32x104xf32, #tpu.memory_space<hbm>>
      %dma_start3A_1085 = arith.constant 0 : i32
      %dma_start3A_1086 = arith.constant 896 : i32
      %dma_start3A_1087 = tpu.memref_slice %arg14[%dma_start3A_1085, %dma_start3A_1086] : memref<32x1000xf32, #tpu.memory_space<vmem>> -> memref<32x104xf32, #tpu.memory_space<vmem>>
      tpu.enqueue_dma source(%dma_start3A_1087 : memref<32x104xf32, #tpu.memory_space<vmem>>) target(%dma_start3A_1084 : memref<32x104xf32, #tpu.memory_space<hbm>>) target_semaphore(%arg20 : memref<!tpu.dma_semaphore, #tpu.memory_space<semaphore_mem>>)
      %sub3A_1088 = arith.constant 1 : i32
      %sub3A_1089 = arith.subi %add3A_890, %sub3A_1088 : i32
      %jit3A_1090 = arith.constant 4 : i32
      %div3A_1091 = arith.divsi %sub3A_1089, %jit3A_1090 : i32
      %sign3A_1092 = arith.constant 0 : i32
      %sign3A_1093 = arith.cmpi sgt, %sub3A_1089, %sign3A_1092 : i32
      %sign3A_1094 = arith.extui %sign3A_1093 : i1 to i32
      %sign3A_1095 = arith.constant 0 : i32
      %sign3A_1096 = arith.cmpi slt, %sub3A_1089, %sign3A_1095 : i32
      %sign3A_1097 = arith.extui %sign3A_1096 : i1 to i32
      %sign3A_1098 = arith.subi %sign3A_1094, %sign3A_1097 : i32
      %sign3A_1099 = arith.constant 0 : i32
      %sign3A_1100 = arith.cmpi sgt, %jit3A_1090, %sign3A_1099 : i32
      %sign3A_1101 = arith.extui %sign3A_1100 : i1 to i32
      %sign3A_1102 = arith.constant 0 : i32
      %sign3A_1103 = arith.cmpi slt, %jit3A_1090, %sign3A_1102 : i32
      %sign3A_1104 = arith.extui %sign3A_1103 : i1 to i32
      %sign3A_1105 = arith.subi %sign3A_1101, %sign3A_1104 : i32
      %ne3A_1106 = arith.cmpi ne, %sign3A_1098, %sign3A_1105 : i32
      %rem3A_1107 = arith.remsi %sub3A_1089, %jit3A_1090 : i32
      %ne3A_1108 = arith.constant 0 : i32
      %ne3A_1109 = arith.cmpi ne, %rem3A_1107, %ne3A_1108 : i32
      %and3A_1110 = arith.andi %ne3A_1106, %ne3A_1109 : i1
      %sub3A_1111 = arith.constant 1 : i32
      %sub3A_1112 = arith.subi %div3A_1091, %sub3A_1111 : i32
      %select_n3A_1113 = arith.select %and3A_1110, %sub3A_1112, %div3A_1091 : i32
      %jit3A_1114 = arith.constant 4 : i32
      %eq3A_1115 = arith.constant 0 : i32
      %eq3A_1116 = arith.cmpi eq, %jit3A_1114, %eq3A_1115 : i32
      %jit3A_1117 = arith.constant 1 : i32
      %select_n3A_1118 = arith.select %eq3A_1116, %jit3A_1117, %jit3A_1114 : i32
      %rem3A_1119 = arith.remsi %sub3A_1089, %select_n3A_1118 : i32
      %ne3A_1120 = arith.constant 0 : i32
      %ne3A_1121 = arith.cmpi ne, %rem3A_1119, %ne3A_1120 : i32
      %lt3A_1122 = arith.constant 0 : i32
      %lt3A_1123 = arith.cmpi slt, %rem3A_1119, %lt3A_1122 : i32
      %lt3A_1124 = arith.constant 0 : i32
      %lt3A_1125 = arith.cmpi slt, %select_n3A_1118, %lt3A_1124 : i32
      %ne3A_1126 = arith.xori %lt3A_1123, %lt3A_1125 : i1
      %and3A_1127 = arith.andi %ne3A_1126, %ne3A_1121 : i1
      %add3A_1128 = arith.addi %rem3A_1119, %select_n3A_1118 : i32
      %select_n3A_1129 = arith.select %and3A_1127, %add3A_1128, %rem3A_1119 : i32
      %mul3A_1130 = arith.constant 4096 : i32
      %mul3A_1131 = arith.muli %select_n3A_1113, %mul3A_1130 : i32
      %add3A_1132 = arith.addi %mul3A_1131, %mul3A_2 : i32
      %mul3A_1133 = arith.constant 32 : i32
      %mul3A_1134 = arith.muli %select_n3A_1129, %mul3A_1133 : i32
      %add3A_1135 = arith.addi %add3A_1132, %mul3A_1134 : i32
      %dma_wait3A_1136 = arith.constant 0 : i32
      %dma_wait3A_1137 = arith.constant 0 : i32
      %dma_wait3A_1138 = arith.constant 0 : i32
      %dma_wait3A_1139 = tpu.memref_slice %arg15[%dma_wait3A_1137, %dma_wait3A_1138] : memref<32x1000xf32, #tpu.memory_space<vmem>> -> memref<32x128xf32, #tpu.memory_space<vmem>>
      %dma_wait3A_1140 = arith.constant 0 : i32
      %dma_wait3A_1141 = tpu.memref_slice %arg8[%dma_wait3A_1136, %add3A_1135, %dma_wait3A_1140] : memref<8x204800x128xf32, #tpu.memory_space<hbm>> -> memref<1x32x128xf32, #tpu.memory_space<hbm>>
      %dma_wait3A_1142 = tpu.memref_squeeze %dma_wait3A_1141 : memref<1x32x128xf32, #tpu.memory_space<hbm>> -> memref<32x128xf32, #tpu.memory_space<hbm>>
      %dma_wait3A_1143 = arith.constant 0 : i32
      %dma_wait3A_1144 = tpu.memref_slice %arg8[%dma_wait3A_1136, %add3A_1135, %dma_wait3A_1143] : memref<8x204800x128xf32, #tpu.memory_space<hbm>> -> memref<1x32x128xf32, #tpu.memory_space<hbm>>
      %dma_wait3A_1145 = tpu.memref_squeeze %dma_wait3A_1144 : memref<1x32x128xf32, #tpu.memory_space<hbm>> -> memref<32x128xf32, #tpu.memory_space<hbm>>
      %dma_wait3A_1146 = arith.constant 0 : i32
      %dma_wait3A_1147 = arith.constant 0 : i32
      %dma_wait3A_1148 = tpu.memref_slice %arg15[%dma_wait3A_1146, %dma_wait3A_1147] : memref<32x1000xf32, #tpu.memory_space<vmem>> -> memref<32x128xf32, #tpu.memory_space<vmem>>
      tpu.wait_dma2 semaphore(%arg21 : memref<!tpu.dma_semaphore, #tpu.memory_space<semaphore_mem>>) src(%dma_wait3A_1148 : memref<32x128xf32, #tpu.memory_space<vmem>>) dst(%dma_wait3A_1145 : memref<32x128xf32, #tpu.memory_space<hbm>>)
      %dma_wait3A_1149 = arith.constant 1 : i32
      %dma_wait3A_1150 = arith.constant 0 : i32
      %dma_wait3A_1151 = arith.constant 128 : i32
      %dma_wait3A_1152 = tpu.memref_slice %arg15[%dma_wait3A_1150, %dma_wait3A_1151] : memref<32x1000xf32, #tpu.memory_space<vmem>> -> memref<32x128xf32, #tpu.memory_space<vmem>>
      %dma_wait3A_1153 = arith.constant 0 : i32
      %dma_wait3A_1154 = tpu.memref_slice %arg8[%dma_wait3A_1149, %add3A_1135, %dma_wait3A_1153] : memref<8x204800x128xf32, #tpu.memory_space<hbm>> -> memref<1x32x128xf32, #tpu.memory_space<hbm>>
      %dma_wait3A_1155 = tpu.memref_squeeze %dma_wait3A_1154 : memref<1x32x128xf32, #tpu.memory_space<hbm>> -> memref<32x128xf32, #tpu.memory_space<hbm>>
      %dma_wait3A_1156 = arith.constant 0 : i32
      %dma_wait3A_1157 = tpu.memref_slice %arg8[%dma_wait3A_1149, %add3A_1135, %dma_wait3A_1156] : memref<8x204800x128xf32, #tpu.memory_space<hbm>> -> memref<1x32x128xf32, #tpu.memory_space<hbm>>
      %dma_wait3A_1158 = tpu.memref_squeeze %dma_wait3A_1157 : memref<1x32x128xf32, #tpu.memory_space<hbm>> -> memref<32x128xf32, #tpu.memory_space<hbm>>
      %dma_wait3A_1159 = arith.constant 0 : i32
      %dma_wait3A_1160 = arith.constant 128 : i32
      %dma_wait3A_1161 = tpu.memref_slice %arg15[%dma_wait3A_1159, %dma_wait3A_1160] : memref<32x1000xf32, #tpu.memory_space<vmem>> -> memref<32x128xf32, #tpu.memory_space<vmem>>
      tpu.wait_dma2 semaphore(%arg21 : memref<!tpu.dma_semaphore, #tpu.memory_space<semaphore_mem>>) src(%dma_wait3A_1161 : memref<32x128xf32, #tpu.memory_space<vmem>>) dst(%dma_wait3A_1158 : memref<32x128xf32, #tpu.memory_space<hbm>>)
      %dma_wait3A_1162 = arith.constant 2 : i32
      %dma_wait3A_1163 = arith.constant 0 : i32
      %dma_wait3A_1164 = arith.constant 256 : i32
      %dma_wait3A_1165 = tpu.memref_slice %arg15[%dma_wait3A_1163, %dma_wait3A_1164] : memref<32x1000xf32, #tpu.memory_space<vmem>> -> memref<32x128xf32, #tpu.memory_space<vmem>>
      %dma_wait3A_1166 = arith.constant 0 : i32
      %dma_wait3A_1167 = tpu.memref_slice %arg8[%dma_wait3A_1162, %add3A_1135, %dma_wait3A_1166] : memref<8x204800x128xf32, #tpu.memory_space<hbm>> -> memref<1x32x128xf32, #tpu.memory_space<hbm>>
      %dma_wait3A_1168 = tpu.memref_squeeze %dma_wait3A_1167 : memref<1x32x128xf32, #tpu.memory_space<hbm>> -> memref<32x128xf32, #tpu.memory_space<hbm>>
      %dma_wait3A_1169 = arith.constant 0 : i32
      %dma_wait3A_1170 = tpu.memref_slice %arg8[%dma_wait3A_1162, %add3A_1135, %dma_wait3A_1169] : memref<8x204800x128xf32, #tpu.memory_space<hbm>> -> memref<1x32x128xf32, #tpu.memory_space<hbm>>
      %dma_wait3A_1171 = tpu.memref_squeeze %dma_wait3A_1170 : memref<1x32x128xf32, #tpu.memory_space<hbm>> -> memref<32x128xf32, #tpu.memory_space<hbm>>
      %dma_wait3A_1172 = arith.constant 0 : i32
      %dma_wait3A_1173 = arith.constant 256 : i32
      %dma_wait3A_1174 = tpu.memref_slice %arg15[%dma_wait3A_1172, %dma_wait3A_1173] : memref<32x1000xf32, #tpu.memory_space<vmem>> -> memref<32x128xf32, #tpu.memory_space<vmem>>
      tpu.wait_dma2 semaphore(%arg21 : memref<!tpu.dma_semaphore, #tpu.memory_space<semaphore_mem>>) src(%dma_wait3A_1174 : memref<32x128xf32, #tpu.memory_space<vmem>>) dst(%dma_wait3A_1171 : memref<32x128xf32, #tpu.memory_space<hbm>>)
      %dma_wait3A_1175 = arith.constant 3 : i32
      %dma_wait3A_1176 = arith.constant 0 : i32
      %dma_wait3A_1177 = arith.constant 384 : i32
      %dma_wait3A_1178 = tpu.memref_slice %arg15[%dma_wait3A_1176, %dma_wait3A_1177] : memref<32x1000xf32, #tpu.memory_space<vmem>> -> memref<32x128xf32, #tpu.memory_space<vmem>>
      %dma_wait3A_1179 = arith.constant 0 : i32
      %dma_wait3A_1180 = tpu.memref_slice %arg8[%dma_wait3A_1175, %add3A_1135, %dma_wait3A_1179] : memref<8x204800x128xf32, #tpu.memory_space<hbm>> -> memref<1x32x128xf32, #tpu.memory_space<hbm>>
      %dma_wait3A_1181 = tpu.memref_squeeze %dma_wait3A_1180 : memref<1x32x128xf32, #tpu.memory_space<hbm>> -> memref<32x128xf32, #tpu.memory_space<hbm>>
      %dma_wait3A_1182 = arith.constant 0 : i32
      %dma_wait3A_1183 = tpu.memref_slice %arg8[%dma_wait3A_1175, %add3A_1135, %dma_wait3A_1182] : memref<8x204800x128xf32, #tpu.memory_space<hbm>> -> memref<1x32x128xf32, #tpu.memory_space<hbm>>
      %dma_wait3A_1184 = tpu.memref_squeeze %dma_wait3A_1183 : memref<1x32x128xf32, #tpu.memory_space<hbm>> -> memref<32x128xf32, #tpu.memory_space<hbm>>
      %dma_wait3A_1185 = arith.constant 0 : i32
      %dma_wait3A_1186 = arith.constant 384 : i32
      %dma_wait3A_1187 = tpu.memref_slice %arg15[%dma_wait3A_1185, %dma_wait3A_1186] : memref<32x1000xf32, #tpu.memory_space<vmem>> -> memref<32x128xf32, #tpu.memory_space<vmem>>
      tpu.wait_dma2 semaphore(%arg21 : memref<!tpu.dma_semaphore, #tpu.memory_space<semaphore_mem>>) src(%dma_wait3A_1187 : memref<32x128xf32, #tpu.memory_space<vmem>>) dst(%dma_wait3A_1184 : memref<32x128xf32, #tpu.memory_space<hbm>>)
      %dma_wait3A_1188 = arith.constant 4 : i32
      %dma_wait3A_1189 = arith.constant 0 : i32
      %dma_wait3A_1190 = arith.constant 512 : i32
      %dma_wait3A_1191 = tpu.memref_slice %arg15[%dma_wait3A_1189, %dma_wait3A_1190] : memref<32x1000xf32, #tpu.memory_space<vmem>> -> memref<32x128xf32, #tpu.memory_space<vmem>>
      %dma_wait3A_1192 = arith.constant 0 : i32
      %dma_wait3A_1193 = tpu.memref_slice %arg8[%dma_wait3A_1188, %add3A_1135, %dma_wait3A_1192] : memref<8x204800x128xf32, #tpu.memory_space<hbm>> -> memref<1x32x128xf32, #tpu.memory_space<hbm>>
      %dma_wait3A_1194 = tpu.memref_squeeze %dma_wait3A_1193 : memref<1x32x128xf32, #tpu.memory_space<hbm>> -> memref<32x128xf32, #tpu.memory_space<hbm>>
      %dma_wait3A_1195 = arith.constant 0 : i32
      %dma_wait3A_1196 = tpu.memref_slice %arg8[%dma_wait3A_1188, %add3A_1135, %dma_wait3A_1195] : memref<8x204800x128xf32, #tpu.memory_space<hbm>> -> memref<1x32x128xf32, #tpu.memory_space<hbm>>
      %dma_wait3A_1197 = tpu.memref_squeeze %dma_wait3A_1196 : memref<1x32x128xf32, #tpu.memory_space<hbm>> -> memref<32x128xf32, #tpu.memory_space<hbm>>
      %dma_wait3A_1198 = arith.constant 0 : i32
      %dma_wait3A_1199 = arith.constant 512 : i32
      %dma_wait3A_1200 = tpu.memref_slice %arg15[%dma_wait3A_1198, %dma_wait3A_1199] : memref<32x1000xf32, #tpu.memory_space<vmem>> -> memref<32x128xf32, #tpu.memory_space<vmem>>
      tpu.wait_dma2 semaphore(%arg21 : memref<!tpu.dma_semaphore, #tpu.memory_space<semaphore_mem>>) src(%dma_wait3A_1200 : memref<32x128xf32, #tpu.memory_space<vmem>>) dst(%dma_wait3A_1197 : memref<32x128xf32, #tpu.memory_space<hbm>>)
      %dma_wait3A_1201 = arith.constant 5 : i32
      %dma_wait3A_1202 = arith.constant 0 : i32
      %dma_wait3A_1203 = arith.constant 640 : i32
      %dma_wait3A_1204 = tpu.memref_slice %arg15[%dma_wait3A_1202, %dma_wait3A_1203] : memref<32x1000xf32, #tpu.memory_space<vmem>> -> memref<32x128xf32, #tpu.memory_space<vmem>>
      %dma_wait3A_1205 = arith.constant 0 : i32
      %dma_wait3A_1206 = tpu.memref_slice %arg8[%dma_wait3A_1201, %add3A_1135, %dma_wait3A_1205] : memref<8x204800x128xf32, #tpu.memory_space<hbm>> -> memref<1x32x128xf32, #tpu.memory_space<hbm>>
      %dma_wait3A_1207 = tpu.memref_squeeze %dma_wait3A_1206 : memref<1x32x128xf32, #tpu.memory_space<hbm>> -> memref<32x128xf32, #tpu.memory_space<hbm>>
      %dma_wait3A_1208 = arith.constant 0 : i32
      %dma_wait3A_1209 = tpu.memref_slice %arg8[%dma_wait3A_1201, %add3A_1135, %dma_wait3A_1208] : memref<8x204800x128xf32, #tpu.memory_space<hbm>> -> memref<1x32x128xf32, #tpu.memory_space<hbm>>
      %dma_wait3A_1210 = tpu.memref_squeeze %dma_wait3A_1209 : memref<1x32x128xf32, #tpu.memory_space<hbm>> -> memref<32x128xf32, #tpu.memory_space<hbm>>
      %dma_wait3A_1211 = arith.constant 0 : i32
      %dma_wait3A_1212 = arith.constant 640 : i32
      %dma_wait3A_1213 = tpu.memref_slice %arg15[%dma_wait3A_1211, %dma_wait3A_1212] : memref<32x1000xf32, #tpu.memory_space<vmem>> -> memref<32x128xf32, #tpu.memory_space<vmem>>
      tpu.wait_dma2 semaphore(%arg21 : memref<!tpu.dma_semaphore, #tpu.memory_space<semaphore_mem>>) src(%dma_wait3A_1213 : memref<32x128xf32, #tpu.memory_space<vmem>>) dst(%dma_wait3A_1210 : memref<32x128xf32, #tpu.memory_space<hbm>>)
      %dma_wait3A_1214 = arith.constant 6 : i32
      %dma_wait3A_1215 = arith.constant 0 : i32
      %dma_wait3A_1216 = arith.constant 768 : i32
      %dma_wait3A_1217 = tpu.memref_slice %arg15[%dma_wait3A_1215, %dma_wait3A_1216] : memref<32x1000xf32, #tpu.memory_space<vmem>> -> memref<32x128xf32, #tpu.memory_space<vmem>>
      %dma_wait3A_1218 = arith.constant 0 : i32
      %dma_wait3A_1219 = tpu.memref_slice %arg8[%dma_wait3A_1214, %add3A_1135, %dma_wait3A_1218] : memref<8x204800x128xf32, #tpu.memory_space<hbm>> -> memref<1x32x128xf32, #tpu.memory_space<hbm>>
      %dma_wait3A_1220 = tpu.memref_squeeze %dma_wait3A_1219 : memref<1x32x128xf32, #tpu.memory_space<hbm>> -> memref<32x128xf32, #tpu.memory_space<hbm>>
      %dma_wait3A_1221 = arith.constant 0 : i32
      %dma_wait3A_1222 = tpu.memref_slice %arg8[%dma_wait3A_1214, %add3A_1135, %dma_wait3A_1221] : memref<8x204800x128xf32, #tpu.memory_space<hbm>> -> memref<1x32x128xf32, #tpu.memory_space<hbm>>
      %dma_wait3A_1223 = tpu.memref_squeeze %dma_wait3A_1222 : memref<1x32x128xf32, #tpu.memory_space<hbm>> -> memref<32x128xf32, #tpu.memory_space<hbm>>
      %dma_wait3A_1224 = arith.constant 0 : i32
      %dma_wait3A_1225 = arith.constant 768 : i32
      %dma_wait3A_1226 = tpu.memref_slice %arg15[%dma_wait3A_1224, %dma_wait3A_1225] : memref<32x1000xf32, #tpu.memory_space<vmem>> -> memref<32x128xf32, #tpu.memory_space<vmem>>
      tpu.wait_dma2 semaphore(%arg21 : memref<!tpu.dma_semaphore, #tpu.memory_space<semaphore_mem>>) src(%dma_wait3A_1226 : memref<32x128xf32, #tpu.memory_space<vmem>>) dst(%dma_wait3A_1223 : memref<32x128xf32, #tpu.memory_space<hbm>>)
      %dma_wait3A_1227 = arith.constant 7 : i32
      %dma_wait3A_1228 = arith.constant 0 : i32
      %dma_wait3A_1229 = arith.constant 896 : i32
      %dma_wait3A_1230 = tpu.memref_slice %arg15[%dma_wait3A_1228, %dma_wait3A_1229] : memref<32x1000xf32, #tpu.memory_space<vmem>> -> memref<32x104xf32, #tpu.memory_space<vmem>>
      %dma_wait3A_1231 = arith.constant 0 : i32
      %dma_wait3A_1232 = tpu.memref_slice %arg8[%dma_wait3A_1227, %add3A_1135, %dma_wait3A_1231] : memref<8x204800x128xf32, #tpu.memory_space<hbm>> -> memref<1x32x104xf32, #tpu.memory_space<hbm>>
      %dma_wait3A_1233 = tpu.memref_squeeze %dma_wait3A_1232 : memref<1x32x104xf32, #tpu.memory_space<hbm>> -> memref<32x104xf32, #tpu.memory_space<hbm>>
      %dma_wait3A_1234 = arith.constant 0 : i32
      %dma_wait3A_1235 = tpu.memref_slice %arg8[%dma_wait3A_1227, %add3A_1135, %dma_wait3A_1234] : memref<8x204800x128xf32, #tpu.memory_space<hbm>> -> memref<1x32x104xf32, #tpu.memory_space<hbm>>
      %dma_wait3A_1236 = tpu.memref_squeeze %dma_wait3A_1235 : memref<1x32x104xf32, #tpu.memory_space<hbm>> -> memref<32x104xf32, #tpu.memory_space<hbm>>
      %dma_wait3A_1237 = arith.constant 0 : i32
      %dma_wait3A_1238 = arith.constant 896 : i32
      %dma_wait3A_1239 = tpu.memref_slice %arg15[%dma_wait3A_1237, %dma_wait3A_1238] : memref<32x1000xf32, #tpu.memory_space<vmem>> -> memref<32x104xf32, #tpu.memory_space<vmem>>
      tpu.wait_dma2 semaphore(%arg21 : memref<!tpu.dma_semaphore, #tpu.memory_space<semaphore_mem>>) src(%dma_wait3A_1239 : memref<32x104xf32, #tpu.memory_space<vmem>>) dst(%dma_wait3A_1236 : memref<32x104xf32, #tpu.memory_space<hbm>>)
      %add3A_1240 = arith.constant 1 : i32
      %add3A_1241 = arith.addi %add3A_890, %add3A_1240 : i32
      %jit3A_1242 = arith.constant 4 : i32
      %div3A_1243 = arith.divsi %add3A_1241, %jit3A_1242 : i32
      %sign3A_1244 = arith.constant 0 : i32
      %sign3A_1245 = arith.cmpi sgt, %add3A_1241, %sign3A_1244 : i32
      %sign3A_1246 = arith.extui %sign3A_1245 : i1 to i32
      %sign3A_1247 = arith.constant 0 : i32
      %sign3A_1248 = arith.cmpi slt, %add3A_1241, %sign3A_1247 : i32
      %sign3A_1249 = arith.extui %sign3A_1248 : i1 to i32
      %sign3A_1250 = arith.subi %sign3A_1246, %sign3A_1249 : i32
      %sign3A_1251 = arith.constant 0 : i32
      %sign3A_1252 = arith.cmpi sgt, %jit3A_1242, %sign3A_1251 : i32
      %sign3A_1253 = arith.extui %sign3A_1252 : i1 to i32
      %sign3A_1254 = arith.constant 0 : i32
      %sign3A_1255 = arith.cmpi slt, %jit3A_1242, %sign3A_1254 : i32
      %sign3A_1256 = arith.extui %sign3A_1255 : i1 to i32
      %sign3A_1257 = arith.subi %sign3A_1253, %sign3A_1256 : i32
      %ne3A_1258 = arith.cmpi ne, %sign3A_1250, %sign3A_1257 : i32
      %rem3A_1259 = arith.remsi %add3A_1241, %jit3A_1242 : i32
      %ne3A_1260 = arith.constant 0 : i32
      %ne3A_1261 = arith.cmpi ne, %rem3A_1259, %ne3A_1260 : i32
      %and3A_1262 = arith.andi %ne3A_1258, %ne3A_1261 : i1
      %sub3A_1263 = arith.constant 1 : i32
      %sub3A_1264 = arith.subi %div3A_1243, %sub3A_1263 : i32
      %select_n3A_1265 = arith.select %and3A_1262, %sub3A_1264, %div3A_1243 : i32
      %jit3A_1266 = arith.constant 4 : i32
      %eq3A_1267 = arith.constant 0 : i32
      %eq3A_1268 = arith.cmpi eq, %jit3A_1266, %eq3A_1267 : i32
      %jit3A_1269 = arith.constant 1 : i32
      %select_n3A_1270 = arith.select %eq3A_1268, %jit3A_1269, %jit3A_1266 : i32
      %rem3A_1271 = arith.remsi %add3A_1241, %select_n3A_1270 : i32
      %ne3A_1272 = arith.constant 0 : i32
      %ne3A_1273 = arith.cmpi ne, %rem3A_1271, %ne3A_1272 : i32
      %lt3A_1274 = arith.constant 0 : i32
      %lt3A_1275 = arith.cmpi slt, %rem3A_1271, %lt3A_1274 : i32
      %lt3A_1276 = arith.constant 0 : i32
      %lt3A_1277 = arith.cmpi slt, %select_n3A_1270, %lt3A_1276 : i32
      %ne3A_1278 = arith.xori %lt3A_1275, %lt3A_1277 : i1
      %and3A_1279 = arith.andi %ne3A_1278, %ne3A_1273 : i1
      %add3A_1280 = arith.addi %rem3A_1271, %select_n3A_1270 : i32
      %select_n3A_1281 = arith.select %and3A_1279, %add3A_1280, %rem3A_1271 : i32
      %mul3A_1282 = arith.constant 32 : i32
      %mul3A_1283 = arith.muli %select_n3A_1281, %mul3A_1282 : i32
      %dma_start3A_1284 = tpu.memref_slice %arg10[%select_n3A_1265, %mul3A_1283] : memref<50x128xi32, #tpu.memory_space<vmem>> -> memref<1x32xi32, #tpu.memory_space<vmem>>
      %dma_start3A_1285 = tpu.memref_squeeze %dma_start3A_1284 : memref<1x32xi32, #tpu.memory_space<vmem>> -> memref<32xi32, #tpu.memory_space<vmem>>
      %dma_start3A_1286 = arith.constant 0 : i32
      %dma_start3A_1287 = arith.constant 0 : i32
      %dma_start3A_1288 = tpu.memref_slice %arg2[%dma_start3A_1286, %dma_start3A_1287] : memref<1000x1000xf32, #tpu.memory_space<hbm>> -> memref<1000x1000xf32, #tpu.memory_space<hbm>>
      tpu.enqueue_indirect_dma source(%dma_start3A_1288 : memref<1000x1000xf32, #tpu.memory_space<hbm>>) target(%arg15 : memref<32x1000xf32, #tpu.memory_space<vmem>>) offsets(%dma_start3A_1285 : memref<32xi32, #tpu.memory_space<vmem>>) semaphore(%arg19 : memref<!tpu.dma_semaphore, #tpu.memory_space<semaphore_mem>>)
    }
    %scan3A_150 = arith.constant 99 : i32
    %dma_wait3A_151 = arith.constant 49 : i32
    %dma_wait3A_152 = arith.constant 96 : i32
    %dma_wait3A_153 = tpu.memref_slice %arg10[%dma_wait3A_151, %dma_wait3A_152] : memref<50x128xi32, #tpu.memory_space<vmem>> -> memref<1x32xi32, #tpu.memory_space<vmem>>
    %dma_wait3A_154 = tpu.memref_squeeze %dma_wait3A_153 : memref<1x32xi32, #tpu.memory_space<vmem>> -> memref<32xi32, #tpu.memory_space<vmem>>
    %dma_wait3A_155 = arith.constant 0 : i32
    %dma_wait3A_156 = arith.constant 0 : i32
    %dma_wait3A_157 = tpu.memref_slice %arg2[%dma_wait3A_155, %dma_wait3A_156] : memref<1000x1000xf32, #tpu.memory_space<hbm>> -> memref<1000x1000xf32, #tpu.memory_space<hbm>>
    tpu.wait_indirect_dma semaphore(%arg19 : memref<!tpu.dma_semaphore, #tpu.memory_space<semaphore_mem>>) src(%dma_wait3A_157 : memref<1000x1000xf32, #tpu.memory_space<hbm>>) dst(%arg15 : memref<32x1000xf32, #tpu.memory_space<vmem>>)
    %add3A_158 = arith.constant 200704 : i32
    %add3A_159 = arith.addi %add3A_158, %mul3A_2 : i32
    %add3A_160 = arith.constant 96 : i32
    %add3A_161 = arith.addi %add3A_159, %add3A_160 : i32
    %dma_start3A_162 = arith.constant 0 : i32
    %dma_start3A_163 = arith.constant 0 : i32
    %dma_start3A_164 = arith.constant 0 : i32
    %dma_start3A_165 = tpu.memref_slice %arg15[%dma_start3A_163, %dma_start3A_164] : memref<32x1000xf32, #tpu.memory_space<vmem>> -> memref<32x128xf32, #tpu.memory_space<vmem>>
    %dma_start3A_166 = arith.constant 0 : i32
    %dma_start3A_167 = tpu.memref_slice %arg8[%dma_start3A_162, %add3A_161, %dma_start3A_166] : memref<8x204800x128xf32, #tpu.memory_space<hbm>> -> memref<1x32x128xf32, #tpu.memory_space<hbm>>
    %dma_start3A_168 = tpu.memref_squeeze %dma_start3A_167 : memref<1x32x128xf32, #tpu.memory_space<hbm>> -> memref<32x128xf32, #tpu.memory_space<hbm>>
    %dma_start3A_169 = arith.constant 0 : i32
    %dma_start3A_170 = tpu.memref_slice %arg8[%dma_start3A_162, %add3A_161, %dma_start3A_169] : memref<8x204800x128xf32, #tpu.memory_space<hbm>> -> memref<1x32x128xf32, #tpu.memory_space<hbm>>
    %dma_start3A_171 = tpu.memref_squeeze %dma_start3A_170 : memref<1x32x128xf32, #tpu.memory_space<hbm>> -> memref<32x128xf32, #tpu.memory_space<hbm>>
    %dma_start3A_172 = arith.constant 0 : i32
    %dma_start3A_173 = arith.constant 0 : i32
    %dma_start3A_174 = tpu.memref_slice %arg15[%dma_start3A_172, %dma_start3A_173] : memref<32x1000xf32, #tpu.memory_space<vmem>> -> memref<32x128xf32, #tpu.memory_space<vmem>>
    tpu.enqueue_dma source(%dma_start3A_174 : memref<32x128xf32, #tpu.memory_space<vmem>>) target(%dma_start3A_171 : memref<32x128xf32, #tpu.memory_space<hbm>>) target_semaphore(%arg21 : memref<!tpu.dma_semaphore, #tpu.memory_space<semaphore_mem>>)
    %dma_start3A_175 = arith.constant 1 : i32
    %dma_start3A_176 = arith.constant 0 : i32
    %dma_start3A_177 = arith.constant 128 : i32
    %dma_start3A_178 = tpu.memref_slice %arg15[%dma_start3A_176, %dma_start3A_177] : memref<32x1000xf32, #tpu.memory_space<vmem>> -> memref<32x128xf32, #tpu.memory_space<vmem>>
    %dma_start3A_179 = arith.constant 0 : i32
    %dma_start3A_180 = tpu.memref_slice %arg8[%dma_start3A_175, %add3A_161, %dma_start3A_179] : memref<8x204800x128xf32, #tpu.memory_space<hbm>> -> memref<1x32x128xf32, #tpu.memory_space<hbm>>
    %dma_start3A_181 = tpu.memref_squeeze %dma_start3A_180 : memref<1x32x128xf32, #tpu.memory_space<hbm>> -> memref<32x128xf32, #tpu.memory_space<hbm>>
    %dma_start3A_182 = arith.constant 0 : i32
    %dma_start3A_183 = tpu.memref_slice %arg8[%dma_start3A_175, %add3A_161, %dma_start3A_182] : memref<8x204800x128xf32, #tpu.memory_space<hbm>> -> memref<1x32x128xf32, #tpu.memory_space<hbm>>
    %dma_start3A_184 = tpu.memref_squeeze %dma_start3A_183 : memref<1x32x128xf32, #tpu.memory_space<hbm>> -> memref<32x128xf32, #tpu.memory_space<hbm>>
    %dma_start3A_185 = arith.constant 0 : i32
    %dma_start3A_186 = arith.constant 128 : i32
    %dma_start3A_187 = tpu.memref_slice %arg15[%dma_start3A_185, %dma_start3A_186] : memref<32x1000xf32, #tpu.memory_space<vmem>> -> memref<32x128xf32, #tpu.memory_space<vmem>>
    tpu.enqueue_dma source(%dma_start3A_187 : memref<32x128xf32, #tpu.memory_space<vmem>>) target(%dma_start3A_184 : memref<32x128xf32, #tpu.memory_space<hbm>>) target_semaphore(%arg21 : memref<!tpu.dma_semaphore, #tpu.memory_space<semaphore_mem>>)
    %dma_start3A_188 = arith.constant 2 : i32
    %dma_start3A_189 = arith.constant 0 : i32
    %dma_start3A_190 = arith.constant 256 : i32
    %dma_start3A_191 = tpu.memref_slice %arg15[%dma_start3A_189, %dma_start3A_190] : memref<32x1000xf32, #tpu.memory_space<vmem>> -> memref<32x128xf32, #tpu.memory_space<vmem>>
    %dma_start3A_192 = arith.constant 0 : i32
    %dma_start3A_193 = tpu.memref_slice %arg8[%dma_start3A_188, %add3A_161, %dma_start3A_192] : memref<8x204800x128xf32, #tpu.memory_space<hbm>> -> memref<1x32x128xf32, #tpu.memory_space<hbm>>
    %dma_start3A_194 = tpu.memref_squeeze %dma_start3A_193 : memref<1x32x128xf32, #tpu.memory_space<hbm>> -> memref<32x128xf32, #tpu.memory_space<hbm>>
    %dma_start3A_195 = arith.constant 0 : i32
    %dma_start3A_196 = tpu.memref_slice %arg8[%dma_start3A_188, %add3A_161, %dma_start3A_195] : memref<8x204800x128xf32, #tpu.memory_space<hbm>> -> memref<1x32x128xf32, #tpu.memory_space<hbm>>
    %dma_start3A_197 = tpu.memref_squeeze %dma_start3A_196 : memref<1x32x128xf32, #tpu.memory_space<hbm>> -> memref<32x128xf32, #tpu.memory_space<hbm>>
    %dma_start3A_198 = arith.constant 0 : i32
    %dma_start3A_199 = arith.constant 256 : i32
    %dma_start3A_200 = tpu.memref_slice %arg15[%dma_start3A_198, %dma_start3A_199] : memref<32x1000xf32, #tpu.memory_space<vmem>> -> memref<32x128xf32, #tpu.memory_space<vmem>>
    tpu.enqueue_dma source(%dma_start3A_200 : memref<32x128xf32, #tpu.memory_space<vmem>>) target(%dma_start3A_197 : memref<32x128xf32, #tpu.memory_space<hbm>>) target_semaphore(%arg21 : memref<!tpu.dma_semaphore, #tpu.memory_space<semaphore_mem>>)
    %dma_start3A_201 = arith.constant 3 : i32
    %dma_start3A_202 = arith.constant 0 : i32
    %dma_start3A_203 = arith.constant 384 : i32
    %dma_start3A_204 = tpu.memref_slice %arg15[%dma_start3A_202, %dma_start3A_203] : memref<32x1000xf32, #tpu.memory_space<vmem>> -> memref<32x128xf32, #tpu.memory_space<vmem>>
    %dma_start3A_205 = arith.constant 0 : i32
    %dma_start3A_206 = tpu.memref_slice %arg8[%dma_start3A_201, %add3A_161, %dma_start3A_205] : memref<8x204800x128xf32, #tpu.memory_space<hbm>> -> memref<1x32x128xf32, #tpu.memory_space<hbm>>
    %dma_start3A_207 = tpu.memref_squeeze %dma_start3A_206 : memref<1x32x128xf32, #tpu.memory_space<hbm>> -> memref<32x128xf32, #tpu.memory_space<hbm>>
    %dma_start3A_208 = arith.constant 0 : i32
    %dma_start3A_209 = tpu.memref_slice %arg8[%dma_start3A_201, %add3A_161, %dma_start3A_208] : memref<8x204800x128xf32, #tpu.memory_space<hbm>> -> memref<1x32x128xf32, #tpu.memory_space<hbm>>
    %dma_start3A_210 = tpu.memref_squeeze %dma_start3A_209 : memref<1x32x128xf32, #tpu.memory_space<hbm>> -> memref<32x128xf32, #tpu.memory_space<hbm>>
    %dma_start3A_211 = arith.constant 0 : i32
    %dma_start3A_212 = arith.constant 384 : i32
    %dma_start3A_213 = tpu.memref_slice %arg15[%dma_start3A_211, %dma_start3A_212] : memref<32x1000xf32, #tpu.memory_space<vmem>> -> memref<32x128xf32, #tpu.memory_space<vmem>>
    tpu.enqueue_dma source(%dma_start3A_213 : memref<32x128xf32, #tpu.memory_space<vmem>>) target(%dma_start3A_210 : memref<32x128xf32, #tpu.memory_space<hbm>>) target_semaphore(%arg21 : memref<!tpu.dma_semaphore, #tpu.memory_space<semaphore_mem>>)
    %dma_start3A_214 = arith.constant 4 : i32
    %dma_start3A_215 = arith.constant 0 : i32
    %dma_start3A_216 = arith.constant 512 : i32
    %dma_start3A_217 = tpu.memref_slice %arg15[%dma_start3A_215, %dma_start3A_216] : memref<32x1000xf32, #tpu.memory_space<vmem>> -> memref<32x128xf32, #tpu.memory_space<vmem>>
    %dma_start3A_218 = arith.constant 0 : i32
    %dma_start3A_219 = tpu.memref_slice %arg8[%dma_start3A_214, %add3A_161, %dma_start3A_218] : memref<8x204800x128xf32, #tpu.memory_space<hbm>> -> memref<1x32x128xf32, #tpu.memory_space<hbm>>
    %dma_start3A_220 = tpu.memref_squeeze %dma_start3A_219 : memref<1x32x128xf32, #tpu.memory_space<hbm>> -> memref<32x128xf32, #tpu.memory_space<hbm>>
    %dma_start3A_221 = arith.constant 0 : i32
    %dma_start3A_222 = tpu.memref_slice %arg8[%dma_start3A_214, %add3A_161, %dma_start3A_221] : memref<8x204800x128xf32, #tpu.memory_space<hbm>> -> memref<1x32x128xf32, #tpu.memory_space<hbm>>
    %dma_start3A_223 = tpu.memref_squeeze %dma_start3A_222 : memref<1x32x128xf32, #tpu.memory_space<hbm>> -> memref<32x128xf32, #tpu.memory_space<hbm>>
    %dma_start3A_224 = arith.constant 0 : i32
    %dma_start3A_225 = arith.constant 512 : i32
    %dma_start3A_226 = tpu.memref_slice %arg15[%dma_start3A_224, %dma_start3A_225] : memref<32x1000xf32, #tpu.memory_space<vmem>> -> memref<32x128xf32, #tpu.memory_space<vmem>>
    tpu.enqueue_dma source(%dma_start3A_226 : memref<32x128xf32, #tpu.memory_space<vmem>>) target(%dma_start3A_223 : memref<32x128xf32, #tpu.memory_space<hbm>>) target_semaphore(%arg21 : memref<!tpu.dma_semaphore, #tpu.memory_space<semaphore_mem>>)
    %dma_start3A_227 = arith.constant 5 : i32
    %dma_start3A_228 = arith.constant 0 : i32
    %dma_start3A_229 = arith.constant 640 : i32
    %dma_start3A_230 = tpu.memref_slice %arg15[%dma_start3A_228, %dma_start3A_229] : memref<32x1000xf32, #tpu.memory_space<vmem>> -> memref<32x128xf32, #tpu.memory_space<vmem>>
    %dma_start3A_231 = arith.constant 0 : i32
    %dma_start3A_232 = tpu.memref_slice %arg8[%dma_start3A_227, %add3A_161, %dma_start3A_231] : memref<8x204800x128xf32, #tpu.memory_space<hbm>> -> memref<1x32x128xf32, #tpu.memory_space<hbm>>
    %dma_start3A_233 = tpu.memref_squeeze %dma_start3A_232 : memref<1x32x128xf32, #tpu.memory_space<hbm>> -> memref<32x128xf32, #tpu.memory_space<hbm>>
    %dma_start3A_234 = arith.constant 0 : i32
    %dma_start3A_235 = tpu.memref_slice %arg8[%dma_start3A_227, %add3A_161, %dma_start3A_234] : memref<8x204800x128xf32, #tpu.memory_space<hbm>> -> memref<1x32x128xf32, #tpu.memory_space<hbm>>
    %dma_start3A_236 = tpu.memref_squeeze %dma_start3A_235 : memref<1x32x128xf32, #tpu.memory_space<hbm>> -> memref<32x128xf32, #tpu.memory_space<hbm>>
    %dma_start3A_237 = arith.constant 0 : i32
    %dma_start3A_238 = arith.constant 640 : i32
    %dma_start3A_239 = tpu.memref_slice %arg15[%dma_start3A_237, %dma_start3A_238] : memref<32x1000xf32, #tpu.memory_space<vmem>> -> memref<32x128xf32, #tpu.memory_space<vmem>>
    tpu.enqueue_dma source(%dma_start3A_239 : memref<32x128xf32, #tpu.memory_space<vmem>>) target(%dma_start3A_236 : memref<32x128xf32, #tpu.memory_space<hbm>>) target_semaphore(%arg21 : memref<!tpu.dma_semaphore, #tpu.memory_space<semaphore_mem>>)
    %dma_start3A_240 = arith.constant 6 : i32
    %dma_start3A_241 = arith.constant 0 : i32
    %dma_start3A_242 = arith.constant 768 : i32
    %dma_start3A_243 = tpu.memref_slice %arg15[%dma_start3A_241, %dma_start3A_242] : memref<32x1000xf32, #tpu.memory_space<vmem>> -> memref<32x128xf32, #tpu.memory_space<vmem>>
    %dma_start3A_244 = arith.constant 0 : i32
    %dma_start3A_245 = tpu.memref_slice %arg8[%dma_start3A_240, %add3A_161, %dma_start3A_244] : memref<8x204800x128xf32, #tpu.memory_space<hbm>> -> memref<1x32x128xf32, #tpu.memory_space<hbm>>
    %dma_start3A_246 = tpu.memref_squeeze %dma_start3A_245 : memref<1x32x128xf32, #tpu.memory_space<hbm>> -> memref<32x128xf32, #tpu.memory_space<hbm>>
    %dma_start3A_247 = arith.constant 0 : i32
    %dma_start3A_248 = tpu.memref_slice %arg8[%dma_start3A_240, %add3A_161, %dma_start3A_247] : memref<8x204800x128xf32, #tpu.memory_space<hbm>> -> memref<1x32x128xf32, #tpu.memory_space<hbm>>
    %dma_start3A_249 = tpu.memref_squeeze %dma_start3A_248 : memref<1x32x128xf32, #tpu.memory_space<hbm>> -> memref<32x128xf32, #tpu.memory_space<hbm>>
    %dma_start3A_250 = arith.constant 0 : i32
    %dma_start3A_251 = arith.constant 768 : i32
    %dma_start3A_252 = tpu.memref_slice %arg15[%dma_start3A_250, %dma_start3A_251] : memref<32x1000xf32, #tpu.memory_space<vmem>> -> memref<32x128xf32, #tpu.memory_space<vmem>>
    tpu.enqueue_dma source(%dma_start3A_252 : memref<32x128xf32, #tpu.memory_space<vmem>>) target(%dma_start3A_249 : memref<32x128xf32, #tpu.memory_space<hbm>>) target_semaphore(%arg21 : memref<!tpu.dma_semaphore, #tpu.memory_space<semaphore_mem>>)
    %dma_start3A_253 = arith.constant 7 : i32
    %dma_start3A_254 = arith.constant 0 : i32
    %dma_start3A_255 = arith.constant 896 : i32
    %dma_start3A_256 = tpu.memref_slice %arg15[%dma_start3A_254, %dma_start3A_255] : memref<32x1000xf32, #tpu.memory_space<vmem>> -> memref<32x104xf32, #tpu.memory_space<vmem>>
    %dma_start3A_257 = arith.constant 0 : i32
    %dma_start3A_258 = tpu.memref_slice %arg8[%dma_start3A_253, %add3A_161, %dma_start3A_257] : memref<8x204800x128xf32, #tpu.memory_space<hbm>> -> memref<1x32x104xf32, #tpu.memory_space<hbm>>
    %dma_start3A_259 = tpu.memref_squeeze %dma_start3A_258 : memref<1x32x104xf32, #tpu.memory_space<hbm>> -> memref<32x104xf32, #tpu.memory_space<hbm>>
    %dma_start3A_260 = arith.constant 0 : i32
    %dma_start3A_261 = tpu.memref_slice %arg8[%dma_start3A_253, %add3A_161, %dma_start3A_260] : memref<8x204800x128xf32, #tpu.memory_space<hbm>> -> memref<1x32x104xf32, #tpu.memory_space<hbm>>
    %dma_start3A_262 = tpu.memref_squeeze %dma_start3A_261 : memref<1x32x104xf32, #tpu.memory_space<hbm>> -> memref<32x104xf32, #tpu.memory_space<hbm>>
    %dma_start3A_263 = arith.constant 0 : i32
    %dma_start3A_264 = arith.constant 896 : i32
    %dma_start3A_265 = tpu.memref_slice %arg15[%dma_start3A_263, %dma_start3A_264] : memref<32x1000xf32, #tpu.memory_space<vmem>> -> memref<32x104xf32, #tpu.memory_space<vmem>>
    tpu.enqueue_dma source(%dma_start3A_265 : memref<32x104xf32, #tpu.memory_space<vmem>>) target(%dma_start3A_262 : memref<32x104xf32, #tpu.memory_space<hbm>>) target_semaphore(%arg21 : memref<!tpu.dma_semaphore, #tpu.memory_space<semaphore_mem>>)
    %add3A_266 = arith.constant 200704 : i32
    %add3A_267 = arith.addi %add3A_266, %mul3A_2 : i32
    %add3A_268 = arith.constant 64 : i32
    %add3A_269 = arith.addi %add3A_267, %add3A_268 : i32
    %dma_wait3A_270 = arith.constant 0 : i32
    %dma_wait3A_271 = arith.constant 0 : i32
    %dma_wait3A_272 = arith.constant 0 : i32
    %dma_wait3A_273 = tpu.memref_slice %arg14[%dma_wait3A_271, %dma_wait3A_272] : memref<32x1000xf32, #tpu.memory_space<vmem>> -> memref<32x128xf32, #tpu.memory_space<vmem>>
    %dma_wait3A_274 = arith.constant 0 : i32
    %dma_wait3A_275 = tpu.memref_slice %arg8[%dma_wait3A_270, %add3A_269, %dma_wait3A_274] : memref<8x204800x128xf32, #tpu.memory_space<hbm>> -> memref<1x32x128xf32, #tpu.memory_space<hbm>>
    %dma_wait3A_276 = tpu.memref_squeeze %dma_wait3A_275 : memref<1x32x128xf32, #tpu.memory_space<hbm>> -> memref<32x128xf32, #tpu.memory_space<hbm>>
    %dma_wait3A_277 = arith.constant 0 : i32
    %dma_wait3A_278 = tpu.memref_slice %arg8[%dma_wait3A_270, %add3A_269, %dma_wait3A_277] : memref<8x204800x128xf32, #tpu.memory_space<hbm>> -> memref<1x32x128xf32, #tpu.memory_space<hbm>>
    %dma_wait3A_279 = tpu.memref_squeeze %dma_wait3A_278 : memref<1x32x128xf32, #tpu.memory_space<hbm>> -> memref<32x128xf32, #tpu.memory_space<hbm>>
    %dma_wait3A_280 = arith.constant 0 : i32
    %dma_wait3A_281 = arith.constant 0 : i32
    %dma_wait3A_282 = tpu.memref_slice %arg14[%dma_wait3A_280, %dma_wait3A_281] : memref<32x1000xf32, #tpu.memory_space<vmem>> -> memref<32x128xf32, #tpu.memory_space<vmem>>
    tpu.wait_dma2 semaphore(%arg20 : memref<!tpu.dma_semaphore, #tpu.memory_space<semaphore_mem>>) src(%dma_wait3A_282 : memref<32x128xf32, #tpu.memory_space<vmem>>) dst(%dma_wait3A_279 : memref<32x128xf32, #tpu.memory_space<hbm>>)
    %dma_wait3A_283 = arith.constant 1 : i32
    %dma_wait3A_284 = arith.constant 0 : i32
    %dma_wait3A_285 = arith.constant 128 : i32
    %dma_wait3A_286 = tpu.memref_slice %arg14[%dma_wait3A_284, %dma_wait3A_285] : memref<32x1000xf32, #tpu.memory_space<vmem>> -> memref<32x128xf32, #tpu.memory_space<vmem>>
    %dma_wait3A_287 = arith.constant 0 : i32
    %dma_wait3A_288 = tpu.memref_slice %arg8[%dma_wait3A_283, %add3A_269, %dma_wait3A_287] : memref<8x204800x128xf32, #tpu.memory_space<hbm>> -> memref<1x32x128xf32, #tpu.memory_space<hbm>>
    %dma_wait3A_289 = tpu.memref_squeeze %dma_wait3A_288 : memref<1x32x128xf32, #tpu.memory_space<hbm>> -> memref<32x128xf32, #tpu.memory_space<hbm>>
    %dma_wait3A_290 = arith.constant 0 : i32
    %dma_wait3A_291 = tpu.memref_slice %arg8[%dma_wait3A_283, %add3A_269, %dma_wait3A_290] : memref<8x204800x128xf32, #tpu.memory_space<hbm>> -> memref<1x32x128xf32, #tpu.memory_space<hbm>>
    %dma_wait3A_292 = tpu.memref_squeeze %dma_wait3A_291 : memref<1x32x128xf32, #tpu.memory_space<hbm>> -> memref<32x128xf32, #tpu.memory_space<hbm>>
    %dma_wait3A_293 = arith.constant 0 : i32
    %dma_wait3A_294 = arith.constant 128 : i32
    %dma_wait3A_295 = tpu.memref_slice %arg14[%dma_wait3A_293, %dma_wait3A_294] : memref<32x1000xf32, #tpu.memory_space<vmem>> -> memref<32x128xf32, #tpu.memory_space<vmem>>
    tpu.wait_dma2 semaphore(%arg20 : memref<!tpu.dma_semaphore, #tpu.memory_space<semaphore_mem>>) src(%dma_wait3A_295 : memref<32x128xf32, #tpu.memory_space<vmem>>) dst(%dma_wait3A_292 : memref<32x128xf32, #tpu.memory_space<hbm>>)
    %dma_wait3A_296 = arith.constant 2 : i32
    %dma_wait3A_297 = arith.constant 0 : i32
    %dma_wait3A_298 = arith.constant 256 : i32
    %dma_wait3A_299 = tpu.memref_slice %arg14[%dma_wait3A_297, %dma_wait3A_298] : memref<32x1000xf32, #tpu.memory_space<vmem>> -> memref<32x128xf32, #tpu.memory_space<vmem>>
    %dma_wait3A_300 = arith.constant 0 : i32
    %dma_wait3A_301 = tpu.memref_slice %arg8[%dma_wait3A_296, %add3A_269, %dma_wait3A_300] : memref<8x204800x128xf32, #tpu.memory_space<hbm>> -> memref<1x32x128xf32, #tpu.memory_space<hbm>>
    %dma_wait3A_302 = tpu.memref_squeeze %dma_wait3A_301 : memref<1x32x128xf32, #tpu.memory_space<hbm>> -> memref<32x128xf32, #tpu.memory_space<hbm>>
    %dma_wait3A_303 = arith.constant 0 : i32
    %dma_wait3A_304 = tpu.memref_slice %arg8[%dma_wait3A_296, %add3A_269, %dma_wait3A_303] : memref<8x204800x128xf32, #tpu.memory_space<hbm>> -> memref<1x32x128xf32, #tpu.memory_space<hbm>>
    %dma_wait3A_305 = tpu.memref_squeeze %dma_wait3A_304 : memref<1x32x128xf32, #tpu.memory_space<hbm>> -> memref<32x128xf32, #tpu.memory_space<hbm>>
    %dma_wait3A_306 = arith.constant 0 : i32
    %dma_wait3A_307 = arith.constant 256 : i32
    %dma_wait3A_308 = tpu.memref_slice %arg14[%dma_wait3A_306, %dma_wait3A_307] : memref<32x1000xf32, #tpu.memory_space<vmem>> -> memref<32x128xf32, #tpu.memory_space<vmem>>
    tpu.wait_dma2 semaphore(%arg20 : memref<!tpu.dma_semaphore, #tpu.memory_space<semaphore_mem>>) src(%dma_wait3A_308 : memref<32x128xf32, #tpu.memory_space<vmem>>) dst(%dma_wait3A_305 : memref<32x128xf32, #tpu.memory_space<hbm>>)
    %dma_wait3A_309 = arith.constant 3 : i32
    %dma_wait3A_310 = arith.constant 0 : i32
    %dma_wait3A_311 = arith.constant 384 : i32
    %dma_wait3A_312 = tpu.memref_slice %arg14[%dma_wait3A_310, %dma_wait3A_311] : memref<32x1000xf32, #tpu.memory_space<vmem>> -> memref<32x128xf32, #tpu.memory_space<vmem>>
    %dma_wait3A_313 = arith.constant 0 : i32
    %dma_wait3A_314 = tpu.memref_slice %arg8[%dma_wait3A_309, %add3A_269, %dma_wait3A_313] : memref<8x204800x128xf32, #tpu.memory_space<hbm>> -> memref<1x32x128xf32, #tpu.memory_space<hbm>>
    %dma_wait3A_315 = tpu.memref_squeeze %dma_wait3A_314 : memref<1x32x128xf32, #tpu.memory_space<hbm>> -> memref<32x128xf32, #tpu.memory_space<hbm>>
    %dma_wait3A_316 = arith.constant 0 : i32
    %dma_wait3A_317 = tpu.memref_slice %arg8[%dma_wait3A_309, %add3A_269, %dma_wait3A_316] : memref<8x204800x128xf32, #tpu.memory_space<hbm>> -> memref<1x32x128xf32, #tpu.memory_space<hbm>>
    %dma_wait3A_318 = tpu.memref_squeeze %dma_wait3A_317 : memref<1x32x128xf32, #tpu.memory_space<hbm>> -> memref<32x128xf32, #tpu.memory_space<hbm>>
    %dma_wait3A_319 = arith.constant 0 : i32
    %dma_wait3A_320 = arith.constant 384 : i32
    %dma_wait3A_321 = tpu.memref_slice %arg14[%dma_wait3A_319, %dma_wait3A_320] : memref<32x1000xf32, #tpu.memory_space<vmem>> -> memref<32x128xf32, #tpu.memory_space<vmem>>
    tpu.wait_dma2 semaphore(%arg20 : memref<!tpu.dma_semaphore, #tpu.memory_space<semaphore_mem>>) src(%dma_wait3A_321 : memref<32x128xf32, #tpu.memory_space<vmem>>) dst(%dma_wait3A_318 : memref<32x128xf32, #tpu.memory_space<hbm>>)
    %dma_wait3A_322 = arith.constant 4 : i32
    %dma_wait3A_323 = arith.constant 0 : i32
    %dma_wait3A_324 = arith.constant 512 : i32
    %dma_wait3A_325 = tpu.memref_slice %arg14[%dma_wait3A_323, %dma_wait3A_324] : memref<32x1000xf32, #tpu.memory_space<vmem>> -> memref<32x128xf32, #tpu.memory_space<vmem>>
    %dma_wait3A_326 = arith.constant 0 : i32
    %dma_wait3A_327 = tpu.memref_slice %arg8[%dma_wait3A_322, %add3A_269, %dma_wait3A_326] : memref<8x204800x128xf32, #tpu.memory_space<hbm>> -> memref<1x32x128xf32, #tpu.memory_space<hbm>>
    %dma_wait3A_328 = tpu.memref_squeeze %dma_wait3A_327 : memref<1x32x128xf32, #tpu.memory_space<hbm>> -> memref<32x128xf32, #tpu.memory_space<hbm>>
    %dma_wait3A_329 = arith.constant 0 : i32
    %dma_wait3A_330 = tpu.memref_slice %arg8[%dma_wait3A_322, %add3A_269, %dma_wait3A_329] : memref<8x204800x128xf32, #tpu.memory_space<hbm>> -> memref<1x32x128xf32, #tpu.memory_space<hbm>>
    %dma_wait3A_331 = tpu.memref_squeeze %dma_wait3A_330 : memref<1x32x128xf32, #tpu.memory_space<hbm>> -> memref<32x128xf32, #tpu.memory_space<hbm>>
    %dma_wait3A_332 = arith.constant 0 : i32
    %dma_wait3A_333 = arith.constant 512 : i32
    %dma_wait3A_334 = tpu.memref_slice %arg14[%dma_wait3A_332, %dma_wait3A_333] : memref<32x1000xf32, #tpu.memory_space<vmem>> -> memref<32x128xf32, #tpu.memory_space<vmem>>
    tpu.wait_dma2 semaphore(%arg20 : memref<!tpu.dma_semaphore, #tpu.memory_space<semaphore_mem>>) src(%dma_wait3A_334 : memref<32x128xf32, #tpu.memory_space<vmem>>) dst(%dma_wait3A_331 : memref<32x128xf32, #tpu.memory_space<hbm>>)
    %dma_wait3A_335 = arith.constant 5 : i32
    %dma_wait3A_336 = arith.constant 0 : i32
    %dma_wait3A_337 = arith.constant 640 : i32
    %dma_wait3A_338 = tpu.memref_slice %arg14[%dma_wait3A_336, %dma_wait3A_337] : memref<32x1000xf32, #tpu.memory_space<vmem>> -> memref<32x128xf32, #tpu.memory_space<vmem>>
    %dma_wait3A_339 = arith.constant 0 : i32
    %dma_wait3A_340 = tpu.memref_slice %arg8[%dma_wait3A_335, %add3A_269, %dma_wait3A_339] : memref<8x204800x128xf32, #tpu.memory_space<hbm>> -> memref<1x32x128xf32, #tpu.memory_space<hbm>>
    %dma_wait3A_341 = tpu.memref_squeeze %dma_wait3A_340 : memref<1x32x128xf32, #tpu.memory_space<hbm>> -> memref<32x128xf32, #tpu.memory_space<hbm>>
    %dma_wait3A_342 = arith.constant 0 : i32
    %dma_wait3A_343 = tpu.memref_slice %arg8[%dma_wait3A_335, %add3A_269, %dma_wait3A_342] : memref<8x204800x128xf32, #tpu.memory_space<hbm>> -> memref<1x32x128xf32, #tpu.memory_space<hbm>>
    %dma_wait3A_344 = tpu.memref_squeeze %dma_wait3A_343 : memref<1x32x128xf32, #tpu.memory_space<hbm>> -> memref<32x128xf32, #tpu.memory_space<hbm>>
    %dma_wait3A_345 = arith.constant 0 : i32
    %dma_wait3A_346 = arith.constant 640 : i32
    %dma_wait3A_347 = tpu.memref_slice %arg14[%dma_wait3A_345, %dma_wait3A_346] : memref<32x1000xf32, #tpu.memory_space<vmem>> -> memref<32x128xf32, #tpu.memory_space<vmem>>
    tpu.wait_dma2 semaphore(%arg20 : memref<!tpu.dma_semaphore, #tpu.memory_space<semaphore_mem>>) src(%dma_wait3A_347 : memref<32x128xf32, #tpu.memory_space<vmem>>) dst(%dma_wait3A_344 : memref<32x128xf32, #tpu.memory_space<hbm>>)
    %dma_wait3A_348 = arith.constant 6 : i32
    %dma_wait3A_349 = arith.constant 0 : i32
    %dma_wait3A_350 = arith.constant 768 : i32
    %dma_wait3A_351 = tpu.memref_slice %arg14[%dma_wait3A_349, %dma_wait3A_350] : memref<32x1000xf32, #tpu.memory_space<vmem>> -> memref<32x128xf32, #tpu.memory_space<vmem>>
    %dma_wait3A_352 = arith.constant 0 : i32
    %dma_wait3A_353 = tpu.memref_slice %arg8[%dma_wait3A_348, %add3A_269, %dma_wait3A_352] : memref<8x204800x128xf32, #tpu.memory_space<hbm>> -> memref<1x32x128xf32, #tpu.memory_space<hbm>>
    %dma_wait3A_354 = tpu.memref_squeeze %dma_wait3A_353 : memref<1x32x128xf32, #tpu.memory_space<hbm>> -> memref<32x128xf32, #tpu.memory_space<hbm>>
    %dma_wait3A_355 = arith.constant 0 : i32
    %dma_wait3A_356 = tpu.memref_slice %arg8[%dma_wait3A_348, %add3A_269, %dma_wait3A_355] : memref<8x204800x128xf32, #tpu.memory_space<hbm>> -> memref<1x32x128xf32, #tpu.memory_space<hbm>>
    %dma_wait3A_357 = tpu.memref_squeeze %dma_wait3A_356 : memref<1x32x128xf32, #tpu.memory_space<hbm>> -> memref<32x128xf32, #tpu.memory_space<hbm>>
    %dma_wait3A_358 = arith.constant 0 : i32
    %dma_wait3A_359 = arith.constant 768 : i32
    %dma_wait3A_360 = tpu.memref_slice %arg14[%dma_wait3A_358, %dma_wait3A_359] : memref<32x1000xf32, #tpu.memory_space<vmem>> -> memref<32x128xf32, #tpu.memory_space<vmem>>
    tpu.wait_dma2 semaphore(%arg20 : memref<!tpu.dma_semaphore, #tpu.memory_space<semaphore_mem>>) src(%dma_wait3A_360 : memref<32x128xf32, #tpu.memory_space<vmem>>) dst(%dma_wait3A_357 : memref<32x128xf32, #tpu.memory_space<hbm>>)
    %dma_wait3A_361 = arith.constant 7 : i32
    %dma_wait3A_362 = arith.constant 0 : i32
    %dma_wait3A_363 = arith.constant 896 : i32
    %dma_wait3A_364 = tpu.memref_slice %arg14[%dma_wait3A_362, %dma_wait3A_363] : memref<32x1000xf32, #tpu.memory_space<vmem>> -> memref<32x104xf32, #tpu.memory_space<vmem>>
    %dma_wait3A_365 = arith.constant 0 : i32
    %dma_wait3A_366 = tpu.memref_slice %arg8[%dma_wait3A_361, %add3A_269, %dma_wait3A_365] : memref<8x204800x128xf32, #tpu.memory_space<hbm>> -> memref<1x32x104xf32, #tpu.memory_space<hbm>>
    %dma_wait3A_367 = tpu.memref_squeeze %dma_wait3A_366 : memref<1x32x104xf32, #tpu.memory_space<hbm>> -> memref<32x104xf32, #tpu.memory_space<hbm>>
    %dma_wait3A_368 = arith.constant 0 : i32
    %dma_wait3A_369 = tpu.memref_slice %arg8[%dma_wait3A_361, %add3A_269, %dma_wait3A_368] : memref<8x204800x128xf32, #tpu.memory_space<hbm>> -> memref<1x32x104xf32, #tpu.memory_space<hbm>>
    %dma_wait3A_370 = tpu.memref_squeeze %dma_wait3A_369 : memref<1x32x104xf32, #tpu.memory_space<hbm>> -> memref<32x104xf32, #tpu.memory_space<hbm>>
    %dma_wait3A_371 = arith.constant 0 : i32
    %dma_wait3A_372 = arith.constant 896 : i32
    %dma_wait3A_373 = tpu.memref_slice %arg14[%dma_wait3A_371, %dma_wait3A_372] : memref<32x1000xf32, #tpu.memory_space<vmem>> -> memref<32x104xf32, #tpu.memory_space<vmem>>
    tpu.wait_dma2 semaphore(%arg20 : memref<!tpu.dma_semaphore, #tpu.memory_space<semaphore_mem>>) src(%dma_wait3A_373 : memref<32x104xf32, #tpu.memory_space<vmem>>) dst(%dma_wait3A_370 : memref<32x104xf32, #tpu.memory_space<hbm>>)
    %add3A_374 = arith.constant 200704 : i32
    %add3A_375 = arith.addi %add3A_374, %mul3A_2 : i32
    %add3A_376 = arith.constant 96 : i32
    %add3A_377 = arith.addi %add3A_375, %add3A_376 : i32
    %dma_wait3A_378 = arith.constant 0 : i32
    %dma_wait3A_379 = arith.constant 0 : i32
    %dma_wait3A_380 = arith.constant 0 : i32
    %dma_wait3A_381 = tpu.memref_slice %arg15[%dma_wait3A_379, %dma_wait3A_380] : memref<32x1000xf32, #tpu.memory_space<vmem>> -> memref<32x128xf32, #tpu.memory_space<vmem>>
    %dma_wait3A_382 = arith.constant 0 : i32
    %dma_wait3A_383 = tpu.memref_slice %arg8[%dma_wait3A_378, %add3A_377, %dma_wait3A_382] : memref<8x204800x128xf32, #tpu.memory_space<hbm>> -> memref<1x32x128xf32, #tpu.memory_space<hbm>>
    %dma_wait3A_384 = tpu.memref_squeeze %dma_wait3A_383 : memref<1x32x128xf32, #tpu.memory_space<hbm>> -> memref<32x128xf32, #tpu.memory_space<hbm>>
    %dma_wait3A_385 = arith.constant 0 : i32
    %dma_wait3A_386 = tpu.memref_slice %arg8[%dma_wait3A_378, %add3A_377, %dma_wait3A_385] : memref<8x204800x128xf32, #tpu.memory_space<hbm>> -> memref<1x32x128xf32, #tpu.memory_space<hbm>>
    %dma_wait3A_387 = tpu.memref_squeeze %dma_wait3A_386 : memref<1x32x128xf32, #tpu.memory_space<hbm>> -> memref<32x128xf32, #tpu.memory_space<hbm>>
    %dma_wait3A_388 = arith.constant 0 : i32
    %dma_wait3A_389 = arith.constant 0 : i32
    %dma_wait3A_390 = tpu.memref_slice %arg15[%dma_wait3A_388, %dma_wait3A_389] : memref<32x1000xf32, #tpu.memory_space<vmem>> -> memref<32x128xf32, #tpu.memory_space<vmem>>
    tpu.wait_dma2 semaphore(%arg21 : memref<!tpu.dma_semaphore, #tpu.memory_space<semaphore_mem>>) src(%dma_wait3A_390 : memref<32x128xf32, #tpu.memory_space<vmem>>) dst(%dma_wait3A_387 : memref<32x128xf32, #tpu.memory_space<hbm>>)
    %dma_wait3A_391 = arith.constant 1 : i32
    %dma_wait3A_392 = arith.constant 0 : i32
    %dma_wait3A_393 = arith.constant 128 : i32
    %dma_wait3A_394 = tpu.memref_slice %arg15[%dma_wait3A_392, %dma_wait3A_393] : memref<32x1000xf32, #tpu.memory_space<vmem>> -> memref<32x128xf32, #tpu.memory_space<vmem>>
    %dma_wait3A_395 = arith.constant 0 : i32
    %dma_wait3A_396 = tpu.memref_slice %arg8[%dma_wait3A_391, %add3A_377, %dma_wait3A_395] : memref<8x204800x128xf32, #tpu.memory_space<hbm>> -> memref<1x32x128xf32, #tpu.memory_space<hbm>>
    %dma_wait3A_397 = tpu.memref_squeeze %dma_wait3A_396 : memref<1x32x128xf32, #tpu.memory_space<hbm>> -> memref<32x128xf32, #tpu.memory_space<hbm>>
    %dma_wait3A_398 = arith.constant 0 : i32
    %dma_wait3A_399 = tpu.memref_slice %arg8[%dma_wait3A_391, %add3A_377, %dma_wait3A_398] : memref<8x204800x128xf32, #tpu.memory_space<hbm>> -> memref<1x32x128xf32, #tpu.memory_space<hbm>>
    %dma_wait3A_400 = tpu.memref_squeeze %dma_wait3A_399 : memref<1x32x128xf32, #tpu.memory_space<hbm>> -> memref<32x128xf32, #tpu.memory_space<hbm>>
    %dma_wait3A_401 = arith.constant 0 : i32
    %dma_wait3A_402 = arith.constant 128 : i32
    %dma_wait3A_403 = tpu.memref_slice %arg15[%dma_wait3A_401, %dma_wait3A_402] : memref<32x1000xf32, #tpu.memory_space<vmem>> -> memref<32x128xf32, #tpu.memory_space<vmem>>
    tpu.wait_dma2 semaphore(%arg21 : memref<!tpu.dma_semaphore, #tpu.memory_space<semaphore_mem>>) src(%dma_wait3A_403 : memref<32x128xf32, #tpu.memory_space<vmem>>) dst(%dma_wait3A_400 : memref<32x128xf32, #tpu.memory_space<hbm>>)
    %dma_wait3A_404 = arith.constant 2 : i32
    %dma_wait3A_405 = arith.constant 0 : i32
    %dma_wait3A_406 = arith.constant 256 : i32
    %dma_wait3A_407 = tpu.memref_slice %arg15[%dma_wait3A_405, %dma_wait3A_406] : memref<32x1000xf32, #tpu.memory_space<vmem>> -> memref<32x128xf32, #tpu.memory_space<vmem>>
    %dma_wait3A_408 = arith.constant 0 : i32
    %dma_wait3A_409 = tpu.memref_slice %arg8[%dma_wait3A_404, %add3A_377, %dma_wait3A_408] : memref<8x204800x128xf32, #tpu.memory_space<hbm>> -> memref<1x32x128xf32, #tpu.memory_space<hbm>>
    %dma_wait3A_410 = tpu.memref_squeeze %dma_wait3A_409 : memref<1x32x128xf32, #tpu.memory_space<hbm>> -> memref<32x128xf32, #tpu.memory_space<hbm>>
    %dma_wait3A_411 = arith.constant 0 : i32
    %dma_wait3A_412 = tpu.memref_slice %arg8[%dma_wait3A_404, %add3A_377, %dma_wait3A_411] : memref<8x204800x128xf32, #tpu.memory_space<hbm>> -> memref<1x32x128xf32, #tpu.memory_space<hbm>>
    %dma_wait3A_413 = tpu.memref_squeeze %dma_wait3A_412 : memref<1x32x128xf32, #tpu.memory_space<hbm>> -> memref<32x128xf32, #tpu.memory_space<hbm>>
    %dma_wait3A_414 = arith.constant 0 : i32
    %dma_wait3A_415 = arith.constant 256 : i32
    %dma_wait3A_416 = tpu.memref_slice %arg15[%dma_wait3A_414, %dma_wait3A_415] : memref<32x1000xf32, #tpu.memory_space<vmem>> -> memref<32x128xf32, #tpu.memory_space<vmem>>
    tpu.wait_dma2 semaphore(%arg21 : memref<!tpu.dma_semaphore, #tpu.memory_space<semaphore_mem>>) src(%dma_wait3A_416 : memref<32x128xf32, #tpu.memory_space<vmem>>) dst(%dma_wait3A_413 : memref<32x128xf32, #tpu.memory_space<hbm>>)
    %dma_wait3A_417 = arith.constant 3 : i32
    %dma_wait3A_418 = arith.constant 0 : i32
    %dma_wait3A_419 = arith.constant 384 : i32
    %dma_wait3A_420 = tpu.memref_slice %arg15[%dma_wait3A_418, %dma_wait3A_419] : memref<32x1000xf32, #tpu.memory_space<vmem>> -> memref<32x128xf32, #tpu.memory_space<vmem>>
    %dma_wait3A_421 = arith.constant 0 : i32
    %dma_wait3A_422 = tpu.memref_slice %arg8[%dma_wait3A_417, %add3A_377, %dma_wait3A_421] : memref<8x204800x128xf32, #tpu.memory_space<hbm>> -> memref<1x32x128xf32, #tpu.memory_space<hbm>>
    %dma_wait3A_423 = tpu.memref_squeeze %dma_wait3A_422 : memref<1x32x128xf32, #tpu.memory_space<hbm>> -> memref<32x128xf32, #tpu.memory_space<hbm>>
    %dma_wait3A_424 = arith.constant 0 : i32
    %dma_wait3A_425 = tpu.memref_slice %arg8[%dma_wait3A_417, %add3A_377, %dma_wait3A_424] : memref<8x204800x128xf32, #tpu.memory_space<hbm>> -> memref<1x32x128xf32, #tpu.memory_space<hbm>>
    %dma_wait3A_426 = tpu.memref_squeeze %dma_wait3A_425 : memref<1x32x128xf32, #tpu.memory_space<hbm>> -> memref<32x128xf32, #tpu.memory_space<hbm>>
    %dma_wait3A_427 = arith.constant 0 : i32
    %dma_wait3A_428 = arith.constant 384 : i32
    %dma_wait3A_429 = tpu.memref_slice %arg15[%dma_wait3A_427, %dma_wait3A_428] : memref<32x1000xf32, #tpu.memory_space<vmem>> -> memref<32x128xf32, #tpu.memory_space<vmem>>
    tpu.wait_dma2 semaphore(%arg21 : memref<!tpu.dma_semaphore, #tpu.memory_space<semaphore_mem>>) src(%dma_wait3A_429 : memref<32x128xf32, #tpu.memory_space<vmem>>) dst(%dma_wait3A_426 : memref<32x128xf32, #tpu.memory_space<hbm>>)
    %dma_wait3A_430 = arith.constant 4 : i32
    %dma_wait3A_431 = arith.constant 0 : i32
    %dma_wait3A_432 = arith.constant 512 : i32
    %dma_wait3A_433 = tpu.memref_slice %arg15[%dma_wait3A_431, %dma_wait3A_432] : memref<32x1000xf32, #tpu.memory_space<vmem>> -> memref<32x128xf32, #tpu.memory_space<vmem>>
    %dma_wait3A_434 = arith.constant 0 : i32
    %dma_wait3A_435 = tpu.memref_slice %arg8[%dma_wait3A_430, %add3A_377, %dma_wait3A_434] : memref<8x204800x128xf32, #tpu.memory_space<hbm>> -> memref<1x32x128xf32, #tpu.memory_space<hbm>>
    %dma_wait3A_436 = tpu.memref_squeeze %dma_wait3A_435 : memref<1x32x128xf32, #tpu.memory_space<hbm>> -> memref<32x128xf32, #tpu.memory_space<hbm>>
    %dma_wait3A_437 = arith.constant 0 : i32
    %dma_wait3A_438 = tpu.memref_slice %arg8[%dma_wait3A_430, %add3A_377, %dma_wait3A_437] : memref<8x204800x128xf32, #tpu.memory_space<hbm>> -> memref<1x32x128xf32, #tpu.memory_space<hbm>>
    %dma_wait3A_439 = tpu.memref_squeeze %dma_wait3A_438 : memref<1x32x128xf32, #tpu.memory_space<hbm>> -> memref<32x128xf32, #tpu.memory_space<hbm>>
    %dma_wait3A_440 = arith.constant 0 : i32
    %dma_wait3A_441 = arith.constant 512 : i32
    %dma_wait3A_442 = tpu.memref_slice %arg15[%dma_wait3A_440, %dma_wait3A_441] : memref<32x1000xf32, #tpu.memory_space<vmem>> -> memref<32x128xf32, #tpu.memory_space<vmem>>
    tpu.wait_dma2 semaphore(%arg21 : memref<!tpu.dma_semaphore, #tpu.memory_space<semaphore_mem>>) src(%dma_wait3A_442 : memref<32x128xf32, #tpu.memory_space<vmem>>) dst(%dma_wait3A_439 : memref<32x128xf32, #tpu.memory_space<hbm>>)
    %dma_wait3A_443 = arith.constant 5 : i32
    %dma_wait3A_444 = arith.constant 0 : i32
    %dma_wait3A_445 = arith.constant 640 : i32
    %dma_wait3A_446 = tpu.memref_slice %arg15[%dma_wait3A_444, %dma_wait3A_445] : memref<32x1000xf32, #tpu.memory_space<vmem>> -> memref<32x128xf32, #tpu.memory_space<vmem>>
    %dma_wait3A_447 = arith.constant 0 : i32
    %dma_wait3A_448 = tpu.memref_slice %arg8[%dma_wait3A_443, %add3A_377, %dma_wait3A_447] : memref<8x204800x128xf32, #tpu.memory_space<hbm>> -> memref<1x32x128xf32, #tpu.memory_space<hbm>>
    %dma_wait3A_449 = tpu.memref_squeeze %dma_wait3A_448 : memref<1x32x128xf32, #tpu.memory_space<hbm>> -> memref<32x128xf32, #tpu.memory_space<hbm>>
    %dma_wait3A_450 = arith.constant 0 : i32
    %dma_wait3A_451 = tpu.memref_slice %arg8[%dma_wait3A_443, %add3A_377, %dma_wait3A_450] : memref<8x204800x128xf32, #tpu.memory_space<hbm>> -> memref<1x32x128xf32, #tpu.memory_space<hbm>>
    %dma_wait3A_452 = tpu.memref_squeeze %dma_wait3A_451 : memref<1x32x128xf32, #tpu.memory_space<hbm>> -> memref<32x128xf32, #tpu.memory_space<hbm>>
    %dma_wait3A_453 = arith.constant 0 : i32
    %dma_wait3A_454 = arith.constant 640 : i32
    %dma_wait3A_455 = tpu.memref_slice %arg15[%dma_wait3A_453, %dma_wait3A_454] : memref<32x1000xf32, #tpu.memory_space<vmem>> -> memref<32x128xf32, #tpu.memory_space<vmem>>
    tpu.wait_dma2 semaphore(%arg21 : memref<!tpu.dma_semaphore, #tpu.memory_space<semaphore_mem>>) src(%dma_wait3A_455 : memref<32x128xf32, #tpu.memory_space<vmem>>) dst(%dma_wait3A_452 : memref<32x128xf32, #tpu.memory_space<hbm>>)
    %dma_wait3A_456 = arith.constant 6 : i32
    %dma_wait3A_457 = arith.constant 0 : i32
    %dma_wait3A_458 = arith.constant 768 : i32
    %dma_wait3A_459 = tpu.memref_slice %arg15[%dma_wait3A_457, %dma_wait3A_458] : memref<32x1000xf32, #tpu.memory_space<vmem>> -> memref<32x128xf32, #tpu.memory_space<vmem>>
    %dma_wait3A_460 = arith.constant 0 : i32
    %dma_wait3A_461 = tpu.memref_slice %arg8[%dma_wait3A_456, %add3A_377, %dma_wait3A_460] : memref<8x204800x128xf32, #tpu.memory_space<hbm>> -> memref<1x32x128xf32, #tpu.memory_space<hbm>>
    %dma_wait3A_462 = tpu.memref_squeeze %dma_wait3A_461 : memref<1x32x128xf32, #tpu.memory_space<hbm>> -> memref<32x128xf32, #tpu.memory_space<hbm>>
    %dma_wait3A_463 = arith.constant 0 : i32
    %dma_wait3A_464 = tpu.memref_slice %arg8[%dma_wait3A_456, %add3A_377, %dma_wait3A_463] : memref<8x204800x128xf32, #tpu.memory_space<hbm>> -> memref<1x32x128xf32, #tpu.memory_space<hbm>>
    %dma_wait3A_465 = tpu.memref_squeeze %dma_wait3A_464 : memref<1x32x128xf32, #tpu.memory_space<hbm>> -> memref<32x128xf32, #tpu.memory_space<hbm>>
    %dma_wait3A_466 = arith.constant 0 : i32
    %dma_wait3A_467 = arith.constant 768 : i32
    %dma_wait3A_468 = tpu.memref_slice %arg15[%dma_wait3A_466, %dma_wait3A_467] : memref<32x1000xf32, #tpu.memory_space<vmem>> -> memref<32x128xf32, #tpu.memory_space<vmem>>
    tpu.wait_dma2 semaphore(%arg21 : memref<!tpu.dma_semaphore, #tpu.memory_space<semaphore_mem>>) src(%dma_wait3A_468 : memref<32x128xf32, #tpu.memory_space<vmem>>) dst(%dma_wait3A_465 : memref<32x128xf32, #tpu.memory_space<hbm>>)
    %dma_wait3A_469 = arith.constant 7 : i32
    %dma_wait3A_470 = arith.constant 0 : i32
    %dma_wait3A_471 = arith.constant 896 : i32
    %dma_wait3A_472 = tpu.memref_slice %arg15[%dma_wait3A_470, %dma_wait3A_471] : memref<32x1000xf32, #tpu.memory_space<vmem>> -> memref<32x104xf32, #tpu.memory_space<vmem>>
    %dma_wait3A_473 = arith.constant 0 : i32
    %dma_wait3A_474 = tpu.memref_slice %arg8[%dma_wait3A_469, %add3A_377, %dma_wait3A_473] : memref<8x204800x128xf32, #tpu.memory_space<hbm>> -> memref<1x32x104xf32, #tpu.memory_space<hbm>>
    %dma_wait3A_475 = tpu.memref_squeeze %dma_wait3A_474 : memref<1x32x104xf32, #tpu.memory_space<hbm>> -> memref<32x104xf32, #tpu.memory_space<hbm>>
    %dma_wait3A_476 = arith.constant 0 : i32
    %dma_wait3A_477 = tpu.memref_slice %arg8[%dma_wait3A_469, %add3A_377, %dma_wait3A_476] : memref<8x204800x128xf32, #tpu.memory_space<hbm>> -> memref<1x32x104xf32, #tpu.memory_space<hbm>>
    %dma_wait3A_478 = tpu.memref_squeeze %dma_wait3A_477 : memref<1x32x104xf32, #tpu.memory_space<hbm>> -> memref<32x104xf32, #tpu.memory_space<hbm>>
    %dma_wait3A_479 = arith.constant 0 : i32
    %dma_wait3A_480 = arith.constant 896 : i32
    %dma_wait3A_481 = tpu.memref_slice %arg15[%dma_wait3A_479, %dma_wait3A_480] : memref<32x1000xf32, #tpu.memory_space<vmem>> -> memref<32x104xf32, #tpu.memory_space<vmem>>
    tpu.wait_dma2 semaphore(%arg21 : memref<!tpu.dma_semaphore, #tpu.memory_space<semaphore_mem>>) src(%dma_wait3A_481 : memref<32x104xf32, #tpu.memory_space<vmem>>) dst(%dma_wait3A_478 : memref<32x104xf32, #tpu.memory_space<hbm>>)
    %scan3A_482 = arith.constant 0 : i32
    %scan3A_483 = arith.constant 0 : i32
    %scan3A_484 = arith.constant 50 : i32
    %scan3A_485 = arith.addi %scan3A_483, %scan3A_484 : i32
    %scan3A_486 = arith.constant 1 : i32
    scf.for %scan3A_494 = %scan3A_483 to %scan3A_485 step %scan3A_486  : i32 {
      %mul3A_495 = arith.constant 128 : i32
      %mul3A_496 = arith.muli %scan3A_494, %mul3A_495 : i32
      %mul3A_497 = arith.constant 128 : i32
      %mul3A_498 = arith.muli %scan3A_494, %mul3A_497 : i32
      %dma_wait3A_499 = tpu.memref_slice %arg13[%mul3A_498] : memref<6400xf32, #tpu.memory_space<vmem>> -> memref<128xf32, #tpu.memory_space<vmem>>
      %dma_wait3A_500 = tpu.memref_slice %arg11[%mul3A_496] : memref<6400xi32, #tpu.memory_space<vmem>> -> memref<128xi32, #tpu.memory_space<vmem>>
      %dma_wait3A_501 = arith.constant 0 : i32
      %dma_wait3A_502 = tpu.memref_slice %arg3[%dma_wait3A_501] : memref<1000008xf32, #tpu.memory_space<hbm>> -> memref<1000008xf32, #tpu.memory_space<hbm>>
      tpu.wait_indirect_dma semaphore(%arg22 : memref<!tpu.dma_semaphore, #tpu.memory_space<semaphore_mem>>) src(%dma_wait3A_502 : memref<1000008xf32, #tpu.memory_space<hbm>>) dst(%dma_wait3A_499 : memref<128xf32, #tpu.memory_space<vmem>>)
    }
    %scan3A_487 = arith.constant 50 : i32
    %scan3A_488 = arith.constant 0 : i32
    %scan3A_489 = arith.constant 0 : i32
    %scan3A_490 = arith.constant 400 : i32
    %scan3A_491 = arith.addi %scan3A_489, %scan3A_490 : i32
    %scan3A_492 = arith.constant 1 : i32
    scf.for %scan3A_494 = %scan3A_489 to %scan3A_491 step %scan3A_492  : i32 {
      %get3A = arith.constant 0 : index
      %get3A_495 = tpu.vector_load %arg17[%get3A] {strides = array<i32>} : memref<16xf32, #tpu.memory_space<vmem>>, vector<16xf32>,
      %mul3A_496 = arith.constant 16 : i32
      %mul3A_497 = arith.muli %scan3A_494, %mul3A_496 : i32
      %get3A_498 = arith.index_cast %mul3A_497 : i32 to index
      %get3A_499 = tpu.vector_load %arg13[%get3A_498] {strides = array<i32>} : memref<6400xf32, #tpu.memory_space<vmem>>, vector<16xf32>,
      %sub3A = arith.subf %get3A_495, %get3A_499 : vector<16xf32>
      %swap3A_500 = arith.constant 0 : index
      %swap3A_501 = tpu.vector_load %arg17[%swap3A_500] {strides = array<i32>} : memref<16xf32, #tpu.memory_space<vmem>>, vector<16xf32>,
      tpu.vector_store %arg17[%swap3A_500], %sub3A {strides = array<i32>} : memref<16xf32, #tpu.memory_space<vmem>>, vector<16xf32>,
    }
    %scan3A_493 = arith.constant 400 : i32
    "tpu.region"() ({
      %run_scoped3A = tpu.sem_alloc : memref<!tpu.dma_semaphore, #tpu.memory_space<semaphore_mem>>
      %dma_start3A_494 = arith.constant 0 : i32
      %dma_start3A_495 = tpu.memref_slice %arg9[%add3A, %dma_start3A_494] : memref<32x16xf32, #tpu.memory_space<hbm>> -> memref<1x16xf32, #tpu.memory_space<hbm>>
      %dma_start3A_496 = tpu.memref_squeeze %dma_start3A_495 : memref<1x16xf32, #tpu.memory_space<hbm>> -> memref<16xf32, #tpu.memory_space<hbm>>
      %dma_start3A_497 = arith.constant 0 : i32
      %dma_start3A_498 = tpu.memref_slice %arg9[%add3A, %dma_start3A_497] : memref<32x16xf32, #tpu.memory_space<hbm>> -> memref<1x16xf32, #tpu.memory_space<hbm>>
      %dma_start3A_499 = tpu.memref_squeeze %dma_start3A_498 : memref<1x16xf32, #tpu.memory_space<hbm>> -> memref<16xf32, #tpu.memory_space<hbm>>
      tpu.enqueue_dma source(%arg17 : memref<16xf32, #tpu.memory_space<vmem>>) target(%dma_start3A_499 : memref<16xf32, #tpu.memory_space<hbm>>) target_semaphore(%run_scoped3A : memref<!tpu.dma_semaphore, #tpu.memory_space<semaphore_mem>>)
      %dma_wait3A_500 = arith.constant 0 : i32
      %dma_wait3A_501 = tpu.memref_slice %arg9[%add3A, %dma_wait3A_500] : memref<32x16xf32, #tpu.memory_space<hbm>> -> memref<1x16xf32, #tpu.memory_space<hbm>>
      %dma_wait3A_502 = tpu.memref_squeeze %dma_wait3A_501 : memref<1x16xf32, #tpu.memory_space<hbm>> -> memref<16xf32, #tpu.memory_space<hbm>>
      %dma_wait3A_503 = arith.constant 0 : i32
      %dma_wait3A_504 = tpu.memref_slice %arg9[%add3A, %dma_wait3A_503] : memref<32x16xf32, #tpu.memory_space<hbm>> -> memref<1x16xf32, #tpu.memory_space<hbm>>
      %dma_wait3A_505 = tpu.memref_squeeze %dma_wait3A_504 : memref<1x16xf32, #tpu.memory_space<hbm>> -> memref<16xf32, #tpu.memory_space<hbm>>
      tpu.wait_dma2 semaphore(%run_scoped3A : memref<!tpu.dma_semaphore, #tpu.memory_space<semaphore_mem>>) src(%arg17 : memref<16xf32, #tpu.memory_space<vmem>>) dst(%dma_wait3A_505 : memref<16xf32, #tpu.memory_space<hbm>>)
      tpu.yield
    }) : () -> ()
    return
  }
}

module attributes {stable_mosaic.version = 14 : i64} {
  func.func @_lse_body(%arg0: memref<1000x1000xf32, #tpu.memory_space<vmem>>, %arg1: memref<1000xf32, #tpu.memory_space<vmem>>) attributes {dimension_semantics = [], scalar_prefetch = 0 : i64, scratch_operands = 0 : i64, tpu.core_type = #tpu.core_type<tc>} {
    %get3A = arith.constant 0 : index
    %get3A_0 = arith.constant 0 : index
    %get3A_1 = vector.load %arg0[%get3A, %get3A_0] : memref<1000x1000xf32, #tpu.memory_space<vmem>>, vector<1000x1000xf32>
    %reduce_max3A = arith.constant dense<0xFF800000> : vector<1000xf32>
    %reduce_max3A_2 = vector.multi_reduction <maximumf>, %get3A_1, %reduce_max3A [1] : vector<1000x1000xf32> to vector<1000xf32>
    %broadcast_in_dim3A = vector.shape_cast %reduce_max3A_2 : vector<1000xf32> to vector<1000x1xf32>
    %sub3A = vector.broadcast %broadcast_in_dim3A : vector<1000x1xf32> to vector<1000x1000xf32>
    %sub3A_3 = arith.subf %get3A_1, %sub3A : vector<1000x1000xf32>
    %exp3A = math.exp %sub3A_3 : vector<1000x1000xf32>
    %reduce_sum3A = arith.constant dense<0.000000e+00> : vector<1000xf32>
    %reduce_sum3A_4 = vector.multi_reduction <add>, %exp3A, %reduce_sum3A [1] : vector<1000x1000xf32> to vector<1000xf32>
    %broadcast_in_dim3A_5 = vector.shape_cast %reduce_sum3A_4 : vector<1000xf32> to vector<1000x1xf32>
    %log3A = math.log %broadcast_in_dim3A_5 : vector<1000x1xf32>
    %add3A = arith.addf %broadcast_in_dim3A, %log3A : vector<1000x1xf32>
    %squeeze3A = vector.shape_cast %add3A : vector<1000x1xf32> to vector<1000xf32>
    %swap3A = arith.constant 0 : index
    %swap3A_6 = vector.load %arg1[%swap3A] : memref<1000xf32, #tpu.memory_space<vmem>>, vector<1000xf32>
    tpu.vector_store %arg1[%swap3A], %squeeze3A {strides = array<i32>} : memref<1000xf32, #tpu.memory_space<vmem>>, vector<1000xf32>,
    return
  }
}

module attributes {stable_mosaic.version = 14 : i64} {
  func.func @_split_body(%arg0: i32, %arg1: i32, %arg2: memref<8x2048x128xf32, #tpu.memory_space<vmem>>, %arg3: memref<1x1000x2048xf32, #tpu.memory_space<vmem>>) attributes {dimension_semantics = [#tpu.dimension_semantics<arbitrary>, #tpu.dimension_semantics<arbitrary>], iteration_bounds = array<i64: 50, 2>, scalar_prefetch = 0 : i64, scratch_operands = 0 : i64, tpu.core_type = #tpu.core_type<tc>, window_params = [{transform_indices = @transform_0, window_bounds = array<i64: 8, 2048, 128>}, {transform_indices = @transform_1, window_bounds = array<i64: 1, 1000, 2048>}]} {
    %get3A = arith.constant 0 : index
    %get3A_0 = arith.constant 0 : index
    %get3A_1 = arith.constant 0 : index
    %get3A_2 = vector.load %arg2[%get3A, %get3A_0, %get3A_1] : memref<8x2048x128xf32, #tpu.memory_space<vmem>>, vector<8x2048x128xf32>
    %slice3A = vector.extract_strided_slice %get3A_2 {offsets = [0, 0, 0], sizes = [1, 2048, 128], strides = [1, 1, 1]} : vector<8x2048x128xf32> to vector<1x2048x128xf32>
    %squeeze3A = vector.shape_cast %slice3A : vector<1x2048x128xf32> to vector<2048x128xf32>
    %transpose3A = tpu.transpose %squeeze3A, [1, 0] : vector<2048x128xf32> -> vector<128x2048xf32>
    %swap3A = arith.constant 0 : index
    %swap3A_3 = arith.constant 0 : index
    %swap3A_4 = arith.constant 0 : index
    %swap3A_5 = vector.load %arg3[%swap3A, %swap3A_3, %swap3A_4] : memref<1x1000x2048xf32, #tpu.memory_space<vmem>>, vector<1x128x2048xf32>
    %swap3A_6 = vector.shape_cast %swap3A_5 : vector<1x128x2048xf32> to vector<128x2048xf32>
    %swap3A_7 = vector.shape_cast %transpose3A : vector<128x2048xf32> to vector<1x128x2048xf32>
    tpu.vector_store %arg3[%swap3A, %swap3A_3, %swap3A_4], %swap3A_7 {strides = array<i32>} : memref<1x1000x2048xf32, #tpu.memory_space<vmem>>, vector<1x128x2048xf32>,
    %slice3A_8 = vector.extract_strided_slice %get3A_2 {offsets = [1, 0, 0], sizes = [1, 2048, 128], strides = [1, 1, 1]} : vector<8x2048x128xf32> to vector<1x2048x128xf32>
    %squeeze3A_9 = vector.shape_cast %slice3A_8 : vector<1x2048x128xf32> to vector<2048x128xf32>
    %transpose3A_10 = tpu.transpose %squeeze3A_9, [1, 0] : vector<2048x128xf32> -> vector<128x2048xf32>
    %swap3A_11 = arith.constant 0 : index
    %swap3A_12 = arith.constant 128 : index
    %swap3A_13 = arith.constant 0 : index
    %swap3A_14 = vector.load %arg3[%swap3A_11, %swap3A_12, %swap3A_13] : memref<1x1000x2048xf32, #tpu.memory_space<vmem>>, vector<1x128x2048xf32>
    %swap3A_15 = vector.shape_cast %swap3A_14 : vector<1x128x2048xf32> to vector<128x2048xf32>
    %swap3A_16 = vector.shape_cast %transpose3A_10 : vector<128x2048xf32> to vector<1x128x2048xf32>
    tpu.vector_store %arg3[%swap3A_11, %swap3A_12, %swap3A_13], %swap3A_16 {strides = array<i32>} : memref<1x1000x2048xf32, #tpu.memory_space<vmem>>, vector<1x128x2048xf32>,
    %slice3A_17 = vector.extract_strided_slice %get3A_2 {offsets = [2, 0, 0], sizes = [1, 2048, 128], strides = [1, 1, 1]} : vector<8x2048x128xf32> to vector<1x2048x128xf32>
    %squeeze3A_18 = vector.shape_cast %slice3A_17 : vector<1x2048x128xf32> to vector<2048x128xf32>
    %transpose3A_19 = tpu.transpose %squeeze3A_18, [1, 0] : vector<2048x128xf32> -> vector<128x2048xf32>
    %swap3A_20 = arith.constant 0 : index
    %swap3A_21 = arith.constant 256 : index
    %swap3A_22 = arith.constant 0 : index
    %swap3A_23 = vector.load %arg3[%swap3A_20, %swap3A_21, %swap3A_22] : memref<1x1000x2048xf32, #tpu.memory_space<vmem>>, vector<1x128x2048xf32>
    %swap3A_24 = vector.shape_cast %swap3A_23 : vector<1x128x2048xf32> to vector<128x2048xf32>
    %swap3A_25 = vector.shape_cast %transpose3A_19 : vector<128x2048xf32> to vector<1x128x2048xf32>
    tpu.vector_store %arg3[%swap3A_20, %swap3A_21, %swap3A_22], %swap3A_25 {strides = array<i32>} : memref<1x1000x2048xf32, #tpu.memory_space<vmem>>, vector<1x128x2048xf32>,
    %slice3A_26 = vector.extract_strided_slice %get3A_2 {offsets = [3, 0, 0], sizes = [1, 2048, 128], strides = [1, 1, 1]} : vector<8x2048x128xf32> to vector<1x2048x128xf32>
    %squeeze3A_27 = vector.shape_cast %slice3A_26 : vector<1x2048x128xf32> to vector<2048x128xf32>
    %transpose3A_28 = tpu.transpose %squeeze3A_27, [1, 0] : vector<2048x128xf32> -> vector<128x2048xf32>
    %swap3A_29 = arith.constant 0 : index
    %swap3A_30 = arith.constant 384 : index
    %swap3A_31 = arith.constant 0 : index
    %swap3A_32 = vector.load %arg3[%swap3A_29, %swap3A_30, %swap3A_31] : memref<1x1000x2048xf32, #tpu.memory_space<vmem>>, vector<1x128x2048xf32>
    %swap3A_33 = vector.shape_cast %swap3A_32 : vector<1x128x2048xf32> to vector<128x2048xf32>
    %swap3A_34 = vector.shape_cast %transpose3A_28 : vector<128x2048xf32> to vector<1x128x2048xf32>
    tpu.vector_store %arg3[%swap3A_29, %swap3A_30, %swap3A_31], %swap3A_34 {strides = array<i32>} : memref<1x1000x2048xf32, #tpu.memory_space<vmem>>, vector<1x128x2048xf32>,
    %slice3A_35 = vector.extract_strided_slice %get3A_2 {offsets = [4, 0, 0], sizes = [1, 2048, 128], strides = [1, 1, 1]} : vector<8x2048x128xf32> to vector<1x2048x128xf32>
    %squeeze3A_36 = vector.shape_cast %slice3A_35 : vector<1x2048x128xf32> to vector<2048x128xf32>
    %transpose3A_37 = tpu.transpose %squeeze3A_36, [1, 0] : vector<2048x128xf32> -> vector<128x2048xf32>
    %swap3A_38 = arith.constant 0 : index
    %swap3A_39 = arith.constant 512 : index
    %swap3A_40 = arith.constant 0 : index
    %swap3A_41 = vector.load %arg3[%swap3A_38, %swap3A_39, %swap3A_40] : memref<1x1000x2048xf32, #tpu.memory_space<vmem>>, vector<1x128x2048xf32>
    %swap3A_42 = vector.shape_cast %swap3A_41 : vector<1x128x2048xf32> to vector<128x2048xf32>
    %swap3A_43 = vector.shape_cast %transpose3A_37 : vector<128x2048xf32> to vector<1x128x2048xf32>
    tpu.vector_store %arg3[%swap3A_38, %swap3A_39, %swap3A_40], %swap3A_43 {strides = array<i32>} : memref<1x1000x2048xf32, #tpu.memory_space<vmem>>, vector<1x128x2048xf32>,
    %slice3A_44 = vector.extract_strided_slice %get3A_2 {offsets = [5, 0, 0], sizes = [1, 2048, 128], strides = [1, 1, 1]} : vector<8x2048x128xf32> to vector<1x2048x128xf32>
    %squeeze3A_45 = vector.shape_cast %slice3A_44 : vector<1x2048x128xf32> to vector<2048x128xf32>
    %transpose3A_46 = tpu.transpose %squeeze3A_45, [1, 0] : vector<2048x128xf32> -> vector<128x2048xf32>
    %swap3A_47 = arith.constant 0 : index
    %swap3A_48 = arith.constant 640 : index
    %swap3A_49 = arith.constant 0 : index
    %swap3A_50 = vector.load %arg3[%swap3A_47, %swap3A_48, %swap3A_49] : memref<1x1000x2048xf32, #tpu.memory_space<vmem>>, vector<1x128x2048xf32>
    %swap3A_51 = vector.shape_cast %swap3A_50 : vector<1x128x2048xf32> to vector<128x2048xf32>
    %swap3A_52 = vector.shape_cast %transpose3A_46 : vector<128x2048xf32> to vector<1x128x2048xf32>
    tpu.vector_store %arg3[%swap3A_47, %swap3A_48, %swap3A_49], %swap3A_52 {strides = array<i32>} : memref<1x1000x2048xf32, #tpu.memory_space<vmem>>, vector<1x128x2048xf32>,
    %slice3A_53 = vector.extract_strided_slice %get3A_2 {offsets = [6, 0, 0], sizes = [1, 2048, 128], strides = [1, 1, 1]} : vector<8x2048x128xf32> to vector<1x2048x128xf32>
    %squeeze3A_54 = vector.shape_cast %slice3A_53 : vector<1x2048x128xf32> to vector<2048x128xf32>
    %transpose3A_55 = tpu.transpose %squeeze3A_54, [1, 0] : vector<2048x128xf32> -> vector<128x2048xf32>
    %swap3A_56 = arith.constant 0 : index
    %swap3A_57 = arith.constant 768 : index
    %swap3A_58 = arith.constant 0 : index
    %swap3A_59 = vector.load %arg3[%swap3A_56, %swap3A_57, %swap3A_58] : memref<1x1000x2048xf32, #tpu.memory_space<vmem>>, vector<1x128x2048xf32>
    %swap3A_60 = vector.shape_cast %swap3A_59 : vector<1x128x2048xf32> to vector<128x2048xf32>
    %swap3A_61 = vector.shape_cast %transpose3A_55 : vector<128x2048xf32> to vector<1x128x2048xf32>
    tpu.vector_store %arg3[%swap3A_56, %swap3A_57, %swap3A_58], %swap3A_61 {strides = array<i32>} : memref<1x1000x2048xf32, #tpu.memory_space<vmem>>, vector<1x128x2048xf32>,
    %slice3A_62 = vector.extract_strided_slice %get3A_2 {offsets = [7, 0, 0], sizes = [1, 2048, 128], strides = [1, 1, 1]} : vector<8x2048x128xf32> to vector<1x2048x128xf32>
    %squeeze3A_63 = vector.shape_cast %slice3A_62 : vector<1x2048x128xf32> to vector<2048x128xf32>
    %transpose3A_64 = tpu.transpose %squeeze3A_63, [1, 0] : vector<2048x128xf32> -> vector<128x2048xf32>
    %slice3A_65 = vector.extract_strided_slice %transpose3A_64 {offsets = [0, 0], sizes = [104, 2048], strides = [1, 1]} : vector<128x2048xf32> to vector<104x2048xf32>
    %swap3A_66 = arith.constant 0 : index
    %swap3A_67 = arith.constant 896 : index
    %swap3A_68 = arith.constant 0 : index
    %swap3A_69 = vector.load %arg3[%swap3A_66, %swap3A_67, %swap3A_68] : memref<1x1000x2048xf32, #tpu.memory_space<vmem>>, vector<1x104x2048xf32>
    %swap3A_70 = vector.shape_cast %swap3A_69 : vector<1x104x2048xf32> to vector<104x2048xf32>
    %swap3A_71 = vector.shape_cast %slice3A_65 : vector<104x2048xf32> to vector<1x104x2048xf32>
    tpu.vector_store %arg3[%swap3A_66, %swap3A_67, %swap3A_68], %swap3A_71 {strides = array<i32>} : memref<1x1000x2048xf32, #tpu.memory_space<vmem>>, vector<1x104x2048xf32>,
    return
  }
  func.func @transform_0(%arg0: i32, %arg1: i32) -> (i32, i32, i32) {
    %mul3A = arith.constant 2 : i32
    %mul3A_0 = arith.muli %arg0, %mul3A : i32
    %add3A = arith.addi %mul3A_0, %arg1 : i32
    %c0_i32 = arith.constant 0 : i32
    %c0_i32_1 = arith.constant 0 : i32
    %c0_i32_2 = arith.constant 0 : i32
    return %c0_i32, %add3A, %c0_i32_1 : i32, i32, i32
  }
  func.func @transform_1(%arg0: i32, %arg1: i32) -> (i32, i32, i32) {
    %c0_i32 = arith.constant 0 : i32
    %c0_i32_0 = arith.constant 0 : i32
    return %arg0, %c0_i32, %arg1 : i32, i32, i32
  }
}

module attributes {stable_mosaic.version = 14 : i64} {
  func.func @_loss_body(%arg0: memref<32x16xf32, #tpu.memory_space<vmem>>, %arg1: memref<1x1xf32, #tpu.memory_space<vmem>>) attributes {dimension_semantics = [], scalar_prefetch = 0 : i64, scratch_operands = 0 : i64, tpu.core_type = #tpu.core_type<tc>} {
    %get3A = arith.constant 0 : index
    %get3A_0 = arith.constant 0 : index
    %get3A_1 = vector.load %arg0[%get3A, %get3A_0] : memref<32x16xf32, #tpu.memory_space<vmem>>, vector<32x16xf32>
    %reduce_sum3A = vector.shape_cast %get3A_1 : vector<32x16xf32> to vector<1x32x16xf32>
    %reduce_sum3A_2 = arith.constant dense<0.000000e+00> : vector<1xf32>
    %reduce_sum3A_3 = vector.multi_reduction <add>, %reduce_sum3A, %reduce_sum3A_2 [1, 2] : vector<1x32x16xf32> to vector<1xf32>
    %reduce_sum3A_4 = vector.shape_cast %reduce_sum3A_3 : vector<1xf32> to vector<1x1x1xf32>
    %reduce_sum3A_5 = vector.extract %reduce_sum3A_4[0, 0, 0] : f32 from vector<1x1x1xf32>
    %broadcast_in_dim3A = vector.broadcast %reduce_sum3A_5 : f32 to vector<1x1xf32>
    %div3A = arith.constant 2.048000e+05 : f32
    %div3A_6 = vector.broadcast %div3A : f32 to vector<1x1xf32>
    %div3A_7 = arith.divf %broadcast_in_dim3A, %div3A_6 : vector<1x1xf32>
    %swap3A = arith.constant 0 : index
    %swap3A_8 = arith.constant 0 : index
    %swap3A_9 = vector.load %arg1[%swap3A, %swap3A_8] : memref<1x1xf32, #tpu.memory_space<vmem>>, vector<1x1xf32>
    tpu.vector_store %arg1[%swap3A, %swap3A_8], %div3A_7 {strides = array<i32>} : memref<1x1xf32, #tpu.memory_space<vmem>>, vector<1x1xf32>,
    return
  }
}

</mosaic_0001>

<sc_bundles>
// kernel: kernel.6.cloned.1.call-start
scs
__scs_entry_jumppad:
0x0: {  	(pc) =	sbr.rel $0x88, $3  }
0x1: {  	(tag) =	ssettag $0x0;
	lr =	simm.s32 $0x1  }
0x2: {  	[smem:$0x3F9E] =	sst lr;
	_ =	strace $0xD0000000  }
0x3: {  	_ = 	snop  }
0x4: {  	_ = 	snop  }
0x5: {  	_ = 	snop  }
0x6: {  	_ = 	snop  }
0x7: {  	_ = 	snop  }
__scs_overlays_trampoline_lowered:
0x8: {  	[smem:$0x3FAD] =	sst s0  }
0x9: {  	[smem:$0x3FAE] =	sst s1  }
0xa: {  	[smem:$0x3FAF] =	sst s2  }
0xb: {  	[smem:$0x3FB0] =	sst s3  }
0xc: {  	[smem:$0x3FB1] =	sst s4  }
0xd: {  	[smem:$0x3FB2] =	sst s5  }
0xe: {  	[smem:$0x3FB3] =	sst s6  }
0xf: {  	[smem:$0x3FB4] =	sst s7  }
0x10: {  	[smem:$0x3FB5] =	sst s8  }
0x11: {  	[smem:$0x3FB6] =	sst s9;
	s0 =	simm.s32 @!p0 $0x0  }
0x12: {  	s1 =	sld [smem:$0x3F9C];
	s0 =	simm.s32 @p0 $0x1  }
0x13: {  	[smem:$0x3FB7] =	sst s0;
	s0 =	simm.s32 @!p1 $0x0  }
0x14: {  	s2 =	sld [smem:$0x3F9B];
	s0 =	simm.s32 @p1 $0x1  }
0x15: {  	[smem:$0x3FB8] =	sst s0;
	s0 =	simm.s32 @!p2 $0x0  }
0x16: {  	s3 =	sld [smem:$0x3FDB];
	s0 =	simm.s32 @p2 $0x1  }
0x17: {  	s4 =	simm.s32 $0x1BF5;
	[smem:$0x3FBA] =	sst s0  }
0x18: {  	s0 =	sld [smem:$0x3F9D];
	_ =	swait.ge [sflag:s4], $0x0  }
0x19: {  	s7 =	sld [smem:$0x3F9E]  }
0x1a: {  	s8 =	sadd.s32 $0xFFFFE003, lr  }
0x1b: {  	s9 =	sadd.s32 $0xFFFFFEF7, lr;
	s5 =	simm.s32 $0xFFFFFFFF;
	p2 =	slt.u32 s8, $0xFFFFF086  }
0x1c: {  	p1 =	slt.u32 s9, $0xF7A;
	s5 =	simm.s32 @!p2 $0x0  }
0x1d: {  	s5 =	simm.s32 @p1 $0x1;
	p0 =	seq.s32 s7, s2  }
0x1e: {  	s7 =	smul.u32 @!p0 $0xF7A, s2;
	p2 =	seq.s32 @!p0 s5, $0x0  }
0x1f: {  	s9 =	smul.u32 $0xF7A, s1;
	s8 =	simm.s32 @!p0 $0x1BF5;
	p2 =	por !p2, p0  }
0x20: {  	[sflag:s8] =	ssyncset.s32 @!p0 $0xFFFFF086;
	s6 =	sadd.s32 @!p0 s3, s7;
	s7 =	simm.s32 @!p0 $0x108  }
0x21: {  	s3 =	sadd.s32 s3, s9;
	s6 =	sadd.s32 @!p0 $0x88, s6;
	s7 =	simm.s32 @p2 $0x1082  }
0x22: {  	[simem:s7], [sflag:s8] =	dma.local @!p0 [hbm:s6], $0xF7A  }
0x23: {  	s9 =	sor.u32 $0xD0000000, s2;
	s6 =	simm.s32 $0x108;
	_ =	swait.ge @!p0 [sflag:s8], $0x0  }
0x24: {  	s3 =	sadd.s32 $0x88, s3;
	s6 =	simm.s32 @!p1 $0x1082;
	[sflag:s4] =	ssyncset.s32 $0xFFFFF086  }
0x25: {  	[simem:s6], [sflag:s4] =	dma.local [hbm:s3], $0xF7A  }
0x26: {  	[smem:$0x3F9E] =	sst s1;
	(tag) =	ssettag s2;
	_ =	strace s9  }
0x27: {  	s1 =	sld [smem:$0x3FAE]  }
0x28: {  	s2 =	sld [smem:$0x3FAF]  }
0x29: {  	s4 =	sld [smem:$0x3FB1]  }
0x2a: {  	p0 =	seq.s32 s5, $0x0;
	s5 =	sld [smem:$0x3FB2]  }
0x2b: {  	s6 =	sld [smem:$0x3FB3]  }
0x2c: {  	s7 =	sld [smem:$0x3FB4]  }
0x2d: {  	s3 =	simm.s32 $0x108;
	s8 =	sld [smem:$0x3FB5]  }
0x2e: {  	s3 =	simm.s32 @!p0 $0x1082;
	s9 =	sld [smem:$0x3FB6]  }
0x2f: {  	lr =	sadd.s32 s0, s3;
	s0 =	sld [smem:$0x3FAD]  }
0x30: {  	s3 =	sld [smem:$0x3FB0]  }
0x31: {  	[smem:$0x3FB9] =	sst s10  }
0x32: {  	s10 =	sld [smem:$0x3FB7];
	_ =	sdelay $0x3  }
0x33: {  	p0 =	seq.s32 s10, $0x1;
	s10 =	sld [smem:$0x3FB9];
	_ =	sdelay $0x3  }
0x34: {  	[smem:$0x3FB9] =	sst s10  }
0x35: {  	s10 =	sld [smem:$0x3FB8];
	_ =	sdelay $0x3  }
0x36: {  	p1 =	seq.s32 s10, $0x1;
	s10 =	sld [smem:$0x3FB9];
	_ =	sdelay $0x3  }
0x37: {  	[smem:$0x3FB9] =	sst s10  }
0x38: {  	s10 =	sld [smem:$0x3FBA]  }
0x39: {  	_ = 	snop;
	(pc) =	sbr.ind lr, $3  }
0x3a: {  	_ = 	snop  }
0x3b: {  	_ = 	snop  }
0x3c: {  	p2 =	seq.s32 s10, $0x1;
	s10 =	sld [smem:$0x3FB9]  }
0x3d: {  	_ =	shalt  }
0x3e: {  	_ =	shalt  }
0x3f: {  	_ =	shalt  }
0x40: {  	_ =	shalt  }
0x41: {  	_ =	shalt  }
0x42: {  	_ =	shalt  }
0x43: {  	_ =	shalt  }
0x44: {  	_ =	shalt  }
0x45: {  	_ =	shalt  }
0x46: {  	_ =	shalt  }
0x47: {  	_ =	shalt  }
0x48: {  	_ =	shalt  }
0x49: {  	_ =	shalt  }
0x4a: {  	_ =	shalt  }
0x4b: {  	_ =	shalt  }
0x4c: {  	_ =	shalt  }
0x4d: {  	_ =	shalt  }
0x4e: {  	_ =	shalt  }
0x4f: {  	_ =	shalt  }
0x50: {  	_ =	shalt  }
0x51: {  	_ =	shalt  }
0x52: {  	_ =	shalt  }
0x53: {  	_ =	shalt  }
0x54: {  	_ =	shalt  }
0x55: {  	_ =	shalt  }
0x56: {  	_ =	shalt  }
0x57: {  	_ =	shalt  }
0x58: {  	_ =	shalt  }
0x59: {  	_ =	shalt  }
0x5a: {  	_ =	shalt  }
0x5b: {  	_ =	shalt  }
0x5c: {  	_ =	shalt  }
0x5d: {  	_ =	shalt  }
0x5e: {  	_ =	shalt  }
0x5f: {  	_ =	shalt  }
0x60: {  	_ =	shalt  }
0x61: {  	_ =	shalt  }
0x62: {  	_ =	shalt  }
0x63: {  	_ =	shalt  }
0x64: {  	_ =	shalt  }
0x65: {  	_ =	shalt  }
0x66: {  	_ =	shalt  }
0x67: {  	_ =	shalt  }
0x68: {  	_ =	shalt  }
0x69: {  	_ =	shalt  }
0x6a: {  	_ =	shalt  }
0x6b: {  	_ =	shalt  }
0x6c: {  	_ =	shalt  }
0x6d: {  	_ =	shalt  }
0x6e: {  	_ =	shalt  }
0x6f: {  	_ =	shalt  }
0x70: {  	_ =	shalt  }
0x71: {  	_ =	shalt  }
0x72: {  	_ =	shalt  }
0x73: {  	_ =	shalt  }
0x74: {  	_ =	shalt  }
0x75: {  	_ =	shalt  }
0x76: {  	_ =	shalt  }
0x77: {  	_ =	shalt  }
0x78: {  	_ =	shalt  }
0x79: {  	_ =	shalt  }
0x7a: {  	_ =	shalt  }
0x7b: {  	_ =	shalt  }
0x7c: {  	_ =	shalt  }
0x7d: {  	_ =	shalt  }
0x7e: {  	_ =	shalt  }
0x7f: {  	_ =	shalt  }
0x80: {  	_ =	shalt  }
0x81: {  	_ =	shalt  }
0x82: {  	_ =	shalt  }
0x83: {  	_ =	shalt  }
0x84: {  	_ =	shalt  }
0x85: {  	_ =	shalt  }
0x86: {  	_ =	shalt  }
0x87: {  	_ =	shalt  }
.Lfunc_end0:
.L_simem_size_0:
called_computation_lowered:
.L_overlay_start_0:
0x88: {  	s2 =	sld [smem:$0x3FD9]  }
0x89: {  	s3 =	sld [smem:$0x3FFE];
	_ =	sdelay $0x1  }
0x8a: {  	s1 =	srdreg.scid  }
0x8b: {  	s0 =	sand.u32 $0x1, s1  }
0x8c: {  	s14 =	sshll.u32 s0, $0xA;
	s2 =	sadd.s32 s3, s2  }
0x8d: {  	s2 =	sadd.s32 s2, s14  }
0x8e: {  	[smem:$0x3FC5] =	sst s2  }
0x8f: {  	_ = 	snop  }
0x90: {  	s2 =	sld [smem:$0x3FD0];
	_ =	sdelay $0x2  }
0x91: {  	s15 =	simm.s32 $0xA;
	s4 =	simm.s32 $0x10  }
0x92: {  	[smem:s4], [sflag:s15] =	dma.local [hbm:s2], $0x1  }
0x93: {  	_ =	swait.eq [sflag:s15], $0x1  }
0x94: {  	[sflag:s15] =	ssyncset.done $0x0  }
0x95: {  	[sflag:s15] =	ssyncadd.s32 $0xFFFFFFFF  }
0x96: {  	s16 =	sld [smem:$0x10];
	(tm) =	ssettm $0x1  }
0x97: {  	s17 =	sld [smem:$0x3FFB];
	_ =	sdelay $0x3  }
0x98: {  	_ =	strace s17  }
0x99: {  	s3 =	sld [smem:$0x3FFC];
	_ =	sdelay $0x3  }
0x9a: {  	_ =	strace s3  }
0x9b: {  	s3 =	sld [smem:$0x3FFD];
	_ =	sdelay $0x3  }
0x9c: {  	_ =	strace s3  }
0x9d: {  	_ =	strace $0x8FFFFFFF  }
0x9e: {  	s18 =	sld [smem:$0x3FDB];
	_ =	sdelay $0x1  }
0x9f: {  	s19 =	simm.s32 $_scs_section_size  }
0xa0: {  	s5 =	simm.s32 $_size__tile_overlayer_lowered;
	s6 =	simm.s32 $_tile_overlayer_lowered  }
0xa1: {  	s22 =	simm.s32 $0x1BFF;
	s21 =	sshll.u32 s6, $0x1;
	s3 =	sadd.s32 s19, s18  }
0xa2: {  	s7 =	simm.s32 $0x0;
	s20 =	sshll.u32 s5, $0x1;
	s5 =	sadd.s32 s21, s3  }
0xa3: {  	[timem:s7], [sflag:s22] =	dma.local [hbm:s5], s20  }
0xa4: {  	_ =	swait.ge [sflag:s22], s20  }
0xa5: {  	s4 =	ssub.s32 $0x0, s20;
	[sflag:s22] =	ssyncset.done $0x0  }
0xa6: {  	[sflag:s22] =	ssyncadd.s32 s4;
	_ =	sdelay $0x1  }
0xa7: {  	s23 =	simm.s32 $0x1B8B  }
0xa8: {  	_ =	swait.ge [sflag:s23], $0x1  }
0xa9: {  	[sflag:s23] =	ssyncset.done $0x0  }
0xaa: {  	s25 =	simm.s32 $0x1B8E;
	s24 =	sld [smem:$0x3FFE];
	[sflag:s23] =	ssyncadd.s32 $0xFFFFFFFF  }
0xab: {  	s26 =	simm.s32 $execute0_lowered;
	[smem:$0x3FD2] =	sst s25  }
0xac: {  	s5 =	sshll.u32 s26, $0x1;
	_ =	strace $0x80000046;
	[dreg:$0x1] =	wrdreg $0xFFFFFFFF  }
0xad: {  	s28 =	simm.s32 $_size_execute0_lowered;
	s3 =	sadd.s32 s3, s5;
	[dreg:$0x0] =	wrdreg $0x0  }
0xae: {  	s5 =	sshll.u32 s28, $0x1;
	[dreg:$0x2] =	wrdreg s3  }
0xaf: {  	[dreg:$0x3] =	wrdreg s5  }
0xb0: {  	[dreg:$0x4] =	wrdreg $0xC0  }
0xb1: {  	_ =	task [dreg:s7], $0x5FFFF  }
0xb2: {  	[dreg:$0x1] =	wrdreg $0xFFFFFFFF  }
0xb3: {  	[dreg:$0x0] =	wrdreg $0x60  }
0xb4: {  	[dreg:$0x2] =	wrdreg s16  }
0xb5: {  	[dreg:$0x3] =	wrdreg s24  }
0xb6: {  	[dreg:$0x4] =	wrdreg $0x9  }
0xb7: {  	_ =	task.clear_ibuf [dreg:s7], $0x5FFFF;
	_ =	strace $0x90000046  }
0xb8: {  	s29 =	simm.s32 $0x9;
	_ =	strace $0x80000048  }
0xb9: {  	_ =	swait.ge [sflag:s29], $0x1  }
0xba: {  	[sflag:s29] =	ssyncadd.s32 $0xFFFFFFFF  }
0xbb: {  	_ =	strace $0x90000048  }
0xbc: {  	_ =	sfence  }
0xbd: {  	s30 =	sld [smem:$0x0];
	_ =	sdelay $0x2  }
0xbe: {  	s31 =	sshll.u32 s1, $0xD;
	s1 =	sshrl.u32 s1, $0x2  }
0xbf: {  	s3 =	sand.u32 $0x4000, s31;
	s1 =	sadd.s32 s1, s30  }
0xc0: {  	s0 =	sor.u32 s3, s0;
	s1 =	sshll.u32 s1, $0x11  }
0xc1: {  	s0 =	sor.u32 s1, s0  }
0xc2: {  	s0 =	sadd.s32 $0x8F2B, s0  }
0xc3: {  	[sflag:s0] =	ssyncadd.remote.s32 $0x1  }
0xc4: {  	_ =	sfence.sel $0xFFFF  }
0xc5: {  	[dreg:$0x0] =	wrdreg $0xFFFFFFFF;
	(pc) =	sbr.abs _section_cstart, $3  }
0xc6: {  	[dreg:$0x1] =	wrdreg $0xFFFFFFFF  }
0xc7: {  	_ =	task.clear_ibuf [dreg:s7], $0x2FFFF;
	_ =	strace $0x9FFFFFFF  }
0xc8: {  	(tm) =	ssettm $0x7FFFFFFF  }
0xc9: {  	_ =	shalt  }
tec
execute0_lowered:
.L_overlay_start_1:
0x0: {  	(tag) =	ssettag $0x1  }
0x1: {  	s10 =	rddreg [dreg:$0x0];
	s0 =	srdreg.scid  }
0x2: {  	s2 =	stileid.u32;
	s1 =	rddreg [dreg:$0x1];
	s3 =	simm.s32 $0x0  }
0x3: {  	s31 =	simm.s32 $0x80;
	s0 =	sand.u32 $0x1, s0;
	s2 =	sshll.u32 s2, $0x1  }
0x4: {  	[smem:$0x7FF] =	sst s3;
	s4 =	sadd.s32 $0x14200, s1;
	s21 =	sadd.s32 $0x1400, s1  }
0x5: {  	s22 =	sadd.s32 $0x32C00, s1;
	_ =	strace $0x80000047;
	[dreg:$0x3] =	wrdreg s21  }
0x6: {  	s2 =	sor.u32 s0, s2;
	s0 =	ssub.s32 $0x2, s0;
	[dreg:$0x4] =	wrdreg s22  }
0x7: {  	s5 =	sshll.u32 s2, $0x4;
	s6 =	smul.u32 $0x320, s2;
	s8 =	sshll.u32 s2, $0x1  }
0x8: {  	s23 =	sshll.u32 s2, $0xB;
	s26 =	sshrl.u32 s0, $0x1;
	s2 =	sshll.u32 s2, $0x7  }
0x9: {  	s5 =	sadd.s32 s5, s1;
	s0 =	ssub.s32 s0, s26;
	[dreg:$0x8] =	wrdreg s2  }
0xa: {  	s30 =	sor.u32 $0x20, s2;
	s2 =	simm.s32 $0x0;
	s7 =	sadd.s32 s6, s1  }
0xb: {  	s1 =	sadd.s32 s8, s1;
	s5 =	sadd.s32 $0x1600, s5;
	s8 =	sadd.s32 s22, s23  }
0xc: {  	s0 =	smax.u32 s0, $0x1;
	s6 =	simm.s32 $0x15E00;
	s24 =	sadd.s32 $0xDE00, s7  }
0xd: {  	s25 =	sadd.s32 $0x7A00, s7;
	s11 =	sadd.s32 $0x320000, s8;
	s12 =	sadd.s32 $0x640000, s8  }
0xe: {  	s13 =	sadd.s32 $0x960000, s8;
	s14 =	sadd.s32 $0xC80000, s8;
	s15 =	sadd.s32 $0xFA0000, s8  }
0xf: {  	s16 =	sadd.s32 $0x12C0000, s8;
	s17 =	sadd.s32 $0x15E0000, s8;
	s18 =	sadd.s32 $0x310600, s8  }
0x10: {  	[dreg:$0xb] =	wrdreg s30;
	s19 =	sadd.s32 $0x630600, s8;
	s20 =	sadd.s32 $0x950600, s8  }
0x11: {  	[dreg:$0x5] =	wrdreg s5;
	s21 =	sadd.s32 $0xC70600, s8;
	s23 =	sadd.s32 $0xF90600, s8  }
0x12: {  	s1 =	sadd.s32 $0x1932C00, s1;
	[dreg:$0xa] =	wrdreg s0;
	s26 =	sadd.s32 $0x12B0600, s8  }
0x13: {  	s28 =	sadd.s32 $0x15D0600, s8;
	s29 =	sadd.s32 $0x18F0600, s8;
	[dreg:$0x6] =	wrdreg s24  }
0x14: {  	s5 =	simm.s32 $0x6;
	s0 =	simm.s32 $0x5;
	[dreg:$0x7] =	wrdreg s25  }
0x15: {  	v0 =	vimm.f32 $0.0e+00;
	[dreg:$0x9] =	wrdreg s1;
	s24 =	simm.s32 $0x3;
	s25 =	simm.s32 $0x4  }
.LBB2_1:
0x16: {  	[dreg:$0xc] =	wrdreg s2  }
0x17: {  	s1 =	rddreg [dreg:$0x5];
	s9 =	simm.s32 $0x1000  }
0x18: {  	[tilespmem:s3], [sflag:$0x6] =	stream.strided.gather [hbm4b:s1+s31], $0x1900, s9, s31, $0x38;
	[tilespmem:$0x161F8] =	vst v63  }
0x19: {  	_ =	swait.ge [sflag:s5], $0x1900  }
0x1a: {  	[sflag:s5] =	ssyncset.done $0x0  }
0x1b: {  	s22 =	simm.s32 $0x20;
	s30 =	simm.s32 $0x6400;
	[sflag:s5] =	ssyncadd.s32 $0xFFFFE700  }
0x1c: {  	[tilespmem:s30], [sflag:$0x1] =	stream.indirect.gather [hbm4b:s10+s22], $0x3E8, s3, s22, $0xb8;
	[tilespmem:$0x161F8] =	vst v63  }
0x1d: {  	s7 =	simm.s32 $0x1900;
	s2 =	rddreg [dreg:$0x6]  }
0x1e: {  	[tilespmem:s7], [sflag:$0x6] =	stream.linear.gather [hbm4b:s2+s3], $0x1900, $0x38;
	[tilespmem:$0x161F8] =	vst v63  }
0x1f: {  	_ =	swait.ge [sflag:s5], $0x1900  }
0x20: {  	[sflag:s5] =	ssyncset.done $0x0  }
0x21: {  	s22 =	simm.s32 $0x3200;
	s9 =	rddreg [dreg:$0x7];
	[sflag:s5] =	ssyncadd.s32 $0xFFFFE700  }
0x22: {  	[tilespmem:s22], [sflag:$0x6] =	stream.linear.gather [hbm4b:s9+s3], $0x1900, $0x38;
	[tilespmem:$0x161F8] =	vst v63  }
0x23: {  	_ =	swait.ge [sflag:s5], $0x1900  }
0x24: {  	[sflag:s5] =	ssyncset.done $0x0  }
0x25: {  	s30 =	rddreg [dreg:$0x3];
	[sflag:s5] =	ssyncadd.s32 $0xFFFFE700  }
0x26: {  	[tilespmem:s6], [sflag:$0x6] =	stream.linear.gather [hbm4b:s30+s3], $0x3E8, $0x38;
	[tilespmem:$0x161F8] =	vst v63  }
0x27: {  	_ =	swait.ge [sflag:s5], $0x3E8  }
0x28: {  	[sflag:s5] =	ssyncset.done $0x0  }
0x29: {  	[sflag:s5] =	ssyncadd.s32 $0xFFFFFC18  }
0x2a: {  	s1 =	simm.s32 $0x0;
	[tilespmem:$0x161E8] =	vst v0  }
.LBB2_2:
0x2b: {  	s2 =	sshra.s32 s1, $0x2  }
0x2c: {  	v1 =	vld [tilespmem:s2+$0x1900];
	_ =	sdelay $0x6  }
0x2d: {  	v2 =	vld [tilespmem:$0x161E8]  }
0x2e: {  	v3 =	vld.idx.msk [tilespmem:v1+s6+$0x0], $0xffff;
	_ =	sdelay $0x1  }
0x2f: {  	v4 =	vld [tilespmem:s2+$0x3200]  }
0x30: {  	p0 =	sne.s32 s1, $0x63C0  }
.Ltmp0:
0x31: {  	_ = 	snop;
	(pc) =	sbr.rel @p0 .LBB2_2-.Ltmp0, $3  }
0x32: {  	v1 =	vmul.u32 $0x3E8, v1;
	v2 =	vadd.f32 v3, v2;
	_ =	sdelay $0x1  }
0x33: {  	v1 =	vadd.s32 v4, v1;
	[tilespmem:$0x161E8] =	vst v2  }
0x34: {  	s1 =	sadd.s32 $0x40, s1;
	[tilespmem:s2+$0x1900] =	vst v1  }
0x35: {  	s2 =	simm.s32 $0x200;
	s1 =	simm.s32 $0x4B00;
	s5 =	simm.s32 $0x1900  }
.LBB2_4:
0x36: {  	[tilespmem:s1], [sflag:$0x5] =	stream.indirect.gather [hbm4b:s4+s31], $0x1, s5, s31, $0xb8;
	[tilespmem:$0x161F8] =	vst v63  }
0x37: {  	s1 =	smov.u32 s2;
	p0 =	sne.s32 s2, $0x6200  }
.Ltmp1:
0x38: {  	s2 =	sadd.s32 $0x200, s2;
	(pc) =	sbr.rel @p0 .LBB2_4-.Ltmp1, $3  }
0x39: {  	_ =	sdelay $0x1  }
0x3a: {  	s5 =	sshra.s32 s1, $0x2  }
0x3b: {  	s1 =	sadd.s32 $0x4B00, s5;
	s5 =	sadd.s32 $0x1900, s5  }
0x3c: {  	[tilespmem:s1], [sflag:$0x5] =	stream.indirect.gather [hbm4b:s4+s31], $0x1, s5, s31, $0xb8;
	[tilespmem:$0x161F8] =	vst v63  }
0x3d: {  	s30 =	simm.s32 $0x1  }
0x3e: {  	_ =	swait.ge [sflag:s30], $0x7D00  }
0x3f: {  	s2 =	simm.s32 $0x6400;
	s5 =	simm.s32 $0x10;
	[sflag:s30] =	ssyncset.done $0x0  }
0x40: {  	s7 =	sadd.s32 $0x0, s8;
	s1 =	simm.s32 $0x67E8;
	[sflag:s30] =	ssyncadd.s32 $0xFFFF8300  }
.LBB2_6:
0x41: {  	[hbm4b:s7+s3] =	stream.linear.scatter [tilespmem:s2], [sflag:$0x3], $0x80, $0x38;
	[tilespmem:$0x161F8] =	vst v63  }
0x42: {  	s7 =	smov.u32 s5;
	s2 =	smov.u32 s1;
	p0 =	sne.s32 s5, $0x1F0  }
.Ltmp2:
0x43: {  	s5 =	sadd.s32 $0x10, s5;
	(pc) =	sbr.rel @p0 .LBB2_6-.Ltmp2, $2  }
0x44: {  	_ =	sdelay $0x2  }
0x45: {  	s1 =	sadd.s32 $0x3E8, s1;
	s7 =	sadd.s32 s7, s8  }
0x46: {  	[hbm4b:s7+s3] =	stream.linear.scatter [tilespmem:s2], [sflag:$0x3], $0x80, $0x38;
	[tilespmem:$0x161F8] =	vst v63  }
0x47: {  	s2 =	simm.s32 $0x6480  }
0x48: {  	s5 =	simm.s32 $0x10;
	s7 =	sadd.s32 $0x0, s11;
	s1 =	simm.s32 $0x6868  }
.LBB2_8:
0x49: {  	[hbm4b:s7+s3] =	stream.linear.scatter [tilespmem:s2], [sflag:$0x3], $0x80, $0x38;
	[tilespmem:$0x161F8] =	vst v63  }
0x4a: {  	s7 =	smov.u32 s5;
	s2 =	smov.u32 s1;
	p0 =	sne.s32 s5, $0x1F0  }
.Ltmp3:
0x4b: {  	s5 =	sadd.s32 $0x10, s5;
	(pc) =	sbr.rel @p0 .LBB2_8-.Ltmp3, $2  }
0x4c: {  	_ =	sdelay $0x2  }
0x4d: {  	s1 =	sadd.s32 $0x3E8, s1;
	s7 =	sadd.s32 s7, s11  }
0x4e: {  	[hbm4b:s7+s3] =	stream.linear.scatter [tilespmem:s2], [sflag:$0x3], $0x80, $0x38;
	[tilespmem:$0x161F8] =	vst v63  }
0x4f: {  	s2 =	simm.s32 $0x6500  }
0x50: {  	s5 =	simm.s32 $0x10;
	s7 =	sadd.s32 $0x0, s12;
	s1 =	simm.s32 $0x68E8  }
.LBB2_10:
0x51: {  	[hbm4b:s7+s3] =	stream.linear.scatter [tilespmem:s2], [sflag:$0x3], $0x80, $0x38;
	[tilespmem:$0x161F8] =	vst v63  }
0x52: {  	s7 =	smov.u32 s5;
	s2 =	smov.u32 s1;
	p0 =	sne.s32 s5, $0x1F0  }
.Ltmp4:
0x53: {  	s5 =	sadd.s32 $0x10, s5;
	(pc) =	sbr.rel @p0 .LBB2_10-.Ltmp4, $2  }
0x54: {  	_ =	sdelay $0x2  }
0x55: {  	s1 =	sadd.s32 $0x3E8, s1;
	s7 =	sadd.s32 s7, s12  }
0x56: {  	[hbm4b:s7+s3] =	stream.linear.scatter [tilespmem:s2], [sflag:$0x3], $0x80, $0x38;
	[tilespmem:$0x161F8] =	vst v63  }
0x57: {  	s2 =	simm.s32 $0x6580  }
0x58: {  	s5 =	simm.s32 $0x10;
	s7 =	sadd.s32 $0x0, s13;
	s1 =	simm.s32 $0x6968  }
.LBB2_12:
0x59: {  	[hbm4b:s7+s3] =	stream.linear.scatter [tilespmem:s2], [sflag:$0x3], $0x80, $0x38;
	[tilespmem:$0x161F8] =	vst v63  }
0x5a: {  	s7 =	smov.u32 s5;
	s2 =	smov.u32 s1;
	p0 =	sne.s32 s5, $0x1F0  }
.Ltmp5:
0x5b: {  	s5 =	sadd.s32 $0x10, s5;
	(pc) =	sbr.rel @p0 .LBB2_12-.Ltmp5, $2  }
0x5c: {  	_ =	sdelay $0x2  }
0x5d: {  	s1 =	sadd.s32 $0x3E8, s1;
	s7 =	sadd.s32 s7, s13  }
0x5e: {  	[hbm4b:s7+s3] =	stream.linear.scatter [tilespmem:s2], [sflag:$0x3], $0x80, $0x38;
	[tilespmem:$0x161F8] =	vst v63  }
0x5f: {  	s2 =	simm.s32 $0x6600  }
0x60: {  	s5 =	simm.s32 $0x10;
	s7 =	sadd.s32 $0x0, s14;
	s1 =	simm.s32 $0x69E8  }
.LBB2_14:
0x61: {  	[hbm4b:s7+s3] =	stream.linear.scatter [tilespmem:s2], [sflag:$0x3], $0x80, $0x38;
	[tilespmem:$0x161F8] =	vst v63  }
0x62: {  	s7 =	smov.u32 s5;
	s2 =	smov.u32 s1;
	p0 =	sne.s32 s5, $0x1F0  }
.Ltmp6:
0x63: {  	s5 =	sadd.s32 $0x10, s5;
	(pc) =	sbr.rel @p0 .LBB2_14-.Ltmp6, $2  }
0x64: {  	_ =	sdelay $0x2  }
0x65: {  	s1 =	sadd.s32 $0x3E8, s1;
	s7 =	sadd.s32 s7, s14  }
0x66: {  	[hbm4b:s7+s3] =	stream.linear.scatter [tilespmem:s2], [sflag:$0x3], $0x80, $0x38;
	[tilespmem:$0x161F8] =	vst v63  }
0x67: {  	s2 =	simm.s32 $0x6680  }
0x68: {  	s5 =	simm.s32 $0x10;
	s7 =	sadd.s32 $0x0, s15;
	s1 =	simm.s32 $0x6A68  }
.LBB2_16:
0x69: {  	[hbm4b:s7+s3] =	stream.linear.scatter [tilespmem:s2], [sflag:$0x3], $0x80, $0x38;
	[tilespmem:$0x161F8] =	vst v63  }
0x6a: {  	s7 =	smov.u32 s5;
	s2 =	smov.u32 s1;
	p0 =	sne.s32 s5, $0x1F0  }
.Ltmp7:
0x6b: {  	s5 =	sadd.s32 $0x10, s5;
	(pc) =	sbr.rel @p0 .LBB2_16-.Ltmp7, $2  }
0x6c: {  	_ =	sdelay $0x2  }
0x6d: {  	s1 =	sadd.s32 $0x3E8, s1;
	s7 =	sadd.s32 s7, s15  }
0x6e: {  	[hbm4b:s7+s3] =	stream.linear.scatter [tilespmem:s2], [sflag:$0x3], $0x80, $0x38;
	[tilespmem:$0x161F8] =	vst v63  }
0x6f: {  	s2 =	simm.s32 $0x6700  }
0x70: {  	s5 =	simm.s32 $0x10;
	s7 =	sadd.s32 $0x0, s16;
	s1 =	simm.s32 $0x6AE8  }
.LBB2_18:
0x71: {  	[hbm4b:s7+s3] =	stream.linear.scatter [tilespmem:s2], [sflag:$0x3], $0x80, $0x38;
	[tilespmem:$0x161F8] =	vst v63  }
0x72: {  	s7 =	smov.u32 s5;
	s2 =	smov.u32 s1;
	p0 =	sne.s32 s5, $0x1F0  }
.Ltmp8:
0x73: {  	s5 =	sadd.s32 $0x10, s5;
	(pc) =	sbr.rel @p0 .LBB2_18-.Ltmp8, $2  }
0x74: {  	_ =	sdelay $0x2  }
0x75: {  	s1 =	sadd.s32 $0x3E8, s1;
	s7 =	sadd.s32 s7, s16  }
0x76: {  	[hbm4b:s7+s3] =	stream.linear.scatter [tilespmem:s2], [sflag:$0x3], $0x80, $0x38;
	[tilespmem:$0x161F8] =	vst v63  }
0x77: {  	s2 =	simm.s32 $0x6780  }
0x78: {  	s5 =	simm.s32 $0x10;
	s7 =	sadd.s32 $0x0, s17;
	s1 =	simm.s32 $0x6B68  }
.LBB2_20:
0x79: {  	[hbm4b:s7+s3] =	stream.linear.scatter [tilespmem:s2], [sflag:$0x3], $0x68, $0x38;
	[tilespmem:$0x161F8] =	vst v63  }
0x7a: {  	s7 =	smov.u32 s5;
	s2 =	smov.u32 s1;
	p0 =	sne.s32 s5, $0x1F0  }
.Ltmp9:
0x7b: {  	s5 =	sadd.s32 $0x10, s5;
	(pc) =	sbr.rel @p0 .LBB2_20-.Ltmp9, $2  }
0x7c: {  	_ =	sdelay $0x2  }
0x7d: {  	s1 =	sadd.s32 $0x3E8, s1;
	s7 =	sadd.s32 s7, s17  }
0x7e: {  	[hbm4b:s7+s3] =	stream.linear.scatter [tilespmem:s2], [sflag:$0x3], $0x68, $0x38;
	[tilespmem:$0x161F8] =	vst v63  }
0x7f: {  	s1 =	simm.s32 $0x20;
	s30 =	simm.s32 $0xE100;
	s5 =	simm.s32 $0x0  }
0x80: {  	[tilespmem:s30], [sflag:$0x2] =	stream.indirect.gather [hbm4b:s10+s1], $0x3E8, s1, s1, $0xb8;
	[tilespmem:$0x161F8] =	vst v63  }
.LBB2_22:
0x81: {  	s1 =	sshll.u32 s5, $0xB;
	s2 =	sshll.u32 s5, $0x6;
	s6 =	simm.s32 $0x2  }
0x82: {  	s1 =	sand.u32 $0x3F000, s1;
	s2 =	sand.u32 $0x40, s2;
	_ =	swait.ge [sflag:s6], $0x7D00  }
0x83: {  	s1 =	sor.u32 s1, s2;
	s9 =	rddreg [dreg:$0xb]  }
0x84: {  	s2 =	sor.u32 s9, s1  }
0x85: {  	[sflag:s6] =	ssyncset.done $0x0;
	s22 =	rddreg [dreg:$0x4];
	s1 =	sshll.u32 s2, $0x4  }
0x86: {  	s30 =	simm.s32 $0x10;
	[sflag:s6] =	ssyncadd.s32 $0xFFFF8300;
	s9 =	sadd.s32 s22, s1  }
0x87: {  	s22 =	simm.s32 $0xE100;
	s1 =	simm.s32 $0xE4E8;
	s7 =	sadd.s32 $0x0, s9  }
.LBB2_23:
0x88: {  	[hbm4b:s7+s3] =	stream.linear.scatter [tilespmem:s22], [sflag:$0x4], $0x80, $0x38;
	[tilespmem:$0x161F8] =	vst v63  }
0x89: {  	s7 =	smov.u32 s30;
	s22 =	smov.u32 s1;
	p0 =	sne.s32 s30, $0x1F0  }
.Ltmp10:
0x8a: {  	s30 =	sadd.s32 $0x10, s30;
	(pc) =	sbr.rel @p0 .LBB2_23-.Ltmp10, $2  }
0x8b: {  	_ =	sdelay $0x2  }
0x8c: {  	s1 =	sadd.s32 $0x3E8, s1;
	s7 =	sadd.s32 s7, s9  }
0x8d: {  	[hbm4b:s7+s3] =	stream.linear.scatter [tilespmem:s22], [sflag:$0x4], $0x80, $0x38;
	[tilespmem:$0x161F8] =	vst v63  }
0x8e: {  	s1 =	sshll.u32 s2, $0x7  }
0x8f: {  	s22 =	rddreg [dreg:$0x4];
	s1 =	sshrl.u32 s1, $0x3  }
0x90: {  	s2 =	sadd.s32 s22, s1  }
0x91: {  	s30 =	simm.s32 $0x10;
	s9 =	sadd.s32 $0x320000, s2  }
0x92: {  	s22 =	simm.s32 $0xE180;
	s1 =	simm.s32 $0xE568;
	s7 =	sadd.s32 $0x0, s9  }
.LBB2_25:
0x93: {  	[hbm4b:s7+s3] =	stream.linear.scatter [tilespmem:s22], [sflag:$0x4], $0x80, $0x38;
	[tilespmem:$0x161F8] =	vst v63  }
0x94: {  	s7 =	smov.u32 s30;
	s22 =	smov.u32 s1;
	p0 =	sne.s32 s30, $0x1F0  }
.Ltmp11:
0x95: {  	s30 =	sadd.s32 $0x10, s30;
	(pc) =	sbr.rel @p0 .LBB2_25-.Ltmp11, $2  }
0x96: {  	_ =	sdelay $0x2  }
0x97: {  	s1 =	sadd.s32 $0x3E8, s1;
	s7 =	sadd.s32 s7, s9  }
0x98: {  	[hbm4b:s7+s3] =	stream.linear.scatter [tilespmem:s22], [sflag:$0x4], $0x80, $0x38;
	[tilespmem:$0x161F8] =	vst v63  }
0x99: {  	s9 =	sadd.s32 $0x640000, s2;
	s22 =	simm.s32 $0xE200  }
0x9a: {  	s30 =	simm.s32 $0x10;
	s1 =	simm.s32 $0xE5E8;
	s7 =	sadd.s32 $0x0, s9  }
.LBB2_27:
0x9b: {  	[hbm4b:s7+s3] =	stream.linear.scatter [tilespmem:s22], [sflag:$0x4], $0x80, $0x38;
	[tilespmem:$0x161F8] =	vst v63  }
0x9c: {  	s7 =	smov.u32 s30;
	s22 =	smov.u32 s1;
	p0 =	sne.s32 s30, $0x1F0  }
.Ltmp12:
0x9d: {  	s30 =	sadd.s32 $0x10, s30;
	(pc) =	sbr.rel @p0 .LBB2_27-.Ltmp12, $2  }
0x9e: {  	_ =	sdelay $0x2  }
0x9f: {  	s1 =	sadd.s32 $0x3E8, s1;
	s7 =	sadd.s32 s7, s9  }
0xa0: {  	[hbm4b:s7+s3] =	stream.linear.scatter [tilespmem:s22], [sflag:$0x4], $0x80, $0x38;
	[tilespmem:$0x161F8] =	vst v63  }
0xa1: {  	s9 =	sadd.s32 $0x960000, s2;
	s22 =	simm.s32 $0xE280  }
0xa2: {  	s30 =	simm.s32 $0x10;
	s1 =	simm.s32 $0xE668;
	s7 =	sadd.s32 $0x0, s9  }
.LBB2_29:
0xa3: {  	[hbm4b:s7+s3] =	stream.linear.scatter [tilespmem:s22], [sflag:$0x4], $0x80, $0x38;
	[tilespmem:$0x161F8] =	vst v63  }
0xa4: {  	s7 =	smov.u32 s30;
	s22 =	smov.u32 s1;
	p0 =	sne.s32 s30, $0x1F0  }
.Ltmp13:
0xa5: {  	s30 =	sadd.s32 $0x10, s30;
	(pc) =	sbr.rel @p0 .LBB2_29-.Ltmp13, $2  }
0xa6: {  	_ =	sdelay $0x2  }
0xa7: {  	s1 =	sadd.s32 $0x3E8, s1;
	s7 =	sadd.s32 s7, s9  }
0xa8: {  	[hbm4b:s7+s3] =	stream.linear.scatter [tilespmem:s22], [sflag:$0x4], $0x80, $0x38;
	[tilespmem:$0x161F8] =	vst v63  }
0xa9: {  	s9 =	sadd.s32 $0xC80000, s2;
	s22 =	simm.s32 $0xE300  }
0xaa: {  	s30 =	simm.s32 $0x10;
	s1 =	simm.s32 $0xE6E8;
	s7 =	sadd.s32 $0x0, s9  }
.LBB2_31:
0xab: {  	[hbm4b:s7+s3] =	stream.linear.scatter [tilespmem:s22], [sflag:$0x4], $0x80, $0x38;
	[tilespmem:$0x161F8] =	vst v63  }
0xac: {  	s7 =	smov.u32 s30;
	s22 =	smov.u32 s1;
	p0 =	sne.s32 s30, $0x1F0  }
.Ltmp14:
0xad: {  	s30 =	sadd.s32 $0x10, s30;
	(pc) =	sbr.rel @p0 .LBB2_31-.Ltmp14, $2  }
0xae: {  	_ =	sdelay $0x2  }
0xaf: {  	s1 =	sadd.s32 $0x3E8, s1;
	s7 =	sadd.s32 s7, s9  }
0xb0: {  	[hbm4b:s7+s3] =	stream.linear.scatter [tilespmem:s22], [sflag:$0x4], $0x80, $0x38;
	[tilespmem:$0x161F8] =	vst v63  }
0xb1: {  	s9 =	sadd.s32 $0xFA0000, s2;
	s22 =	simm.s32 $0xE380  }
0xb2: {  	s30 =	simm.s32 $0x10;
	s1 =	simm.s32 $0xE768;
	s7 =	sadd.s32 $0x0, s9  }
.LBB2_33:
0xb3: {  	[hbm4b:s7+s3] =	stream.linear.scatter [tilespmem:s22], [sflag:$0x4], $0x80, $0x38;
	[tilespmem:$0x161F8] =	vst v63  }
0xb4: {  	s7 =	smov.u32 s30;
	s22 =	smov.u32 s1;
	p0 =	sne.s32 s30, $0x1F0  }
.Ltmp15:
0xb5: {  	s30 =	sadd.s32 $0x10, s30;
	(pc) =	sbr.rel @p0 .LBB2_33-.Ltmp15, $2  }
0xb6: {  	_ =	sdelay $0x2  }
0xb7: {  	s1 =	sadd.s32 $0x3E8, s1;
	s7 =	sadd.s32 s7, s9  }
0xb8: {  	[hbm4b:s7+s3] =	stream.linear.scatter [tilespmem:s22], [sflag:$0x4], $0x80, $0x38;
	[tilespmem:$0x161F8] =	vst v63  }
0xb9: {  	s9 =	sadd.s32 $0x12C0000, s2;
	s22 =	simm.s32 $0xE400  }
0xba: {  	s30 =	simm.s32 $0x10;
	s1 =	simm.s32 $0xE7E8;
	s7 =	sadd.s32 $0x0, s9  }
.LBB2_35:
0xbb: {  	[hbm4b:s7+s3] =	stream.linear.scatter [tilespmem:s22], [sflag:$0x4], $0x80, $0x38;
	[tilespmem:$0x161F8] =	vst v63  }
0xbc: {  	s7 =	smov.u32 s30;
	s22 =	smov.u32 s1;
	p0 =	sne.s32 s30, $0x1F0  }
.Ltmp16:
0xbd: {  	s30 =	sadd.s32 $0x10, s30;
	(pc) =	sbr.rel @p0 .LBB2_35-.Ltmp16, $2  }
0xbe: {  	_ =	sdelay $0x2  }
0xbf: {  	s1 =	sadd.s32 $0x3E8, s1;
	s7 =	sadd.s32 s7, s9  }
0xc0: {  	[hbm4b:s7+s3] =	stream.linear.scatter [tilespmem:s22], [sflag:$0x4], $0x80, $0x38;
	[tilespmem:$0x161F8] =	vst v63  }
0xc1: {  	s2 =	sadd.s32 $0x15E0000, s2;
	s9 =	simm.s32 $0xE480  }
0xc2: {  	s22 =	simm.s32 $0x10;
	s1 =	simm.s32 $0xE868;
	s7 =	sadd.s32 $0x0, s2  }
.LBB2_37:
0xc3: {  	[hbm4b:s7+s3] =	stream.linear.scatter [tilespmem:s9], [sflag:$0x4], $0x68, $0x38;
	[tilespmem:$0x161F8] =	vst v63  }
0xc4: {  	s7 =	smov.u32 s22;
	s9 =	smov.u32 s1;
	p0 =	sne.s32 s22, $0x1F0  }
.Ltmp17:
0xc5: {  	s22 =	sadd.s32 $0x10, s22;
	(pc) =	sbr.rel @p0 .LBB2_37-.Ltmp17, $2  }
0xc6: {  	_ =	sdelay $0x2  }
0xc7: {  	s1 =	sadd.s32 $0x3E8, s1;
	s7 =	sadd.s32 s7, s2  }
0xc8: {  	[hbm4b:s7+s3] =	stream.linear.scatter [tilespmem:s9], [sflag:$0x4], $0x68, $0x38;
	[tilespmem:$0x161F8] =	vst v63  }
0xc9: {  	_ =	swait.ge [sflag:s24], $0x1000  }
0xca: {  	[sflag:s24] =	ssyncset.done $0x0  }
0xcb: {  	[sflag:s24] =	ssyncadd.s32 $0xFFFFF000  }
0xcc: {  	_ =	swait.ge [sflag:s24], $0x1000  }
0xcd: {  	[sflag:s24] =	ssyncset.done $0x0  }
0xce: {  	[sflag:s24] =	ssyncadd.s32 $0xFFFFF000  }
0xcf: {  	_ =	swait.ge [sflag:s24], $0x1000  }
0xd0: {  	[sflag:s24] =	ssyncset.done $0x0  }
0xd1: {  	[sflag:s24] =	ssyncadd.s32 $0xFFFFF000  }
0xd2: {  	_ =	swait.ge [sflag:s24], $0x1000  }
0xd3: {  	[sflag:s24] =	ssyncset.done $0x0  }
0xd4: {  	[sflag:s24] =	ssyncadd.s32 $0xFFFFF000  }
0xd5: {  	_ =	swait.ge [sflag:s24], $0x1000  }
0xd6: {  	[sflag:s24] =	ssyncset.done $0x0  }
0xd7: {  	[sflag:s24] =	ssyncadd.s32 $0xFFFFF000  }
0xd8: {  	_ =	swait.ge [sflag:s24], $0x1000  }
0xd9: {  	[sflag:s24] =	ssyncset.done $0x0  }
0xda: {  	[sflag:s24] =	ssyncadd.s32 $0xFFFFF000  }
0xdb: {  	_ =	swait.ge [sflag:s24], $0x1000  }
0xdc: {  	[sflag:s24] =	ssyncset.done $0x0  }
0xdd: {  	s9 =	sshll.u32 s5, $0x1;
	[sflag:s24] =	ssyncadd.s32 $0xFFFFF000  }
0xde: {  	s22 =	simm.s32 $0x6400;
	s1 =	sadd.s32 $0x2, s9;
	_ =	swait.ge [sflag:s24], $0xD00  }
0xdf: {  	s30 =	simm.s32 $0x20;
	s2 =	sshll.u32 s1, $0x5;
	[sflag:s24] =	ssyncset.done $0x0  }
0xe0: {  	s1 =	sshll.u32 s1, $0xA;
	s7 =	sand.u32 $0x3FFFFFC0, s2;
	[sflag:s24] =	ssyncadd.s32 $0xFFFFF300  }
0xe1: {  	[tilespmem:s22], [sflag:$0x1] =	stream.indirect.gather [hbm4b:s10+s30], $0x3E8, s7, s30, $0xb8;
	[tilespmem:$0x161F8] =	vst v63  }
0xe2: {  	s6 =	smov.u32 s10;
	s1 =	sand.u32 $0xFFFFF000, s1;
	s10 =	rddreg [dreg:$0x8]  }
0xe3: {  	s2 =	sand.u32 $0x40, s2;
	s1 =	sor.u32 s10, s1  }
0xe4: {  	s7 =	simm.s32 $0x1;
	s1 =	sor.u32 s2, s1  }
0xe5: {  	_ =	swait.ge [sflag:s7], $0x7D00;
	s1 =	sshll.u32 s1, $0x7  }
0xe6: {  	s10 =	rddreg [dreg:$0x4];
	s1 =	sshrl.u32 s1, $0x3  }
0xe7: {  	s30 =	simm.s32 $0x10;
	[sflag:s7] =	ssyncset.done $0x0;
	s2 =	sadd.s32 s10, s1  }
0xe8: {  	[sflag:s7] =	ssyncadd.s32 $0xFFFF8300;
	s1 =	simm.s32 $0x67E8;
	s7 =	sadd.s32 $0x0, s2  }
.LBB2_39:
0xe9: {  	[hbm4b:s7+s3] =	stream.linear.scatter [tilespmem:s22], [sflag:$0x3], $0x80, $0x38;
	[tilespmem:$0x161F8] =	vst v63  }
0xea: {  	s7 =	smov.u32 s30;
	s22 =	smov.u32 s1;
	p0 =	sne.s32 s30, $0x1F0  }
.Ltmp18:
0xeb: {  	s30 =	sadd.s32 $0x10, s30;
	(pc) =	sbr.rel @p0 .LBB2_39-.Ltmp18, $2  }
0xec: {  	_ =	sdelay $0x2  }
0xed: {  	s1 =	sadd.s32 $0x3E8, s1;
	s7 =	sadd.s32 s7, s2  }
0xee: {  	[hbm4b:s7+s3] =	stream.linear.scatter [tilespmem:s22], [sflag:$0x3], $0x80, $0x38;
	[tilespmem:$0x161F8] =	vst v63  }
0xef: {  	s22 =	sadd.s32 $0x320000, s2;
	s30 =	simm.s32 $0x6480  }
0xf0: {  	s1 =	simm.s32 $0x10;
	s7 =	simm.s32 $0x6868;
	s10 =	sadd.s32 $0x0, s22  }
.LBB2_41:
0xf1: {  	[hbm4b:s10+s3] =	stream.linear.scatter [tilespmem:s30], [sflag:$0x3], $0x80, $0x38;
	[tilespmem:$0x161F8] =	vst v63  }
0xf2: {  	s10 =	smov.u32 s1;
	s30 =	smov.u32 s7;
	p0 =	sne.s32 s1, $0x1F0  }
.Ltmp19:
0xf3: {  	s1 =	sadd.s32 $0x10, s1;
	(pc) =	sbr.rel @p0 .LBB2_41-.Ltmp19, $2  }
0xf4: {  	_ =	sdelay $0x2  }
0xf5: {  	s7 =	sadd.s32 $0x3E8, s7;
	s10 =	sadd.s32 s10, s22  }
0xf6: {  	[hbm4b:s10+s3] =	stream.linear.scatter [tilespmem:s30], [sflag:$0x3], $0x80, $0x38;
	[tilespmem:$0x161F8] =	vst v63  }
0xf7: {  	s22 =	sadd.s32 $0x640000, s2;
	s30 =	simm.s32 $0x6500  }
0xf8: {  	s1 =	simm.s32 $0x10;
	s7 =	simm.s32 $0x68E8;
	s10 =	sadd.s32 $0x0, s22  }
.LBB2_43:
0xf9: {  	[hbm4b:s10+s3] =	stream.linear.scatter [tilespmem:s30], [sflag:$0x3], $0x80, $0x38;
	[tilespmem:$0x161F8] =	vst v63  }
0xfa: {  	s10 =	smov.u32 s1;
	s30 =	smov.u32 s7;
	p0 =	sne.s32 s1, $0x1F0  }
.Ltmp20:
0xfb: {  	s1 =	sadd.s32 $0x10, s1;
	(pc) =	sbr.rel @p0 .LBB2_43-.Ltmp20, $2  }
0xfc: {  	_ =	sdelay $0x2  }
0xfd: {  	s7 =	sadd.s32 $0x3E8, s7;
	s10 =	sadd.s32 s10, s22  }
0xfe: {  	[hbm4b:s10+s3] =	stream.linear.scatter [tilespmem:s30], [sflag:$0x3], $0x80, $0x38;
	[tilespmem:$0x161F8] =	vst v63  }
0xff: {  	s22 =	sadd.s32 $0x960000, s2;
	s30 =	simm.s32 $0x6580  }
0x100: {  	s1 =	simm.s32 $0x10;
	s7 =	simm.s32 $0x6968;
	s10 =	sadd.s32 $0x0, s22  }
.LBB2_45:
0x101: {  	[hbm4b:s10+s3] =	stream.linear.scatter [tilespmem:s30], [sflag:$0x3], $0x80, $0x38;
	[tilespmem:$0x161F8] =	vst v63  }
0x102: {  	s10 =	smov.u32 s1;
	s30 =	smov.u32 s7;
	p0 =	sne.s32 s1, $0x1F0  }
.Ltmp21:
0x103: {  	s1 =	sadd.s32 $0x10, s1;
	(pc) =	sbr.rel @p0 .LBB2_45-.Ltmp21, $2  }
0x104: {  	_ =	sdelay $0x2  }
0x105: {  	s7 =	sadd.s32 $0x3E8, s7;
	s10 =	sadd.s32 s10, s22  }
0x106: {  	[hbm4b:s10+s3] =	stream.linear.scatter [tilespmem:s30], [sflag:$0x3], $0x80, $0x38;
	[tilespmem:$0x161F8] =	vst v63  }
0x107: {  	s22 =	sadd.s32 $0xC80000, s2;
	s30 =	simm.s32 $0x6600  }
0x108: {  	s1 =	simm.s32 $0x10;
	s7 =	simm.s32 $0x69E8;
	s10 =	sadd.s32 $0x0, s22  }
.LBB2_47:
0x109: {  	[hbm4b:s10+s3] =	stream.linear.scatter [tilespmem:s30], [sflag:$0x3], $0x80, $0x38;
	[tilespmem:$0x161F8] =	vst v63  }
0x10a: {  	s10 =	smov.u32 s1;
	s30 =	smov.u32 s7;
	p0 =	sne.s32 s1, $0x1F0  }
.Ltmp22:
0x10b: {  	s1 =	sadd.s32 $0x10, s1;
	(pc) =	sbr.rel @p0 .LBB2_47-.Ltmp22, $2  }
0x10c: {  	_ =	sdelay $0x2  }
0x10d: {  	s7 =	sadd.s32 $0x3E8, s7;
	s10 =	sadd.s32 s10, s22  }
0x10e: {  	[hbm4b:s10+s3] =	stream.linear.scatter [tilespmem:s30], [sflag:$0x3], $0x80, $0x38;
	[tilespmem:$0x161F8] =	vst v63  }
0x10f: {  	s22 =	sadd.s32 $0xFA0000, s2;
	s30 =	simm.s32 $0x6680  }
0x110: {  	s1 =	simm.s32 $0x10;
	s7 =	simm.s32 $0x6A68;
	s10 =	sadd.s32 $0x0, s22  }
.LBB2_49:
0x111: {  	[hbm4b:s10+s3] =	stream.linear.scatter [tilespmem:s30], [sflag:$0x3], $0x80, $0x38;
	[tilespmem:$0x161F8] =	vst v63  }
0x112: {  	s10 =	smov.u32 s1;
	s30 =	smov.u32 s7;
	p0 =	sne.s32 s1, $0x1F0  }
.Ltmp23:
0x113: {  	s1 =	sadd.s32 $0x10, s1;
	(pc) =	sbr.rel @p0 .LBB2_49-.Ltmp23, $2  }
0x114: {  	_ =	sdelay $0x2  }
0x115: {  	s7 =	sadd.s32 $0x3E8, s7;
	s10 =	sadd.s32 s10, s22  }
0x116: {  	[hbm4b:s10+s3] =	stream.linear.scatter [tilespmem:s30], [sflag:$0x3], $0x80, $0x38;
	[tilespmem:$0x161F8] =	vst v63  }
0x117: {  	s22 =	sadd.s32 $0x12C0000, s2;
	s30 =	simm.s32 $0x6700  }
0x118: {  	s1 =	simm.s32 $0x10;
	s7 =	simm.s32 $0x6AE8;
	s10 =	sadd.s32 $0x0, s22  }
.LBB2_51:
0x119: {  	[hbm4b:s10+s3] =	stream.linear.scatter [tilespmem:s30], [sflag:$0x3], $0x80, $0x38;
	[tilespmem:$0x161F8] =	vst v63  }
0x11a: {  	s10 =	smov.u32 s1;
	s30 =	smov.u32 s7;
	p0 =	sne.s32 s1, $0x1F0  }
.Ltmp24:
0x11b: {  	s1 =	sadd.s32 $0x10, s1;
	(pc) =	sbr.rel @p0 .LBB2_51-.Ltmp24, $2  }
0x11c: {  	_ =	sdelay $0x2  }
0x11d: {  	s7 =	sadd.s32 $0x3E8, s7;
	s10 =	sadd.s32 s10, s22  }
0x11e: {  	[hbm4b:s10+s3] =	stream.linear.scatter [tilespmem:s30], [sflag:$0x3], $0x80, $0x38;
	[tilespmem:$0x161F8] =	vst v63  }
0x11f: {  	s2 =	sadd.s32 $0x15E0000, s2;
	s22 =	simm.s32 $0x6780  }
0x120: {  	s1 =	simm.s32 $0x10;
	s7 =	simm.s32 $0x6B68;
	s10 =	sadd.s32 $0x0, s2  }
.LBB2_53:
0x121: {  	[hbm4b:s10+s3] =	stream.linear.scatter [tilespmem:s22], [sflag:$0x3], $0x68, $0x38;
	[tilespmem:$0x161F8] =	vst v63  }
0x122: {  	s10 =	smov.u32 s1;
	s22 =	smov.u32 s7;
	p0 =	sne.s32 s1, $0x1F0  }
.Ltmp25:
0x123: {  	s1 =	sadd.s32 $0x10, s1;
	(pc) =	sbr.rel @p0 .LBB2_53-.Ltmp25, $2  }
0x124: {  	_ =	sdelay $0x2  }
0x125: {  	s7 =	sadd.s32 $0x3E8, s7;
	s10 =	sadd.s32 s10, s2  }
0x126: {  	[hbm4b:s10+s3] =	stream.linear.scatter [tilespmem:s22], [sflag:$0x3], $0x68, $0x38;
	[tilespmem:$0x161F8] =	vst v63  }
0x127: {  	_ =	swait.ge [sflag:s25], $0x1000  }
0x128: {  	[sflag:s25] =	ssyncset.done $0x0  }
0x129: {  	[sflag:s25] =	ssyncadd.s32 $0xFFFFF000  }
0x12a: {  	_ =	swait.ge [sflag:s25], $0x1000  }
0x12b: {  	[sflag:s25] =	ssyncset.done $0x0  }
0x12c: {  	[sflag:s25] =	ssyncadd.s32 $0xFFFFF000  }
0x12d: {  	_ =	swait.ge [sflag:s25], $0x1000  }
0x12e: {  	[sflag:s25] =	ssyncset.done $0x0  }
0x12f: {  	[sflag:s25] =	ssyncadd.s32 $0xFFFFF000  }
0x130: {  	_ =	swait.ge [sflag:s25], $0x1000  }
0x131: {  	[sflag:s25] =	ssyncset.done $0x0  }
0x132: {  	[sflag:s25] =	ssyncadd.s32 $0xFFFFF000  }
0x133: {  	_ =	swait.ge [sflag:s25], $0x1000  }
0x134: {  	[sflag:s25] =	ssyncset.done $0x0  }
0x135: {  	[sflag:s25] =	ssyncadd.s32 $0xFFFFF000  }
0x136: {  	_ =	swait.ge [sflag:s25], $0x1000  }
0x137: {  	[sflag:s25] =	ssyncset.done $0x0  }
0x138: {  	[sflag:s25] =	ssyncadd.s32 $0xFFFFF000  }
0x139: {  	s5 =	sadd.s32 $0x1, s5;
	_ =	swait.ge [sflag:s25], $0x1000  }
0x13a: {  	p0 =	sne.s32 s5, $0x63;
	[sflag:s25] =	ssyncset.done $0x0  }
.Ltmp26:
0x13b: {  	[sflag:s25] =	ssyncadd.s32 $0xFFFFF000;
	(pc) =	sbr.rel @p0 .LBB2_22-.Ltmp26, $4  }
0x13c: {  	s1 =	sshll.u32 s9, $0x5;
	s10 =	smov.u32 s6;
	_ =	swait.ge [sflag:s25], $0xD00  }
0x13d: {  	s2 =	simm.s32 $0x20;
	s1 =	sadd.s32 $0x60, s1;
	[sflag:s25] =	ssyncset.done $0x0  }
0x13e: {  	s30 =	simm.s32 $0xE100;
	s1 =	sand.u32 $0x3FE0, s1;
	[sflag:s25] =	ssyncadd.s32 $0xFFFFF300  }
0x13f: {  	[tilespmem:s30], [sflag:$0x2] =	stream.indirect.gather [hbm4b:s10+s2], $0x3E8, s1, s2, $0xb8;
	[tilespmem:$0x161F8] =	vst v63  }
0x140: {  	s1 =	simm.s32 $0x2  }
0x141: {  	_ =	swait.ge [sflag:s1], $0x7D00  }
0x142: {  	s2 =	simm.s32 $0xE100;
	s7 =	sadd.s32 $0x0, s18;
	[sflag:s1] =	ssyncset.done $0x0  }
0x143: {  	s5 =	simm.s32 $0xE4E8;
	[sflag:s1] =	ssyncadd.s32 $0xFFFF8300;
	s1 =	simm.s32 $0x10  }
.LBB2_56:
0x144: {  	[hbm4b:s7+s3] =	stream.linear.scatter [tilespmem:s2], [sflag:$0x4], $0x80, $0x38;
	[tilespmem:$0x161F8] =	vst v63  }
0x145: {  	s7 =	smov.u32 s1;
	s2 =	smov.u32 s5;
	p0 =	sne.s32 s1, $0x1F0  }
.Ltmp27:
0x146: {  	s1 =	sadd.s32 $0x10, s1;
	(pc) =	sbr.rel @p0 .LBB2_56-.Ltmp27, $2  }
0x147: {  	_ =	sdelay $0x2  }
0x148: {  	s5 =	sadd.s32 $0x3E8, s5;
	s7 =	sadd.s32 s7, s18  }
0x149: {  	[hbm4b:s7+s3] =	stream.linear.scatter [tilespmem:s2], [sflag:$0x4], $0x80, $0x38;
	[tilespmem:$0x161F8] =	vst v63  }
0x14a: {  	s2 =	simm.s32 $0xE180  }
0x14b: {  	s1 =	simm.s32 $0x10;
	s7 =	sadd.s32 $0x0, s19;
	s5 =	simm.s32 $0xE568  }
.LBB2_58:
0x14c: {  	[hbm4b:s7+s3] =	stream.linear.scatter [tilespmem:s2], [sflag:$0x4], $0x80, $0x38;
	[tilespmem:$0x161F8] =	vst v63  }
0x14d: {  	s7 =	smov.u32 s1;
	s2 =	smov.u32 s5;
	p0 =	sne.s32 s1, $0x1F0  }
.Ltmp28:
0x14e: {  	s1 =	sadd.s32 $0x10, s1;
	(pc) =	sbr.rel @p0 .LBB2_58-.Ltmp28, $2  }
0x14f: {  	_ =	sdelay $0x2  }
0x150: {  	s5 =	sadd.s32 $0x3E8, s5;
	s7 =	sadd.s32 s7, s19  }
0x151: {  	[hbm4b:s7+s3] =	stream.linear.scatter [tilespmem:s2], [sflag:$0x4], $0x80, $0x38;
	[tilespmem:$0x161F8] =	vst v63  }
0x152: {  	s2 =	simm.s32 $0xE200;
	s1 =	simm.s32 $0x10  }
0x153: {  	s7 =	sadd.s32 $0x0, s20;
	s5 =	simm.s32 $0xE5E8;
	s6 =	simm.s32 $0x15E00  }
.LBB2_60:
0x154: {  	[hbm4b:s7+s3] =	stream.linear.scatter [tilespmem:s2], [sflag:$0x4], $0x80, $0x38;
	[tilespmem:$0x161F8] =	vst v63  }
0x155: {  	s7 =	smov.u32 s1;
	s2 =	smov.u32 s5;
	p0 =	sne.s32 s1, $0x1F0  }
.Ltmp29:
0x156: {  	s1 =	sadd.s32 $0x10, s1;
	(pc) =	sbr.rel @p0 .LBB2_60-.Ltmp29, $2  }
0x157: {  	_ =	sdelay $0x2  }
0x158: {  	s5 =	sadd.s32 $0x3E8, s5;
	s7 =	sadd.s32 s7, s20  }
0x159: {  	[hbm4b:s7+s3] =	stream.linear.scatter [tilespmem:s2], [sflag:$0x4], $0x80, $0x38;
	[tilespmem:$0x161F8] =	vst v63  }
0x15a: {  	s2 =	simm.s32 $0xE280  }
0x15b: {  	s1 =	simm.s32 $0x10;
	s7 =	sadd.s32 $0x0, s21;
	s5 =	simm.s32 $0xE668  }
.LBB2_62:
0x15c: {  	[hbm4b:s7+s3] =	stream.linear.scatter [tilespmem:s2], [sflag:$0x4], $0x80, $0x38;
	[tilespmem:$0x161F8] =	vst v63  }
0x15d: {  	s7 =	smov.u32 s1;
	s2 =	smov.u32 s5;
	p0 =	sne.s32 s1, $0x1F0  }
.Ltmp30:
0x15e: {  	s1 =	sadd.s32 $0x10, s1;
	(pc) =	sbr.rel @p0 .LBB2_62-.Ltmp30, $2  }
0x15f: {  	_ =	sdelay $0x2  }
0x160: {  	s5 =	sadd.s32 $0x3E8, s5;
	s7 =	sadd.s32 s7, s21  }
0x161: {  	[hbm4b:s7+s3] =	stream.linear.scatter [tilespmem:s2], [sflag:$0x4], $0x80, $0x38;
	[tilespmem:$0x161F8] =	vst v63  }
0x162: {  	s2 =	simm.s32 $0xE300  }
0x163: {  	s1 =	simm.s32 $0x10;
	s7 =	sadd.s32 $0x0, s23;
	s5 =	simm.s32 $0xE6E8  }
.LBB2_64:
0x164: {  	[hbm4b:s7+s3] =	stream.linear.scatter [tilespmem:s2], [sflag:$0x4], $0x80, $0x38;
	[tilespmem:$0x161F8] =	vst v63  }
0x165: {  	s7 =	smov.u32 s1;
	s2 =	smov.u32 s5;
	p0 =	sne.s32 s1, $0x1F0  }
.Ltmp31:
0x166: {  	s1 =	sadd.s32 $0x10, s1;
	(pc) =	sbr.rel @p0 .LBB2_64-.Ltmp31, $2  }
0x167: {  	_ =	sdelay $0x2  }
0x168: {  	s5 =	sadd.s32 $0x3E8, s5;
	s7 =	sadd.s32 s7, s23  }
0x169: {  	[hbm4b:s7+s3] =	stream.linear.scatter [tilespmem:s2], [sflag:$0x4], $0x80, $0x38;
	[tilespmem:$0x161F8] =	vst v63  }
0x16a: {  	s2 =	simm.s32 $0xE380  }
0x16b: {  	s1 =	simm.s32 $0x10;
	s7 =	sadd.s32 $0x0, s26;
	s5 =	simm.s32 $0xE768  }
.LBB2_66:
0x16c: {  	[hbm4b:s7+s3] =	stream.linear.scatter [tilespmem:s2], [sflag:$0x4], $0x80, $0x38;
	[tilespmem:$0x161F8] =	vst v63  }
0x16d: {  	s7 =	smov.u32 s1;
	s2 =	smov.u32 s5;
	p0 =	sne.s32 s1, $0x1F0  }
.Ltmp32:
0x16e: {  	s1 =	sadd.s32 $0x10, s1;
	(pc) =	sbr.rel @p0 .LBB2_66-.Ltmp32, $2  }
0x16f: {  	_ =	sdelay $0x2  }
0x170: {  	s5 =	sadd.s32 $0x3E8, s5;
	s7 =	sadd.s32 s7, s26  }
0x171: {  	[hbm4b:s7+s3] =	stream.linear.scatter [tilespmem:s2], [sflag:$0x4], $0x80, $0x38;
	[tilespmem:$0x161F8] =	vst v63  }
0x172: {  	s2 =	simm.s32 $0xE400  }
0x173: {  	s1 =	simm.s32 $0x10;
	s7 =	sadd.s32 $0x0, s28;
	s5 =	simm.s32 $0xE7E8  }
.LBB2_68:
0x174: {  	[hbm4b:s7+s3] =	stream.linear.scatter [tilespmem:s2], [sflag:$0x4], $0x80, $0x38;
	[tilespmem:$0x161F8] =	vst v63  }
0x175: {  	s7 =	smov.u32 s1;
	s2 =	smov.u32 s5;
	p0 =	sne.s32 s1, $0x1F0  }
.Ltmp33:
0x176: {  	s1 =	sadd.s32 $0x10, s1;
	(pc) =	sbr.rel @p0 .LBB2_68-.Ltmp33, $2  }
0x177: {  	_ =	sdelay $0x2  }
0x178: {  	s5 =	sadd.s32 $0x3E8, s5;
	s7 =	sadd.s32 s7, s28  }
0x179: {  	[hbm4b:s7+s3] =	stream.linear.scatter [tilespmem:s2], [sflag:$0x4], $0x80, $0x38;
	[tilespmem:$0x161F8] =	vst v63  }
0x17a: {  	s2 =	simm.s32 $0xE480  }
0x17b: {  	s1 =	simm.s32 $0x10;
	s7 =	sadd.s32 $0x0, s29;
	s5 =	simm.s32 $0xE868  }
.LBB2_70:
0x17c: {  	[hbm4b:s7+s3] =	stream.linear.scatter [tilespmem:s2], [sflag:$0x4], $0x68, $0x38;
	[tilespmem:$0x161F8] =	vst v63  }
0x17d: {  	s7 =	smov.u32 s1;
	s2 =	smov.u32 s5;
	p0 =	sne.s32 s1, $0x1F0  }
.Ltmp34:
0x17e: {  	s1 =	sadd.s32 $0x10, s1;
	(pc) =	sbr.rel @p0 .LBB2_70-.Ltmp34, $2  }
0x17f: {  	_ =	sdelay $0x2  }
0x180: {  	s5 =	sadd.s32 $0x3E8, s5;
	s7 =	sadd.s32 s7, s29  }
0x181: {  	[hbm4b:s7+s3] =	stream.linear.scatter [tilespmem:s2], [sflag:$0x4], $0x68, $0x38;
	[tilespmem:$0x161F8] =	vst v63  }
0x182: {  	_ =	swait.ge [sflag:s24], $0x1000  }
0x183: {  	[sflag:s24] =	ssyncset.done $0x0  }
0x184: {  	[sflag:s24] =	ssyncadd.s32 $0xFFFFF000  }
0x185: {  	_ =	swait.ge [sflag:s24], $0x1000  }
0x186: {  	[sflag:s24] =	ssyncset.done $0x0  }
0x187: {  	[sflag:s24] =	ssyncadd.s32 $0xFFFFF000  }
0x188: {  	_ =	swait.ge [sflag:s24], $0x1000  }
0x189: {  	[sflag:s24] =	ssyncset.done $0x0  }
0x18a: {  	[sflag:s24] =	ssyncadd.s32 $0xFFFFF000  }
0x18b: {  	_ =	swait.ge [sflag:s24], $0x1000  }
0x18c: {  	[sflag:s24] =	ssyncset.done $0x0  }
0x18d: {  	[sflag:s24] =	ssyncadd.s32 $0xFFFFF000  }
0x18e: {  	_ =	swait.ge [sflag:s24], $0x1000  }
0x18f: {  	[sflag:s24] =	ssyncset.done $0x0  }
0x190: {  	[sflag:s24] =	ssyncadd.s32 $0xFFFFF000  }
0x191: {  	_ =	swait.ge [sflag:s24], $0x1000  }
0x192: {  	[sflag:s24] =	ssyncset.done $0x0  }
0x193: {  	[sflag:s24] =	ssyncadd.s32 $0xFFFFF000  }
0x194: {  	_ =	swait.ge [sflag:s24], $0x1000  }
0x195: {  	[sflag:s24] =	ssyncset.done $0x0  }
0x196: {  	[sflag:s24] =	ssyncadd.s32 $0xFFFFF000  }
0x197: {  	_ =	swait.ge [sflag:s24], $0xD00  }
0x198: {  	[sflag:s24] =	ssyncset.done $0x0  }
0x199: {  	[sflag:s24] =	ssyncadd.s32 $0xFFFFF300  }
0x19a: {  	_ =	swait.ge [sflag:s25], $0x1000  }
0x19b: {  	[sflag:s25] =	ssyncset.done $0x0  }
0x19c: {  	[sflag:s25] =	ssyncadd.s32 $0xFFFFF000  }
0x19d: {  	_ =	swait.ge [sflag:s25], $0x1000  }
0x19e: {  	[sflag:s25] =	ssyncset.done $0x0  }
0x19f: {  	[sflag:s25] =	ssyncadd.s32 $0xFFFFF000  }
0x1a0: {  	_ =	swait.ge [sflag:s25], $0x1000  }
0x1a1: {  	[sflag:s25] =	ssyncset.done $0x0  }
0x1a2: {  	[sflag:s25] =	ssyncadd.s32 $0xFFFFF000  }
0x1a3: {  	_ =	swait.ge [sflag:s25], $0x1000  }
0x1a4: {  	[sflag:s25] =	ssyncset.done $0x0  }
0x1a5: {  	[sflag:s25] =	ssyncadd.s32 $0xFFFFF000  }
0x1a6: {  	_ =	swait.ge [sflag:s25], $0x1000  }
0x1a7: {  	[sflag:s25] =	ssyncset.done $0x0  }
0x1a8: {  	[sflag:s25] =	ssyncadd.s32 $0xFFFFF000  }
0x1a9: {  	_ =	swait.ge [sflag:s25], $0x1000  }
0x1aa: {  	[sflag:s25] =	ssyncset.done $0x0  }
0x1ab: {  	[sflag:s25] =	ssyncadd.s32 $0xFFFFF000  }
0x1ac: {  	_ =	swait.ge [sflag:s25], $0x1000  }
0x1ad: {  	[sflag:s25] =	ssyncset.done $0x0  }
0x1ae: {  	[sflag:s25] =	ssyncadd.s32 $0xFFFFF000  }
0x1af: {  	_ =	swait.ge [sflag:s25], $0xD00  }
0x1b0: {  	[sflag:s25] =	ssyncset.done $0x0  }
0x1b1: {  	[sflag:s25] =	ssyncadd.s32 $0xFFFFF300  }
0x1b2: {  	_ =	swait.ge [sflag:s0], $0x80  }
0x1b3: {  	s1 =	simm.s32 $0x31;
	s5 =	simm.s32 $0x6;
	[sflag:s0] =	ssyncset.done $0x0  }
.LBB2_72:
0x1b4: {  	p0 =	seq.s32 s1, $0x1;
	s1 =	sadd.s32 $0xFFFFFFFF, s1;
	[sflag:s0] =	ssyncadd.s32 $0xFFFFFF80  }
.Ltmp35:
0x1b5: {  	(pc) =	sbr.rel @!p0 .LBB2_72-.Ltmp35, $3  }
0x1b6: {  	_ =	sdelay $0x1  }
0x1b7: {  	_ =	swait.ge [sflag:s0], $0x80  }
0x1b8: {  	[sflag:s0] =	ssyncset.done $0x0  }
0x1b9: {  	[sflag:s0] =	ssyncadd.s32 $0xFFFFFF80  }
0x1ba: {  	s2 =	simm.s32 $0x0;
	s1 =	simm.s32 $0x40;
	v1 =	vld [tilespmem:$0x161E8]  }
.LBB2_74:
0x1bb: {  	p0 =	sne.s32 s1, $0x63C0;
	v2 =	vld [tilespmem:s2+$0x4B00];
	_ =	sdelay $0x2  }
.Ltmp36:
0x1bc: {  	(pc) =	sbr.rel @p0 .LBB2_74-.Ltmp36, $3  }
0x1bd: {  	_ = 	snop  }
0x1be: {  	v1 =	vsub.f32 v1, v2;
	_ =	sdelay $0x1  }
0x1bf: {  	s2 =	sshra.s32 s1, $0x2;
	s1 =	sadd.s32 $0x40, s1;
	[tilespmem:$0x161E8] =	vst v1  }
0x1c0: {  	v2 =	vld [tilespmem:s2+$0x4B00];
	_ =	sdelay $0x4  }
0x1c1: {  	v1 =	vsub.f32 v1, v2;
	_ =	sdelay $0x1  }
0x1c2: {  	s1 =	rddreg [dreg:$0x9];
	s9 =	simm.s32 $0x161E8;
	[tilespmem:$0x161E8] =	vst v1  }
0x1c3: {  	[hbm4b:s1+s3] =	stream.linear.scatter [tilespmem:s9], [sflag:$0x6], $0x10, $0x38;
	[tilespmem:$0x161F8] =	vst v63  }
0x1c4: {  	_ =	swait.ge [sflag:s5], $0x10  }
0x1c5: {  	s22 =	rddreg [dreg:$0xc]  }
0x1c6: {  	s30 =	rddreg [dreg:$0xa];
	s2 =	sadd.s32 $0x1, s22  }
0x1c7: {  	p0 =	sne.s32 s2, s30  }
.Ltmp37:
0x1c8: {  	_ = 	snop;
	(pc) =	sbr.rel @p0 .LBB2_1-.Ltmp37, $3  }
0x1c9: {  	_ =	sdelay $0x1  }
0x1ca: {  	[sflag:s5] =	ssyncset.done $0x0  }
0x1cb: {  	[sflag:s5] =	ssyncadd.s32 $0xFFFFFFF0  }
0x1cc: {  	_ =	sfence.sel $0x180000  }
0x1cd: {  	[bflag:$0x0] =	sbarrier.arrive $0xFFFF  }
0x1ce: {  	_ =	strace $0x90000047  }
0x1cf: {  	s0 =	stileid.u32;
	[bflag:$0x2] =	sbarrier.arrive $0xFFFF  }
0x1d0: {  	p0 =	sne.s32 s0, $0x0;
	s0 =	rddreg [dreg:$0x2]  }
0x1d1: {  	s0 =	sadd.s32 @!p0 $0x100000, s0  }
0x1d2: {  	[sflag:s0] =	ssyncadd.tile.s32 @!p0 $0x1;
	_ =	shalt  }
.Lfunc_end2:
_tile_overlayer_lowered:
.L_overlay_start_2:
0x1d3: {  	(tag) =	ssettag $0x2  }
0x1d4: {  	s0 =	rddreg [dreg:$0x0];
	s2 =	stileid.u32  }
0x1d5: {  	s1 =	rddreg [dreg:$0x1];
	p0 =	sne.s32 s2, $0x0  }
0x1d6: {  	s3 =	rddreg [dreg:$0x2];
	[bflag:$0x3] =	sbarrier.arrive $0xFFFF;
	s2 =	simm.s32 @!p0 $0x1C06  }
0x1d7: {  	[timem:s3], [sflag:s2] =	dma.local @!p0 [hbm:s0], s1  }
0x1d8: {  	s0 =	simm.s32 @!p0 $0x6  }
0x1d9: {  	_ =	swait.ge @!p0 [sflag:s0], s1  }
0x1da: {  	s1 =	ssub.s32 @!p0 $0x0, s1;
	[sflag:s0] =	ssyncset.done @!p0 $0x0  }
0x1db: {  	[sflag:s0] =	ssyncadd.s32 @!p0 s1  }
0x1dc: {  	[bflag:$0x3] =	sbarrier.arrive $0xFFFF  }
0x1dd: {  	_ =	shalt  }

</sc_bundles>
